<compile_context>
chip_gen: v7x
topology: tpu7x:2x2x1
jax: 0.10.2.dev20260603
libtpu: 0.0.44.dev20260713+nightly
codegen_flags: <defaults>
</compile_context>

<pallas_src>
import functools

import jax
import jax.numpy as jnp
from jax import lax
from jax.experimental import pallas as pl
from jax.experimental.pallas import tpu as pltpu
from jax.experimental.pallas import tpu_sc as plsc

_B, _N, _M, _K = 4, 2048, 2048, 16
_C = 128
_TQ = 256
_TN1 = 128
_NB = _B * _N // _TN1
_EPS = 1e-5


def _topk_body(base, p1_ref, p2_ref, idx_ref):
    b = pl.program_id(0) + base
    p1 = p1_ref[0]
    p2 = p2_ref[0]
    mm = lax.dot_general(p1, p2, (((0,), (0,)), ((), ())),
                         preferred_element_type=jnp.float32)
    p1sq = jnp.sum(p1 * p1, axis=0)[:, None]
    p2sq = jnp.sum(p2 * p2, axis=0)[None, :]
    d = (-2.0 * mm + p1sq) + p2sq
    iota = lax.broadcasted_iota(jnp.int32, (_TQ, _M), 1)
    js = []
    for k in range(_K):
        j = jnp.argmin(d, axis=1)[:, None]
        js.append(j)
        if k < _K - 1:
            d = jnp.where(iota == j, jnp.inf, d)
    idx = jnp.concatenate(js, axis=1)
    idx_ref[0] = idx + b * _M


def _topk(pos1, pos2, base):
    nb = pos1.shape[0]
    return pl.pallas_call(
        functools.partial(_topk_body, base),
        grid=(nb, _N // _TQ),
        in_specs=[
            pl.BlockSpec((1, 3, _TQ), lambda b, i: (b, 0, i)),
            pl.BlockSpec((1, 3, _M), lambda b, i: (b, 0, 0)),
        ],
        out_specs=pl.BlockSpec((1, _TQ, _K), lambda b, i: (b, i, 0)),
        out_shape=jax.ShapeDtypeStruct((nb, _N, _K), jnp.int32),
    )(pos1, pos2)


def _pretab_body(f2_ref, p2_ref, wf2_ref, wp_ref, g_ref):
    g = lax.dot_general(f2_ref[0], wf2_ref[...], (((0,), (0,)), ((), ())),
                        preferred_element_type=jnp.float32)
    g += lax.dot_general(p2_ref[0], wp_ref[...], (((0,), (0,)), ((), ())),
                         preferred_element_type=jnp.float32)
    g_ref[...] = g


def _pretab(feature2, pos2, wf2, wp3):
    return pl.pallas_call(
        _pretab_body,
        grid=(_B,),
        in_specs=[
            pl.BlockSpec((1, _C, _M), lambda b: (b, 0, 0)),
            pl.BlockSpec((1, 3, _M), lambda b: (b, 0, 0)),
            pl.BlockSpec((_C, _C), lambda b: (0, 0)),
            pl.BlockSpec((3, _C), lambda b: (0, 0)),
        ],
        out_specs=pl.BlockSpec((_M, _C), lambda b: (b, 0)),
        out_shape=jax.ShapeDtypeStruct((_B * _M, _C), jnp.float32),
    )(feature2, pos2, wf2, wp3)


_ROWS = _B * _N * _K
_CH = 256


def _sc_gather(idx_flat, ftab):
    rows = idx_flat.shape[0]
    info = plsc.get_sparse_core_info()
    nw = info.num_cores * info.num_subcores
    per_w = rows // nw
    nt = per_w // _CH
    mesh = plsc.VectorSubcoreMesh(core_axis_name="c", subcore_axis_name="s")

    @functools.partial(
        pl.kernel,
        mesh=mesh,
        out_type=jax.ShapeDtypeStruct((rows, _C), jnp.float32),
        scratch_types=[
            pltpu.VMEM((_CH,), jnp.int32),
            pltpu.VMEM((_CH,), jnp.int32),
            pltpu.VMEM((_CH, _C), jnp.float32),
            pltpu.VMEM((_CH, _C), jnp.float32),
            pltpu.SemaphoreType.DMA,
            pltpu.SemaphoreType.DMA,
            pltpu.SemaphoreType.DMA,
            pltpu.SemaphoreType.DMA,
        ],
    )
    def gather_k(idx_hbm, ftab_hbm, fout_hbm, idx_v0, idx_v1, frows_v0,
                 frows_v1, sem_g0, sem_g1, sem_s0, sem_s1):
        wid = lax.axis_index("s") * info.num_cores + lax.axis_index("c")
        base0 = wid * per_w
        idx_v = (idx_v0, idx_v1)
        frows_v = (frows_v0, frows_v1)
        sem_g = (sem_g0, sem_g1)
        sem_s = (sem_s0, sem_s1)
        pltpu.sync_copy(idx_hbm.at[pl.ds(base0, _CH)], idx_v[0])
        gathers = [pltpu.async_copy(ftab_hbm.at[idx_v[0]], frows_v[0],
                                    sem_g[0])]
        stores = [None, None]
        for t in range(nt):
            bc, bn = t % 2, (t + 1) % 2
            if t + 1 < nt:
                pltpu.sync_copy(idx_hbm.at[pl.ds(base0 + (t + 1) * _CH, _CH)],
                                idx_v[bn])
                if stores[bn] is not None:
                    stores[bn].wait()
                gathers.append(pltpu.async_copy(ftab_hbm.at[idx_v[bn]],
                                                frows_v[bn], sem_g[bn]))
            gathers[t].wait()
            stores[bc] = pltpu.async_copy(
                frows_v[bc], fout_hbm.at[pl.ds(base0 + t * _CH, _CH)],
                sem_s[bc])
        stores[(nt - 1) % 2].wait()
        if stores[nt % 2] is not None:
            stores[nt % 2].wait()

    return gather_k(idx_flat, ftab)


def _acc_stats(i, y, ssum_ref, ssq_ref):
    @pl.when(i == 0)
    def _():
        ssum_ref[...] = jnp.zeros_like(ssum_ref)
        ssq_ref[...] = jnp.zeros_like(ssq_ref)

    ssum_ref[...] += jnp.sum(y, axis=0, keepdims=True)
    ssq_ref[...] += jnp.sum(y * y, axis=0, keepdims=True)


def _l1_body(gg_ref, f1_ref, p1_ref, wf1_ref, wp_ref, y_ref, ssum_ref, ssq_ref):
    i = pl.program_id(0)
    pern = lax.dot_general(f1_ref[0], wf1_ref[...], (((0,), (0,)), ((), ())),
                           preferred_element_type=jnp.float32)
    pern -= lax.dot_general(p1_ref[0], wp_ref[...], (((0,), (0,)), ((), ())),
                            preferred_element_type=jnp.float32)
    y = gg_ref[...] + jnp.concatenate([pern] * _K, axis=0)
    y_ref[...] = y.astype(jnp.bfloat16)
    _acc_stats(i, y, ssum_ref, ssq_ref)


def _l1(gg, feature1, pos1, wf1, wp3):
    tr = _TN1 * _K
    nt = _N // _TN1
    rows = gg.shape[0]
    return pl.pallas_call(
        _l1_body,
        grid=(rows // tr,),
        in_specs=[
            pl.BlockSpec((tr, _C), lambda i: (i, 0)),
            pl.BlockSpec((1, _C, _TN1), lambda i: (i // nt, 0, i % nt)),
            pl.BlockSpec((1, 3, _TN1), lambda i: (i // nt, 0, i % nt)),
            pl.BlockSpec((_C, _C), lambda i: (0, 0)),
            pl.BlockSpec((3, _C), lambda i: (0, 0)),
        ],
        out_specs=[
            pl.BlockSpec((tr, _C), lambda i: (i, 0)),
            pl.BlockSpec((1, _C), lambda i: (0, 0)),
            pl.BlockSpec((1, _C), lambda i: (0, 0)),
        ],
        out_shape=[
            jax.ShapeDtypeStruct((rows, _C), jnp.bfloat16),
            jax.ShapeDtypeStruct((1, _C), jnp.float32),
            jax.ShapeDtypeStruct((1, _C), jnp.float32),
        ],
    )(gg, feature1, pos1, wf1, wp3)


def _mid_body(y_ref, sc_ref, sh_ref, w_ref, o_ref, ssum_ref, ssq_ref):
    i = pl.program_id(0)
    y32 = y_ref[...].astype(jnp.float32)
    x = jnp.maximum(y32 * sc_ref[...] + sh_ref[...], 0.0)
    y = jnp.dot(x, w_ref[...], preferred_element_type=jnp.float32)
    o_ref[...] = y.astype(jnp.bfloat16)
    _acc_stats(i, y, ssum_ref, ssq_ref)


def _mid(y_in, sc, sh, wt):
    tr = _TN1 * _K
    rows = y_in.shape[0]
    return pl.pallas_call(
        _mid_body,
        grid=(rows // tr,),
        in_specs=[
            pl.BlockSpec((tr, _C), lambda i: (i, 0)),
            pl.BlockSpec((1, _C), lambda i: (0, 0)),
            pl.BlockSpec((1, _C), lambda i: (0, 0)),
            pl.BlockSpec((_C, _C), lambda i: (0, 0)),
        ],
        out_specs=[
            pl.BlockSpec((tr, _C), lambda i: (i, 0)),
            pl.BlockSpec((1, _C), lambda i: (0, 0)),
            pl.BlockSpec((1, _C), lambda i: (0, 0)),
        ],
        out_shape=[
            jax.ShapeDtypeStruct((rows, _C), jnp.bfloat16),
            jax.ShapeDtypeStruct((1, _C), jnp.float32),
            jax.ShapeDtypeStruct((1, _C), jnp.float32),
        ],
    )(y_in, sc, sh, wt)


def _l3_body(y_ref, sc_ref, sh_ref, w_ref, mx_ref, ssum_ref, ssq_ref):
    i = pl.program_id(0)
    y32 = y_ref[...].astype(jnp.float32)
    x = jnp.maximum(y32 * sc_ref[...] + sh_ref[...], 0.0)
    y = jnp.dot(x, w_ref[...], preferred_element_type=jnp.float32)
    _acc_stats(i, y, ssum_ref, ssq_ref)
    mx = y[0:_TN1]
    for k in range(1, _K):
        mx = jnp.maximum(mx, y[k * _TN1:(k + 1) * _TN1])
    mx_ref[...] = mx


def _l3(y_in, sc, sh, wt):
    tr = _TN1 * _K
    rows = y_in.shape[0]
    return pl.pallas_call(
        _l3_body,
        grid=(rows // tr,),
        in_specs=[
            pl.BlockSpec((tr, _C), lambda i: (i, 0)),
            pl.BlockSpec((1, _C), lambda i: (0, 0)),
            pl.BlockSpec((1, _C), lambda i: (0, 0)),
            pl.BlockSpec((_C, _C), lambda i: (0, 0)),
        ],
        out_specs=[
            pl.BlockSpec((_TN1, _C), lambda i: (i, 0)),
            pl.BlockSpec((1, _C), lambda i: (0, 0)),
            pl.BlockSpec((1, _C), lambda i: (0, 0)),
        ],
        out_shape=[
            jax.ShapeDtypeStruct((rows // _K, _C), jnp.float32),
            jax.ShapeDtypeStruct((1, _C), jnp.float32),
            jax.ShapeDtypeStruct((1, _C), jnp.float32),
        ],
    )(y_in, sc, sh, wt)


_TF = 512


def _fin_body(mx_ref, sc_ref, sh_ref, o_ref):
    y = jnp.maximum(mx_ref[...] * sc_ref[...] + sh_ref[...], 0.0)
    o_ref[0] = y.T


def _fin(mx, sc, sh):
    nf = _N // _TF
    nb = mx.shape[0] // _N
    return pl.pallas_call(
        _fin_body,
        grid=(nb * nf,),
        in_specs=[
            pl.BlockSpec((_TF, _C), lambda i: (i, 0)),
            pl.BlockSpec((1, _C), lambda i: (0, 0)),
            pl.BlockSpec((1, _C), lambda i: (0, 0)),
        ],
        out_specs=pl.BlockSpec((1, _C, _TF), lambda i: (i // nf, 0, i % nf)),
        out_shape=jax.ShapeDtypeStruct((nb, _C, _N), jnp.float32),
    )(mx, sc, sh)


def _bn_fold(ssum, ssq, g, b):
    n = float(_ROWS)
    mean = ssum / n
    var = ssq / n - mean * mean
    scale = g[None, :] / jnp.sqrt(var + _EPS)
    shift = b[None, :] - mean * scale
    return scale, shift


def kernel(pos1, pos2, feature1, feature2, W0, g0, b0, W1, g1, b1, W2, g2, b2):
    wp3 = W0[:, :3].T
    wf2 = W0[:, 3:3 + _C].T
    wf1 = W0[:, 3 + _C:].T
    w1t = W1.T
    w2t = W2.T

    gtab = _pretab(feature2, pos2, wf2, wp3)

    hb = _B // 2
    pos1_h = [pos1[:hb], pos1[hb:]]
    f1_h = [feature1[:hb], feature1[hb:]]

    gg_h = []
    for h in range(2):
        idx = _topk(pos1_h[h], pos2[h * hb:(h + 1) * hb], h * hb)
        idx_flat = idx.reshape(hb, _N // _TN1, _TN1, _K)
        idx_flat = idx_flat.transpose(0, 1, 3, 2).reshape(hb * _N * _K)
        gg_h.append(_sc_gather(idx_flat, gtab))

    r1 = [_l1(gg_h[h], f1_h[h], pos1_h[h], wf1, wp3) for h in range(2)]
    sc1, sh1 = _bn_fold(r1[0][1] + r1[1][1], r1[0][2] + r1[1][2], g0, b0)
    r2 = [_mid(r1[h][0], sc1, sh1, w1t) for h in range(2)]
    sc2, sh2 = _bn_fold(r2[0][1] + r2[1][1], r2[0][2] + r2[1][2], g1, b1)
    r3 = [_l3(r2[h][0], sc2, sh2, w2t) for h in range(2)]
    sc3, sh3 = _bn_fold(r3[0][1] + r3[1][1], r3[0][2] + r3[1][2], g2, b2)
    feature1_new = jnp.concatenate(
        [_fin(r3[h][0], sc3, sh3) for h in range(2)], axis=0)
    return (pos1, feature1_new)

# --- scband reference (transcript-rebuilt; emitter-appended) ---
"""Pipeline reference for scband-flow-embedding-11450382811199 (READ-ONLY COPY).

The authoritative reference and input builder live on the scoring server;
editing this copy changes nothing except your own understanding.
"""

import jax, jax.numpy as jnp
import numpy as np

B, N, M, K = 4, 2048, 2048, 16
C_IN = 128
MLP = [128, 128, 128]


def _square_dist(src, dst):
    d = -2.0 * jnp.matmul(src, jnp.swapaxes(dst, 1, 2))
    d = d + jnp.sum(src ** 2, -1)[:, :, None]
    d = d + jnp.sum(dst ** 2, -1)[:, None, :]
    return d


def _group(feat, idx):
    # feat: [B, C, M], idx: [B, N, K] -> [B, C, N, K]
    Bb, Cc, Mm = feat.shape
    _, Nn, Kk = idx.shape
    idx_e = jnp.broadcast_to(idx.reshape(Bb, 1, Nn * Kk), (Bb, Cc, Nn * Kk))
    return jnp.take_along_axis(feat, idx_e, axis=2).reshape(Bb, Cc, Nn, Kk)


def setup_inputs(seed: int = 0) -> dict:
    key = jax.random.key(seed)
    ks = jax.random.split(key, 8)
    inp = {
        "pos1": jax.random.uniform(ks[0], (B, 3, N), dtype=jnp.float32),
        "pos2": jax.random.uniform(ks[1], (B, 3, M), dtype=jnp.float32),
        "feature1": jax.random.normal(ks[2], (B, C_IN, N), dtype=jnp.float32),
        "feature2": jax.random.normal(ks[3], (B, C_IN, M), dtype=jnp.float32),
    }
    last = C_IN * 2 + 3
    for i, out_ch in enumerate(MLP):
        w = jax.random.normal(ks[4 + i], (out_ch, last), dtype=jnp.float32) * (1.0 / np.sqrt(last))
        inp[f"W{i}"] = w
        inp[f"g{i}"] = jnp.ones((out_ch,), dtype=jnp.float32)
        inp[f"b{i}"] = jnp.zeros((out_ch,), dtype=jnp.float32)
        last = out_ch
    return inp


def reference(pos1, pos2, feature1, feature2, W0, g0, b0, W1, g1, b1, W2, g2, b2):
    Ws = [W0, W1, W2]
    gs = [g0, g1, g2]
    bs = [b0, b1, b2]
    pos1_t = jnp.transpose(pos1, (0, 2, 1))  # [B, N, 3]
    pos2_t = jnp.transpose(pos2, (0, 2, 1))  # [B, M, 3]
    # kNN of pos2 for each point in pos1 (pointutils.knn)
    dist = _square_dist(pos1_t, pos2_t)  # [B, N, M]
    _, idx = jax.lax.top_k(-dist, K)     # [B, N, K]
    pos2_grouped = _group(pos2, idx)                 # [B, 3, N, K]
    pos_diff = pos2_grouped - pos1[:, :, :, None]    # [B, 3, N, K]
    feature2_grouped = _group(feature2, idx)         # [B, C, N, K]
    feat1_e = jnp.broadcast_to(feature1[:, :, :, None], feature1.shape + (K,))
    # corr_func == 'concat'
    x = jnp.concatenate([pos_diff, feature2_grouped, feat1_e], axis=1)  # [B, 2C+3, N, K]
    for W, g, b in zip(Ws, gs, bs):
        x = jnp.einsum('oc,bcnk->bonk', W, x)  # 1x1 Conv2d, no bias
        mean = jnp.mean(x, axis=(0, 2, 3), keepdims=True)  # BatchNorm2d (training-mode stats)
        var = jnp.mean((x - mean) ** 2, axis=(0, 2, 3), keepdims=True)
        x = (x - mean) / jnp.sqrt(var + 1e-5)
        x = x * g[None, :, None, None] + b[None, :, None, None]
        x = jax.nn.relu(x)
    feature1_new = jnp.max(x, axis=-1)  # [B, mlp[-1], N]
    return (pos1, feature1_new)

if __name__ == "__main__":
    import jax
    _d = setup_inputs()
    print(jax.jit(kernel)(*tuple(_d.values())))

</pallas_src>

<mosaic_0001>
#map = affine_map<(d0, d1) -> (0)>
#map1 = affine_map<(d0, d1) -> (0, 0)>
module attributes {stable_mosaic.version = 14 : i64} {
  func.func @gather_k(%arg0: i32, %arg1: i32, %arg2: memref<65536xi32, #tpu.memory_space<hbm>>, %arg3: memref<8192x128xf32, #tpu.memory_space<hbm>>, %arg4: memref<65536x128xf32, #tpu.memory_space<hbm>>, %arg5: memref<256xi32, #tpu.memory_space<vmem>>, %arg6: memref<256xi32, #tpu.memory_space<vmem>>, %arg7: memref<256x128xf32, #tpu.memory_space<vmem>>, %arg8: memref<256x128xf32, #tpu.memory_space<vmem>>, %arg9: memref<!tpu.dma_semaphore, #tpu.memory_space<semaphore_mem>>, %arg10: memref<!tpu.dma_semaphore, #tpu.memory_space<semaphore_mem>>, %arg11: memref<!tpu.dma_semaphore, #tpu.memory_space<semaphore_mem>>, %arg12: memref<!tpu.dma_semaphore, #tpu.memory_space<semaphore_mem>>) attributes {dimension_semantics = [#tpu.dimension_semantics<core_parallel>, #tpu.dimension_semantics<subcore_parallel>], iteration_bounds = array<i64: 2, 16>, scalar_prefetch = 0 : i64, scratch_operands = 8 : i64, tpu.core_type = #tpu.core_type<sc_vector_subcore>, window_params = [{transform_indices = #map}, {transform_indices = #map1}, {transform_indices = #map1}]} {
    %mul3A = arith.constant 2 : i32
    %mul3A_0 = arith.muli %arg1, %mul3A : i32
    %add3A = arith.addi %mul3A_0, %arg0 : i32
    %mul3A_1 = arith.constant 2048 : i32
    %mul3A_2 = arith.muli %add3A, %mul3A_1 : i32
    "tpu.region"() ({
      %run_scoped3A = tpu.sem_alloc : memref<!tpu.dma_semaphore, #tpu.memory_space<semaphore_mem>>
      %dma_start3A_143 = tpu.memref_slice %arg2[%mul3A_2] : memref<65536xi32, #tpu.memory_space<hbm>> -> memref<256xi32, #tpu.memory_space<hbm>>
      %dma_start3A_144 = tpu.memref_slice %arg2[%mul3A_2] : memref<65536xi32, #tpu.memory_space<hbm>> -> memref<256xi32, #tpu.memory_space<hbm>>
      tpu.enqueue_dma source(%dma_start3A_144 : memref<256xi32, #tpu.memory_space<hbm>>) target(%arg5 : memref<256xi32, #tpu.memory_space<vmem>>) target_semaphore(%run_scoped3A : memref<!tpu.dma_semaphore, #tpu.memory_space<semaphore_mem>>)
      %dma_wait3A_145 = tpu.memref_slice %arg2[%mul3A_2] : memref<65536xi32, #tpu.memory_space<hbm>> -> memref<256xi32, #tpu.memory_space<hbm>>
      %dma_wait3A_146 = tpu.memref_slice %arg2[%mul3A_2] : memref<65536xi32, #tpu.memory_space<hbm>> -> memref<256xi32, #tpu.memory_space<hbm>>
      tpu.wait_dma2 semaphore(%run_scoped3A : memref<!tpu.dma_semaphore, #tpu.memory_space<semaphore_mem>>) src(%dma_wait3A_146 : memref<256xi32, #tpu.memory_space<hbm>>) dst(%arg5 : memref<256xi32, #tpu.memory_space<vmem>>)
      tpu.yield
    }) : () -> ()
    %dma_start3A = arith.constant 0 : i32
    %dma_start3A_3 = arith.constant 0 : i32
    %dma_start3A_4 = tpu.memref_slice %arg3[%dma_start3A, %dma_start3A_3] : memref<8192x128xf32, #tpu.memory_space<hbm>> -> memref<8192x128xf32, #tpu.memory_space<hbm>>
    tpu.enqueue_indirect_dma source(%dma_start3A_4 : memref<8192x128xf32, #tpu.memory_space<hbm>>) target(%arg7 : memref<256x128xf32, #tpu.memory_space<vmem>>) offsets(%arg5 : memref<256xi32, #tpu.memory_space<vmem>>) semaphore(%arg9 : memref<!tpu.dma_semaphore, #tpu.memory_space<semaphore_mem>>)
    %add3A_5 = arith.constant 256 : i32
    %add3A_6 = arith.addi %mul3A_2, %add3A_5 : i32
    "tpu.region"() ({
      %run_scoped3A = tpu.sem_alloc : memref<!tpu.dma_semaphore, #tpu.memory_space<semaphore_mem>>
      %dma_start3A_143 = tpu.memref_slice %arg2[%add3A_6] : memref<65536xi32, #tpu.memory_space<hbm>> -> memref<256xi32, #tpu.memory_space<hbm>>
      %dma_start3A_144 = tpu.memref_slice %arg2[%add3A_6] : memref<65536xi32, #tpu.memory_space<hbm>> -> memref<256xi32, #tpu.memory_space<hbm>>
      tpu.enqueue_dma source(%dma_start3A_144 : memref<256xi32, #tpu.memory_space<hbm>>) target(%arg6 : memref<256xi32, #tpu.memory_space<vmem>>) target_semaphore(%run_scoped3A : memref<!tpu.dma_semaphore, #tpu.memory_space<semaphore_mem>>)
      %dma_wait3A_145 = tpu.memref_slice %arg2[%add3A_6] : memref<65536xi32, #tpu.memory_space<hbm>> -> memref<256xi32, #tpu.memory_space<hbm>>
      %dma_wait3A_146 = tpu.memref_slice %arg2[%add3A_6] : memref<65536xi32, #tpu.memory_space<hbm>> -> memref<256xi32, #tpu.memory_space<hbm>>
      tpu.wait_dma2 semaphore(%run_scoped3A : memref<!tpu.dma_semaphore, #tpu.memory_space<semaphore_mem>>) src(%dma_wait3A_146 : memref<256xi32, #tpu.memory_space<hbm>>) dst(%arg6 : memref<256xi32, #tpu.memory_space<vmem>>)
      tpu.yield
    }) : () -> ()
    %dma_start3A_7 = arith.constant 0 : i32
    %dma_start3A_8 = arith.constant 0 : i32
    %dma_start3A_9 = tpu.memref_slice %arg3[%dma_start3A_7, %dma_start3A_8] : memref<8192x128xf32, #tpu.memory_space<hbm>> -> memref<8192x128xf32, #tpu.memory_space<hbm>>
    tpu.enqueue_indirect_dma source(%dma_start3A_9 : memref<8192x128xf32, #tpu.memory_space<hbm>>) target(%arg8 : memref<256x128xf32, #tpu.memory_space<vmem>>) offsets(%arg6 : memref<256xi32, #tpu.memory_space<vmem>>) semaphore(%arg10 : memref<!tpu.dma_semaphore, #tpu.memory_space<semaphore_mem>>)
    %dma_wait3A = arith.constant 0 : i32
    %dma_wait3A_10 = arith.constant 0 : i32
    %dma_wait3A_11 = tpu.memref_slice %arg3[%dma_wait3A, %dma_wait3A_10] : memref<8192x128xf32, #tpu.memory_space<hbm>> -> memref<8192x128xf32, #tpu.memory_space<hbm>>
    tpu.wait_indirect_dma semaphore(%arg9 : memref<!tpu.dma_semaphore, #tpu.memory_space<semaphore_mem>>) src(%dma_wait3A_11 : memref<8192x128xf32, #tpu.memory_space<hbm>>) dst(%arg7 : memref<256x128xf32, #tpu.memory_space<vmem>>)
    %add3A_12 = arith.constant 0 : i32
    %add3A_13 = arith.addi %mul3A_2, %add3A_12 : i32
    %dma_start3A_14 = arith.constant 0 : i32
    %dma_start3A_15 = tpu.memref_slice %arg4[%add3A_13, %dma_start3A_14] : memref<65536x128xf32, #tpu.memory_space<hbm>> -> memref<256x128xf32, #tpu.memory_space<hbm>>
    %dma_start3A_16 = arith.constant 0 : i32
    %dma_start3A_17 = tpu.memref_slice %arg4[%add3A_13, %dma_start3A_16] : memref<65536x128xf32, #tpu.memory_space<hbm>> -> memref<256x128xf32, #tpu.memory_space<hbm>>
    tpu.enqueue_dma source(%arg7 : memref<256x128xf32, #tpu.memory_space<vmem>>) target(%dma_start3A_17 : memref<256x128xf32, #tpu.memory_space<hbm>>) target_semaphore(%arg11 : memref<!tpu.dma_semaphore, #tpu.memory_space<semaphore_mem>>)
    %add3A_18 = arith.constant 512 : i32
    %add3A_19 = arith.addi %mul3A_2, %add3A_18 : i32
    "tpu.region"() ({
      %run_scoped3A = tpu.sem_alloc : memref<!tpu.dma_semaphore, #tpu.memory_space<semaphore_mem>>
      %dma_start3A_143 = tpu.memref_slice %arg2[%add3A_19] : memref<65536xi32, #tpu.memory_space<hbm>> -> memref<256xi32, #tpu.memory_space<hbm>>
      %dma_start3A_144 = tpu.memref_slice %arg2[%add3A_19] : memref<65536xi32, #tpu.memory_space<hbm>> -> memref<256xi32, #tpu.memory_space<hbm>>
      tpu.enqueue_dma source(%dma_start3A_144 : memref<256xi32, #tpu.memory_space<hbm>>) target(%arg5 : memref<256xi32, #tpu.memory_space<vmem>>) target_semaphore(%run_scoped3A : memref<!tpu.dma_semaphore, #tpu.memory_space<semaphore_mem>>)
      %dma_wait3A_145 = tpu.memref_slice %arg2[%add3A_19] : memref<65536xi32, #tpu.memory_space<hbm>> -> memref<256xi32, #tpu.memory_space<hbm>>
      %dma_wait3A_146 = tpu.memref_slice %arg2[%add3A_19] : memref<65536xi32, #tpu.memory_space<hbm>> -> memref<256xi32, #tpu.memory_space<hbm>>
      tpu.wait_dma2 semaphore(%run_scoped3A : memref<!tpu.dma_semaphore, #tpu.memory_space<semaphore_mem>>) src(%dma_wait3A_146 : memref<256xi32, #tpu.memory_space<hbm>>) dst(%arg5 : memref<256xi32, #tpu.memory_space<vmem>>)
      tpu.yield
    }) : () -> ()
    %dma_wait3A_20 = arith.constant 0 : i32
    %dma_wait3A_21 = tpu.memref_slice %arg4[%add3A_13, %dma_wait3A_20] : memref<65536x128xf32, #tpu.memory_space<hbm>> -> memref<256x128xf32, #tpu.memory_space<hbm>>
    %dma_wait3A_22 = arith.constant 0 : i32
    %dma_wait3A_23 = tpu.memref_slice %arg4[%add3A_13, %dma_wait3A_22] : memref<65536x128xf32, #tpu.memory_space<hbm>> -> memref<256x128xf32, #tpu.memory_space<hbm>>
    tpu.wait_dma2 semaphore(%arg11 : memref<!tpu.dma_semaphore, #tpu.memory_space<semaphore_mem>>) src(%arg7 : memref<256x128xf32, #tpu.memory_space<vmem>>) dst(%dma_wait3A_23 : memref<256x128xf32, #tpu.memory_space<hbm>>)
    %dma_start3A_24 = arith.constant 0 : i32
    %dma_start3A_25 = arith.constant 0 : i32
    %dma_start3A_26 = tpu.memref_slice %arg3[%dma_start3A_24, %dma_start3A_25] : memref<8192x128xf32, #tpu.memory_space<hbm>> -> memref<8192x128xf32, #tpu.memory_space<hbm>>
    tpu.enqueue_indirect_dma source(%dma_start3A_26 : memref<8192x128xf32, #tpu.memory_space<hbm>>) target(%arg7 : memref<256x128xf32, #tpu.memory_space<vmem>>) offsets(%arg5 : memref<256xi32, #tpu.memory_space<vmem>>) semaphore(%arg9 : memref<!tpu.dma_semaphore, #tpu.memory_space<semaphore_mem>>)
    %dma_wait3A_27 = arith.constant 0 : i32
    %dma_wait3A_28 = arith.constant 0 : i32
    %dma_wait3A_29 = tpu.memref_slice %arg3[%dma_wait3A_27, %dma_wait3A_28] : memref<8192x128xf32, #tpu.memory_space<hbm>> -> memref<8192x128xf32, #tpu.memory_space<hbm>>
    tpu.wait_indirect_dma semaphore(%arg10 : memref<!tpu.dma_semaphore, #tpu.memory_space<semaphore_mem>>) src(%dma_wait3A_29 : memref<8192x128xf32, #tpu.memory_space<hbm>>) dst(%arg8 : memref<256x128xf32, #tpu.memory_space<vmem>>)
    %add3A_30 = arith.constant 256 : i32
    %add3A_31 = arith.addi %mul3A_2, %add3A_30 : i32
    %dma_start3A_32 = arith.constant 0 : i32
    %dma_start3A_33 = tpu.memref_slice %arg4[%add3A_31, %dma_start3A_32] : memref<65536x128xf32, #tpu.memory_space<hbm>> -> memref<256x128xf32, #tpu.memory_space<hbm>>
    %dma_start3A_34 = arith.constant 0 : i32
    %dma_start3A_35 = tpu.memref_slice %arg4[%add3A_31, %dma_start3A_34] : memref<65536x128xf32, #tpu.memory_space<hbm>> -> memref<256x128xf32, #tpu.memory_space<hbm>>
    tpu.enqueue_dma source(%arg8 : memref<256x128xf32, #tpu.memory_space<vmem>>) target(%dma_start3A_35 : memref<256x128xf32, #tpu.memory_space<hbm>>) target_semaphore(%arg12 : memref<!tpu.dma_semaphore, #tpu.memory_space<semaphore_mem>>)
    %add3A_36 = arith.constant 768 : i32
    %add3A_37 = arith.addi %mul3A_2, %add3A_36 : i32
    "tpu.region"() ({
      %run_scoped3A = tpu.sem_alloc : memref<!tpu.dma_semaphore, #tpu.memory_space<semaphore_mem>>
      %dma_start3A_143 = tpu.memref_slice %arg2[%add3A_37] : memref<65536xi32, #tpu.memory_space<hbm>> -> memref<256xi32, #tpu.memory_space<hbm>>
      %dma_start3A_144 = tpu.memref_slice %arg2[%add3A_37] : memref<65536xi32, #tpu.memory_space<hbm>> -> memref<256xi32, #tpu.memory_space<hbm>>
      tpu.enqueue_dma source(%dma_start3A_144 : memref<256xi32, #tpu.memory_space<hbm>>) target(%arg6 : memref<256xi32, #tpu.memory_space<vmem>>) target_semaphore(%run_scoped3A : memref<!tpu.dma_semaphore, #tpu.memory_space<semaphore_mem>>)
      %dma_wait3A_145 = tpu.memref_slice %arg2[%add3A_37] : memref<65536xi32, #tpu.memory_space<hbm>> -> memref<256xi32, #tpu.memory_space<hbm>>
      %dma_wait3A_146 = tpu.memref_slice %arg2[%add3A_37] : memref<65536xi32, #tpu.memory_space<hbm>> -> memref<256xi32, #tpu.memory_space<hbm>>
      tpu.wait_dma2 semaphore(%run_scoped3A : memref<!tpu.dma_semaphore, #tpu.memory_space<semaphore_mem>>) src(%dma_wait3A_146 : memref<256xi32, #tpu.memory_space<hbm>>) dst(%arg6 : memref<256xi32, #tpu.memory_space<vmem>>)
      tpu.yield
    }) : () -> ()
    %dma_wait3A_38 = arith.constant 0 : i32
    %dma_wait3A_39 = tpu.memref_slice %arg4[%add3A_31, %dma_wait3A_38] : memref<65536x128xf32, #tpu.memory_space<hbm>> -> memref<256x128xf32, #tpu.memory_space<hbm>>
    %dma_wait3A_40 = arith.constant 0 : i32
    %dma_wait3A_41 = tpu.memref_slice %arg4[%add3A_31, %dma_wait3A_40] : memref<65536x128xf32, #tpu.memory_space<hbm>> -> memref<256x128xf32, #tpu.memory_space<hbm>>
    tpu.wait_dma2 semaphore(%arg12 : memref<!tpu.dma_semaphore, #tpu.memory_space<semaphore_mem>>) src(%arg8 : memref<256x128xf32, #tpu.memory_space<vmem>>) dst(%dma_wait3A_41 : memref<256x128xf32, #tpu.memory_space<hbm>>)
    %dma_start3A_42 = arith.constant 0 : i32
    %dma_start3A_43 = arith.constant 0 : i32
    %dma_start3A_44 = tpu.memref_slice %arg3[%dma_start3A_42, %dma_start3A_43] : memref<8192x128xf32, #tpu.memory_space<hbm>> -> memref<8192x128xf32, #tpu.memory_space<hbm>>
    tpu.enqueue_indirect_dma source(%dma_start3A_44 : memref<8192x128xf32, #tpu.memory_space<hbm>>) target(%arg8 : memref<256x128xf32, #tpu.memory_space<vmem>>) offsets(%arg6 : memref<256xi32, #tpu.memory_space<vmem>>) semaphore(%arg10 : memref<!tpu.dma_semaphore, #tpu.memory_space<semaphore_mem>>)
    %dma_wait3A_45 = arith.constant 0 : i32
    %dma_wait3A_46 = arith.constant 0 : i32
    %dma_wait3A_47 = tpu.memref_slice %arg3[%dma_wait3A_45, %dma_wait3A_46] : memref<8192x128xf32, #tpu.memory_space<hbm>> -> memref<8192x128xf32, #tpu.memory_space<hbm>>
    tpu.wait_indirect_dma semaphore(%arg9 : memref<!tpu.dma_semaphore, #tpu.memory_space<semaphore_mem>>) src(%dma_wait3A_47 : memref<8192x128xf32, #tpu.memory_space<hbm>>) dst(%arg7 : memref<256x128xf32, #tpu.memory_space<vmem>>)
    %add3A_48 = arith.constant 512 : i32
    %add3A_49 = arith.addi %mul3A_2, %add3A_48 : i32
    %dma_start3A_50 = arith.constant 0 : i32
    %dma_start3A_51 = tpu.memref_slice %arg4[%add3A_49, %dma_start3A_50] : memref<65536x128xf32, #tpu.memory_space<hbm>> -> memref<256x128xf32, #tpu.memory_space<hbm>>
    %dma_start3A_52 = arith.constant 0 : i32
    %dma_start3A_53 = tpu.memref_slice %arg4[%add3A_49, %dma_start3A_52] : memref<65536x128xf32, #tpu.memory_space<hbm>> -> memref<256x128xf32, #tpu.memory_space<hbm>>
    tpu.enqueue_dma source(%arg7 : memref<256x128xf32, #tpu.memory_space<vmem>>) target(%dma_start3A_53 : memref<256x128xf32, #tpu.memory_space<hbm>>) target_semaphore(%arg11 : memref<!tpu.dma_semaphore, #tpu.memory_space<semaphore_mem>>)
    %add3A_54 = arith.constant 1024 : i32
    %add3A_55 = arith.addi %mul3A_2, %add3A_54 : i32
    "tpu.region"() ({
      %run_scoped3A = tpu.sem_alloc : memref<!tpu.dma_semaphore, #tpu.memory_space<semaphore_mem>>
      %dma_start3A_143 = tpu.memref_slice %arg2[%add3A_55] : memref<65536xi32, #tpu.memory_space<hbm>> -> memref<256xi32, #tpu.memory_space<hbm>>
      %dma_start3A_144 = tpu.memref_slice %arg2[%add3A_55] : memref<65536xi32, #tpu.memory_space<hbm>> -> memref<256xi32, #tpu.memory_space<hbm>>
      tpu.enqueue_dma source(%dma_start3A_144 : memref<256xi32, #tpu.memory_space<hbm>>) target(%arg5 : memref<256xi32, #tpu.memory_space<vmem>>) target_semaphore(%run_scoped3A : memref<!tpu.dma_semaphore, #tpu.memory_space<semaphore_mem>>)
      %dma_wait3A_145 = tpu.memref_slice %arg2[%add3A_55] : memref<65536xi32, #tpu.memory_space<hbm>> -> memref<256xi32, #tpu.memory_space<hbm>>
      %dma_wait3A_146 = tpu.memref_slice %arg2[%add3A_55] : memref<65536xi32, #tpu.memory_space<hbm>> -> memref<256xi32, #tpu.memory_space<hbm>>
      tpu.wait_dma2 semaphore(%run_scoped3A : memref<!tpu.dma_semaphore, #tpu.memory_space<semaphore_mem>>) src(%dma_wait3A_146 : memref<256xi32, #tpu.memory_space<hbm>>) dst(%arg5 : memref<256xi32, #tpu.memory_space<vmem>>)
      tpu.yield
    }) : () -> ()
    %dma_wait3A_56 = arith.constant 0 : i32
    %dma_wait3A_57 = tpu.memref_slice %arg4[%add3A_49, %dma_wait3A_56] : memref<65536x128xf32, #tpu.memory_space<hbm>> -> memref<256x128xf32, #tpu.memory_space<hbm>>
    %dma_wait3A_58 = arith.constant 0 : i32
    %dma_wait3A_59 = tpu.memref_slice %arg4[%add3A_49, %dma_wait3A_58] : memref<65536x128xf32, #tpu.memory_space<hbm>> -> memref<256x128xf32, #tpu.memory_space<hbm>>
    tpu.wait_dma2 semaphore(%arg11 : memref<!tpu.dma_semaphore, #tpu.memory_space<semaphore_mem>>) src(%arg7 : memref<256x128xf32, #tpu.memory_space<vmem>>) dst(%dma_wait3A_59 : memref<256x128xf32, #tpu.memory_space<hbm>>)
    %dma_start3A_60 = arith.constant 0 : i32
    %dma_start3A_61 = arith.constant 0 : i32
    %dma_start3A_62 = tpu.memref_slice %arg3[%dma_start3A_60, %dma_start3A_61] : memref<8192x128xf32, #tpu.memory_space<hbm>> -> memref<8192x128xf32, #tpu.memory_space<hbm>>
    tpu.enqueue_indirect_dma source(%dma_start3A_62 : memref<8192x128xf32, #tpu.memory_space<hbm>>) target(%arg7 : memref<256x128xf32, #tpu.memory_space<vmem>>) offsets(%arg5 : memref<256xi32, #tpu.memory_space<vmem>>) semaphore(%arg9 : memref<!tpu.dma_semaphore, #tpu.memory_space<semaphore_mem>>)
    %dma_wait3A_63 = arith.constant 0 : i32
    %dma_wait3A_64 = arith.constant 0 : i32
    %dma_wait3A_65 = tpu.memref_slice %arg3[%dma_wait3A_63, %dma_wait3A_64] : memref<8192x128xf32, #tpu.memory_space<hbm>> -> memref<8192x128xf32, #tpu.memory_space<hbm>>
    tpu.wait_indirect_dma semaphore(%arg10 : memref<!tpu.dma_semaphore, #tpu.memory_space<semaphore_mem>>) src(%dma_wait3A_65 : memref<8192x128xf32, #tpu.memory_space<hbm>>) dst(%arg8 : memref<256x128xf32, #tpu.memory_space<vmem>>)
    %add3A_66 = arith.constant 768 : i32
    %add3A_67 = arith.addi %mul3A_2, %add3A_66 : i32
    %dma_start3A_68 = arith.constant 0 : i32
    %dma_start3A_69 = tpu.memref_slice %arg4[%add3A_67, %dma_start3A_68] : memref<65536x128xf32, #tpu.memory_space<hbm>> -> memref<256x128xf32, #tpu.memory_space<hbm>>
    %dma_start3A_70 = arith.constant 0 : i32
    %dma_start3A_71 = tpu.memref_slice %arg4[%add3A_67, %dma_start3A_70] : memref<65536x128xf32, #tpu.memory_space<hbm>> -> memref<256x128xf32, #tpu.memory_space<hbm>>
    tpu.enqueue_dma source(%arg8 : memref<256x128xf32, #tpu.memory_space<vmem>>) target(%dma_start3A_71 : memref<256x128xf32, #tpu.memory_space<hbm>>) target_semaphore(%arg12 : memref<!tpu.dma_semaphore, #tpu.memory_space<semaphore_mem>>)
    %add3A_72 = arith.constant 1280 : i32
    %add3A_73 = arith.addi %mul3A_2, %add3A_72 : i32
    "tpu.region"() ({
      %run_scoped3A = tpu.sem_alloc : memref<!tpu.dma_semaphore, #tpu.memory_space<semaphore_mem>>
      %dma_start3A_143 = tpu.memref_slice %arg2[%add3A_73] : memref<65536xi32, #tpu.memory_space<hbm>> -> memref<256xi32, #tpu.memory_space<hbm>>
      %dma_start3A_144 = tpu.memref_slice %arg2[%add3A_73] : memref<65536xi32, #tpu.memory_space<hbm>> -> memref<256xi32, #tpu.memory_space<hbm>>
      tpu.enqueue_dma source(%dma_start3A_144 : memref<256xi32, #tpu.memory_space<hbm>>) target(%arg6 : memref<256xi32, #tpu.memory_space<vmem>>) target_semaphore(%run_scoped3A : memref<!tpu.dma_semaphore, #tpu.memory_space<semaphore_mem>>)
      %dma_wait3A_145 = tpu.memref_slice %arg2[%add3A_73] : memref<65536xi32, #tpu.memory_space<hbm>> -> memref<256xi32, #tpu.memory_space<hbm>>
      %dma_wait3A_146 = tpu.memref_slice %arg2[%add3A_73] : memref<65536xi32, #tpu.memory_space<hbm>> -> memref<256xi32, #tpu.memory_space<hbm>>
      tpu.wait_dma2 semaphore(%run_scoped3A : memref<!tpu.dma_semaphore, #tpu.memory_space<semaphore_mem>>) src(%dma_wait3A_146 : memref<256xi32, #tpu.memory_space<hbm>>) dst(%arg6 : memref<256xi32, #tpu.memory_space<vmem>>)
      tpu.yield
    }) : () -> ()
    %dma_wait3A_74 = arith.constant 0 : i32
    %dma_wait3A_75 = tpu.memref_slice %arg4[%add3A_67, %dma_wait3A_74] : memref<65536x128xf32, #tpu.memory_space<hbm>> -> memref<256x128xf32, #tpu.memory_space<hbm>>
    %dma_wait3A_76 = arith.constant 0 : i32
    %dma_wait3A_77 = tpu.memref_slice %arg4[%add3A_67, %dma_wait3A_76] : memref<65536x128xf32, #tpu.memory_space<hbm>> -> memref<256x128xf32, #tpu.memory_space<hbm>>
    tpu.wait_dma2 semaphore(%arg12 : memref<!tpu.dma_semaphore, #tpu.memory_space<semaphore_mem>>) src(%arg8 : memref<256x128xf32, #tpu.memory_space<vmem>>) dst(%dma_wait3A_77 : memref<256x128xf32, #tpu.memory_space<hbm>>)
    %dma_start3A_78 = arith.constant 0 : i32
    %dma_start3A_79 = arith.constant 0 : i32
    %dma_start3A_80 = tpu.memref_slice %arg3[%dma_start3A_78, %dma_start3A_79] : memref<8192x128xf32, #tpu.memory_space<hbm>> -> memref<8192x128xf32, #tpu.memory_space<hbm>>
    tpu.enqueue_indirect_dma source(%dma_start3A_80 : memref<8192x128xf32, #tpu.memory_space<hbm>>) target(%arg8 : memref<256x128xf32, #tpu.memory_space<vmem>>) offsets(%arg6 : memref<256xi32, #tpu.memory_space<vmem>>) semaphore(%arg10 : memref<!tpu.dma_semaphore, #tpu.memory_space<semaphore_mem>>)
    %dma_wait3A_81 = arith.constant 0 : i32
    %dma_wait3A_82 = arith.constant 0 : i32
    %dma_wait3A_83 = tpu.memref_slice %arg3[%dma_wait3A_81, %dma_wait3A_82] : memref<8192x128xf32, #tpu.memory_space<hbm>> -> memref<8192x128xf32, #tpu.memory_space<hbm>>
    tpu.wait_indirect_dma semaphore(%arg9 : memref<!tpu.dma_semaphore, #tpu.memory_space<semaphore_mem>>) src(%dma_wait3A_83 : memref<8192x128xf32, #tpu.memory_space<hbm>>) dst(%arg7 : memref<256x128xf32, #tpu.memory_space<vmem>>)
    %add3A_84 = arith.constant 1024 : i32
    %add3A_85 = arith.addi %mul3A_2, %add3A_84 : i32
    %dma_start3A_86 = arith.constant 0 : i32
    %dma_start3A_87 = tpu.memref_slice %arg4[%add3A_85, %dma_start3A_86] : memref<65536x128xf32, #tpu.memory_space<hbm>> -> memref<256x128xf32, #tpu.memory_space<hbm>>
    %dma_start3A_88 = arith.constant 0 : i32
    %dma_start3A_89 = tpu.memref_slice %arg4[%add3A_85, %dma_start3A_88] : memref<65536x128xf32, #tpu.memory_space<hbm>> -> memref<256x128xf32, #tpu.memory_space<hbm>>
    tpu.enqueue_dma source(%arg7 : memref<256x128xf32, #tpu.memory_space<vmem>>) target(%dma_start3A_89 : memref<256x128xf32, #tpu.memory_space<hbm>>) target_semaphore(%arg11 : memref<!tpu.dma_semaphore, #tpu.memory_space<semaphore_mem>>)
    %add3A_90 = arith.constant 1536 : i32
    %add3A_91 = arith.addi %mul3A_2, %add3A_90 : i32
    "tpu.region"() ({
      %run_scoped3A = tpu.sem_alloc : memref<!tpu.dma_semaphore, #tpu.memory_space<semaphore_mem>>
      %dma_start3A_143 = tpu.memref_slice %arg2[%add3A_91] : memref<65536xi32, #tpu.memory_space<hbm>> -> memref<256xi32, #tpu.memory_space<hbm>>
      %dma_start3A_144 = tpu.memref_slice %arg2[%add3A_91] : memref<65536xi32, #tpu.memory_space<hbm>> -> memref<256xi32, #tpu.memory_space<hbm>>
      tpu.enqueue_dma source(%dma_start3A_144 : memref<256xi32, #tpu.memory_space<hbm>>) target(%arg5 : memref<256xi32, #tpu.memory_space<vmem>>) target_semaphore(%run_scoped3A : memref<!tpu.dma_semaphore, #tpu.memory_space<semaphore_mem>>)
      %dma_wait3A_145 = tpu.memref_slice %arg2[%add3A_91] : memref<65536xi32, #tpu.memory_space<hbm>> -> memref<256xi32, #tpu.memory_space<hbm>>
      %dma_wait3A_146 = tpu.memref_slice %arg2[%add3A_91] : memref<65536xi32, #tpu.memory_space<hbm>> -> memref<256xi32, #tpu.memory_space<hbm>>
      tpu.wait_dma2 semaphore(%run_scoped3A : memref<!tpu.dma_semaphore, #tpu.memory_space<semaphore_mem>>) src(%dma_wait3A_146 : memref<256xi32, #tpu.memory_space<hbm>>) dst(%arg5 : memref<256xi32, #tpu.memory_space<vmem>>)
      tpu.yield
    }) : () -> ()
    %dma_wait3A_92 = arith.constant 0 : i32
    %dma_wait3A_93 = tpu.memref_slice %arg4[%add3A_85, %dma_wait3A_92] : memref<65536x128xf32, #tpu.memory_space<hbm>> -> memref<256x128xf32, #tpu.memory_space<hbm>>
    %dma_wait3A_94 = arith.constant 0 : i32
    %dma_wait3A_95 = tpu.memref_slice %arg4[%add3A_85, %dma_wait3A_94] : memref<65536x128xf32, #tpu.memory_space<hbm>> -> memref<256x128xf32, #tpu.memory_space<hbm>>
    tpu.wait_dma2 semaphore(%arg11 : memref<!tpu.dma_semaphore, #tpu.memory_space<semaphore_mem>>) src(%arg7 : memref<256x128xf32, #tpu.memory_space<vmem>>) dst(%dma_wait3A_95 : memref<256x128xf32, #tpu.memory_space<hbm>>)
    %dma_start3A_96 = arith.constant 0 : i32
    %dma_start3A_97 = arith.constant 0 : i32
    %dma_start3A_98 = tpu.memref_slice %arg3[%dma_start3A_96, %dma_start3A_97] : memref<8192x128xf32, #tpu.memory_space<hbm>> -> memref<8192x128xf32, #tpu.memory_space<hbm>>
    tpu.enqueue_indirect_dma source(%dma_start3A_98 : memref<8192x128xf32, #tpu.memory_space<hbm>>) target(%arg7 : memref<256x128xf32, #tpu.memory_space<vmem>>) offsets(%arg5 : memref<256xi32, #tpu.memory_space<vmem>>) semaphore(%arg9 : memref<!tpu.dma_semaphore, #tpu.memory_space<semaphore_mem>>)
    %dma_wait3A_99 = arith.constant 0 : i32
    %dma_wait3A_100 = arith.constant 0 : i32
    %dma_wait3A_101 = tpu.memref_slice %arg3[%dma_wait3A_99, %dma_wait3A_100] : memref<8192x128xf32, #tpu.memory_space<hbm>> -> memref<8192x128xf32, #tpu.memory_space<hbm>>
    tpu.wait_indirect_dma semaphore(%arg10 : memref<!tpu.dma_semaphore, #tpu.memory_space<semaphore_mem>>) src(%dma_wait3A_101 : memref<8192x128xf32, #tpu.memory_space<hbm>>) dst(%arg8 : memref<256x128xf32, #tpu.memory_space<vmem>>)
    %add3A_102 = arith.constant 1280 : i32
    %add3A_103 = arith.addi %mul3A_2, %add3A_102 : i32
    %dma_start3A_104 = arith.constant 0 : i32
    %dma_start3A_105 = tpu.memref_slice %arg4[%add3A_103, %dma_start3A_104] : memref<65536x128xf32, #tpu.memory_space<hbm>> -> memref<256x128xf32, #tpu.memory_space<hbm>>
    %dma_start3A_106 = arith.constant 0 : i32
    %dma_start3A_107 = tpu.memref_slice %arg4[%add3A_103, %dma_start3A_106] : memref<65536x128xf32, #tpu.memory_space<hbm>> -> memref<256x128xf32, #tpu.memory_space<hbm>>
    tpu.enqueue_dma source(%arg8 : memref<256x128xf32, #tpu.memory_space<vmem>>) target(%dma_start3A_107 : memref<256x128xf32, #tpu.memory_space<hbm>>) target_semaphore(%arg12 : memref<!tpu.dma_semaphore, #tpu.memory_space<semaphore_mem>>)
    %add3A_108 = arith.constant 1792 : i32
    %add3A_109 = arith.addi %mul3A_2, %add3A_108 : i32
    "tpu.region"() ({
      %run_scoped3A = tpu.sem_alloc : memref<!tpu.dma_semaphore, #tpu.memory_space<semaphore_mem>>
      %dma_start3A_143 = tpu.memref_slice %arg2[%add3A_109] : memref<65536xi32, #tpu.memory_space<hbm>> -> memref<256xi32, #tpu.memory_space<hbm>>
      %dma_start3A_144 = tpu.memref_slice %arg2[%add3A_109] : memref<65536xi32, #tpu.memory_space<hbm>> -> memref<256xi32, #tpu.memory_space<hbm>>
      tpu.enqueue_dma source(%dma_start3A_144 : memref<256xi32, #tpu.memory_space<hbm>>) target(%arg6 : memref<256xi32, #tpu.memory_space<vmem>>) target_semaphore(%run_scoped3A : memref<!tpu.dma_semaphore, #tpu.memory_space<semaphore_mem>>)
      %dma_wait3A_145 = tpu.memref_slice %arg2[%add3A_109] : memref<65536xi32, #tpu.memory_space<hbm>> -> memref<256xi32, #tpu.memory_space<hbm>>
      %dma_wait3A_146 = tpu.memref_slice %arg2[%add3A_109] : memref<65536xi32, #tpu.memory_space<hbm>> -> memref<256xi32, #tpu.memory_space<hbm>>
      tpu.wait_dma2 semaphore(%run_scoped3A : memref<!tpu.dma_semaphore, #tpu.memory_space<semaphore_mem>>) src(%dma_wait3A_146 : memref<256xi32, #tpu.memory_space<hbm>>) dst(%arg6 : memref<256xi32, #tpu.memory_space<vmem>>)
      tpu.yield
    }) : () -> ()
    %dma_wait3A_110 = arith.constant 0 : i32
    %dma_wait3A_111 = tpu.memref_slice %arg4[%add3A_103, %dma_wait3A_110] : memref<65536x128xf32, #tpu.memory_space<hbm>> -> memref<256x128xf32, #tpu.memory_space<hbm>>
    %dma_wait3A_112 = arith.constant 0 : i32
    %dma_wait3A_113 = tpu.memref_slice %arg4[%add3A_103, %dma_wait3A_112] : memref<65536x128xf32, #tpu.memory_space<hbm>> -> memref<256x128xf32, #tpu.memory_space<hbm>>
    tpu.wait_dma2 semaphore(%arg12 : memref<!tpu.dma_semaphore, #tpu.memory_space<semaphore_mem>>) src(%arg8 : memref<256x128xf32, #tpu.memory_space<vmem>>) dst(%dma_wait3A_113 : memref<256x128xf32, #tpu.memory_space<hbm>>)
    %dma_start3A_114 = arith.constant 0 : i32
    %dma_start3A_115 = arith.constant 0 : i32
    %dma_start3A_116 = tpu.memref_slice %arg3[%dma_start3A_114, %dma_start3A_115] : memref<8192x128xf32, #tpu.memory_space<hbm>> -> memref<8192x128xf32, #tpu.memory_space<hbm>>
    tpu.enqueue_indirect_dma source(%dma_start3A_116 : memref<8192x128xf32, #tpu.memory_space<hbm>>) target(%arg8 : memref<256x128xf32, #tpu.memory_space<vmem>>) offsets(%arg6 : memref<256xi32, #tpu.memory_space<vmem>>) semaphore(%arg10 : memref<!tpu.dma_semaphore, #tpu.memory_space<semaphore_mem>>)
    %dma_wait3A_117 = arith.constant 0 : i32
    %dma_wait3A_118 = arith.constant 0 : i32
    %dma_wait3A_119 = tpu.memref_slice %arg3[%dma_wait3A_117, %dma_wait3A_118] : memref<8192x128xf32, #tpu.memory_space<hbm>> -> memref<8192x128xf32, #tpu.memory_space<hbm>>
    tpu.wait_indirect_dma semaphore(%arg9 : memref<!tpu.dma_semaphore, #tpu.memory_space<semaphore_mem>>) src(%dma_wait3A_119 : memref<8192x128xf32, #tpu.memory_space<hbm>>) dst(%arg7 : memref<256x128xf32, #tpu.memory_space<vmem>>)
    %add3A_120 = arith.constant 1536 : i32
    %add3A_121 = arith.addi %mul3A_2, %add3A_120 : i32
    %dma_start3A_122 = arith.constant 0 : i32
    %dma_start3A_123 = tpu.memref_slice %arg4[%add3A_121, %dma_start3A_122] : memref<65536x128xf32, #tpu.memory_space<hbm>> -> memref<256x128xf32, #tpu.memory_space<hbm>>
    %dma_start3A_124 = arith.constant 0 : i32
    %dma_start3A_125 = tpu.memref_slice %arg4[%add3A_121, %dma_start3A_124] : memref<65536x128xf32, #tpu.memory_space<hbm>> -> memref<256x128xf32, #tpu.memory_space<hbm>>
    tpu.enqueue_dma source(%arg7 : memref<256x128xf32, #tpu.memory_space<vmem>>) target(%dma_start3A_125 : memref<256x128xf32, #tpu.memory_space<hbm>>) target_semaphore(%arg11 : memref<!tpu.dma_semaphore, #tpu.memory_space<semaphore_mem>>)
    %dma_wait3A_126 = arith.constant 0 : i32
    %dma_wait3A_127 = arith.constant 0 : i32
    %dma_wait3A_128 = tpu.memref_slice %arg3[%dma_wait3A_126, %dma_wait3A_127] : memref<8192x128xf32, #tpu.memory_space<hbm>> -> memref<8192x128xf32, #tpu.memory_space<hbm>>
    tpu.wait_indirect_dma semaphore(%arg10 : memref<!tpu.dma_semaphore, #tpu.memory_space<semaphore_mem>>) src(%dma_wait3A_128 : memref<8192x128xf32, #tpu.memory_space<hbm>>) dst(%arg8 : memref<256x128xf32, #tpu.memory_space<vmem>>)
    %add3A_129 = arith.constant 1792 : i32
    %add3A_130 = arith.addi %mul3A_2, %add3A_129 : i32
    %dma_start3A_131 = arith.constant 0 : i32
    %dma_start3A_132 = tpu.memref_slice %arg4[%add3A_130, %dma_start3A_131] : memref<65536x128xf32, #tpu.memory_space<hbm>> -> memref<256x128xf32, #tpu.memory_space<hbm>>
    %dma_start3A_133 = arith.constant 0 : i32
    %dma_start3A_134 = tpu.memref_slice %arg4[%add3A_130, %dma_start3A_133] : memref<65536x128xf32, #tpu.memory_space<hbm>> -> memref<256x128xf32, #tpu.memory_space<hbm>>
    tpu.enqueue_dma source(%arg8 : memref<256x128xf32, #tpu.memory_space<vmem>>) target(%dma_start3A_134 : memref<256x128xf32, #tpu.memory_space<hbm>>) target_semaphore(%arg12 : memref<!tpu.dma_semaphore, #tpu.memory_space<semaphore_mem>>)
    %dma_wait3A_135 = arith.constant 0 : i32
    %dma_wait3A_136 = tpu.memref_slice %arg4[%add3A_130, %dma_wait3A_135] : memref<65536x128xf32, #tpu.memory_space<hbm>> -> memref<256x128xf32, #tpu.memory_space<hbm>>
    %dma_wait3A_137 = arith.constant 0 : i32
    %dma_wait3A_138 = tpu.memref_slice %arg4[%add3A_130, %dma_wait3A_137] : memref<65536x128xf32, #tpu.memory_space<hbm>> -> memref<256x128xf32, #tpu.memory_space<hbm>>
    tpu.wait_dma2 semaphore(%arg12 : memref<!tpu.dma_semaphore, #tpu.memory_space<semaphore_mem>>) src(%arg8 : memref<256x128xf32, #tpu.memory_space<vmem>>) dst(%dma_wait3A_138 : memref<256x128xf32, #tpu.memory_space<hbm>>)
    %dma_wait3A_139 = arith.constant 0 : i32
    %dma_wait3A_140 = tpu.memref_slice %arg4[%add3A_121, %dma_wait3A_139] : memref<65536x128xf32, #tpu.memory_space<hbm>> -> memref<256x128xf32, #tpu.memory_space<hbm>>
    %dma_wait3A_141 = arith.constant 0 : i32
    %dma_wait3A_142 = tpu.memref_slice %arg4[%add3A_121, %dma_wait3A_141] : memref<65536x128xf32, #tpu.memory_space<hbm>> -> memref<256x128xf32, #tpu.memory_space<hbm>>
    tpu.wait_dma2 semaphore(%arg11 : memref<!tpu.dma_semaphore, #tpu.memory_space<semaphore_mem>>) src(%arg7 : memref<256x128xf32, #tpu.memory_space<vmem>>) dst(%dma_wait3A_142 : memref<256x128xf32, #tpu.memory_space<hbm>>)
    return
  }
}

#map = affine_map<(d0, d1) -> (0)>
#map1 = affine_map<(d0, d1) -> (0, 0)>
module attributes {stable_mosaic.version = 14 : i64} {
  func.func @gather_k(%arg0: i32, %arg1: i32, %arg2: memref<65536xi32, #tpu.memory_space<hbm>>, %arg3: memref<8192x128xf32, #tpu.memory_space<hbm>>, %arg4: memref<65536x128xf32, #tpu.memory_space<hbm>>, %arg5: memref<256xi32, #tpu.memory_space<vmem>>, %arg6: memref<256xi32, #tpu.memory_space<vmem>>, %arg7: memref<256x128xf32, #tpu.memory_space<vmem>>, %arg8: memref<256x128xf32, #tpu.memory_space<vmem>>, %arg9: memref<!tpu.dma_semaphore, #tpu.memory_space<semaphore_mem>>, %arg10: memref<!tpu.dma_semaphore, #tpu.memory_space<semaphore_mem>>, %arg11: memref<!tpu.dma_semaphore, #tpu.memory_space<semaphore_mem>>, %arg12: memref<!tpu.dma_semaphore, #tpu.memory_space<semaphore_mem>>) attributes {dimension_semantics = [#tpu.dimension_semantics<core_parallel>, #tpu.dimension_semantics<subcore_parallel>], iteration_bounds = array<i64: 2, 16>, scalar_prefetch = 0 : i64, scratch_operands = 8 : i64, tpu.core_type = #tpu.core_type<sc_vector_subcore>, window_params = [{transform_indices = #map}, {transform_indices = #map1}, {transform_indices = #map1}]} {
    %mul3A = arith.constant 2 : i32
    %mul3A_0 = arith.muli %arg1, %mul3A : i32
    %add3A = arith.addi %mul3A_0, %arg0 : i32
    %mul3A_1 = arith.constant 2048 : i32
    %mul3A_2 = arith.muli %add3A, %mul3A_1 : i32
    "tpu.region"() ({
      %run_scoped3A = tpu.sem_alloc : memref<!tpu.dma_semaphore, #tpu.memory_space<semaphore_mem>>
      %dma_start3A_143 = tpu.memref_slice %arg2[%mul3A_2] : memref<65536xi32, #tpu.memory_space<hbm>> -> memref<256xi32, #tpu.memory_space<hbm>>
      %dma_start3A_144 = tpu.memref_slice %arg2[%mul3A_2] : memref<65536xi32, #tpu.memory_space<hbm>> -> memref<256xi32, #tpu.memory_space<hbm>>
      tpu.enqueue_dma source(%dma_start3A_144 : memref<256xi32, #tpu.memory_space<hbm>>) target(%arg5 : memref<256xi32, #tpu.memory_space<vmem>>) target_semaphore(%run_scoped3A : memref<!tpu.dma_semaphore, #tpu.memory_space<semaphore_mem>>)
      %dma_wait3A_145 = tpu.memref_slice %arg2[%mul3A_2] : memref<65536xi32, #tpu.memory_space<hbm>> -> memref<256xi32, #tpu.memory_space<hbm>>
      %dma_wait3A_146 = tpu.memref_slice %arg2[%mul3A_2] : memref<65536xi32, #tpu.memory_space<hbm>> -> memref<256xi32, #tpu.memory_space<hbm>>
      tpu.wait_dma2 semaphore(%run_scoped3A : memref<!tpu.dma_semaphore, #tpu.memory_space<semaphore_mem>>) src(%dma_wait3A_146 : memref<256xi32, #tpu.memory_space<hbm>>) dst(%arg5 : memref<256xi32, #tpu.memory_space<vmem>>)
      tpu.yield
    }) : () -> ()
    %dma_start3A = arith.constant 0 : i32
    %dma_start3A_3 = arith.constant 0 : i32
    %dma_start3A_4 = tpu.memref_slice %arg3[%dma_start3A, %dma_start3A_3] : memref<8192x128xf32, #tpu.memory_space<hbm>> -> memref<8192x128xf32, #tpu.memory_space<hbm>>
    tpu.enqueue_indirect_dma source(%dma_start3A_4 : memref<8192x128xf32, #tpu.memory_space<hbm>>) target(%arg7 : memref<256x128xf32, #tpu.memory_space<vmem>>) offsets(%arg5 : memref<256xi32, #tpu.memory_space<vmem>>) semaphore(%arg9 : memref<!tpu.dma_semaphore, #tpu.memory_space<semaphore_mem>>)
    %add3A_5 = arith.constant 256 : i32
    %add3A_6 = arith.addi %mul3A_2, %add3A_5 : i32
    "tpu.region"() ({
      %run_scoped3A = tpu.sem_alloc : memref<!tpu.dma_semaphore, #tpu.memory_space<semaphore_mem>>
      %dma_start3A_143 = tpu.memref_slice %arg2[%add3A_6] : memref<65536xi32, #tpu.memory_space<hbm>> -> memref<256xi32, #tpu.memory_space<hbm>>
      %dma_start3A_144 = tpu.memref_slice %arg2[%add3A_6] : memref<65536xi32, #tpu.memory_space<hbm>> -> memref<256xi32, #tpu.memory_space<hbm>>
      tpu.enqueue_dma source(%dma_start3A_144 : memref<256xi32, #tpu.memory_space<hbm>>) target(%arg6 : memref<256xi32, #tpu.memory_space<vmem>>) target_semaphore(%run_scoped3A : memref<!tpu.dma_semaphore, #tpu.memory_space<semaphore_mem>>)
      %dma_wait3A_145 = tpu.memref_slice %arg2[%add3A_6] : memref<65536xi32, #tpu.memory_space<hbm>> -> memref<256xi32, #tpu.memory_space<hbm>>
      %dma_wait3A_146 = tpu.memref_slice %arg2[%add3A_6] : memref<65536xi32, #tpu.memory_space<hbm>> -> memref<256xi32, #tpu.memory_space<hbm>>
      tpu.wait_dma2 semaphore(%run_scoped3A : memref<!tpu.dma_semaphore, #tpu.memory_space<semaphore_mem>>) src(%dma_wait3A_146 : memref<256xi32, #tpu.memory_space<hbm>>) dst(%arg6 : memref<256xi32, #tpu.memory_space<vmem>>)
      tpu.yield
    }) : () -> ()
    %dma_start3A_7 = arith.constant 0 : i32
    %dma_start3A_8 = arith.constant 0 : i32
    %dma_start3A_9 = tpu.memref_slice %arg3[%dma_start3A_7, %dma_start3A_8] : memref<8192x128xf32, #tpu.memory_space<hbm>> -> memref<8192x128xf32, #tpu.memory_space<hbm>>
    tpu.enqueue_indirect_dma source(%dma_start3A_9 : memref<8192x128xf32, #tpu.memory_space<hbm>>) target(%arg8 : memref<256x128xf32, #tpu.memory_space<vmem>>) offsets(%arg6 : memref<256xi32, #tpu.memory_space<vmem>>) semaphore(%arg10 : memref<!tpu.dma_semaphore, #tpu.memory_space<semaphore_mem>>)
    %dma_wait3A = arith.constant 0 : i32
    %dma_wait3A_10 = arith.constant 0 : i32
    %dma_wait3A_11 = tpu.memref_slice %arg3[%dma_wait3A, %dma_wait3A_10] : memref<8192x128xf32, #tpu.memory_space<hbm>> -> memref<8192x128xf32, #tpu.memory_space<hbm>>
    tpu.wait_indirect_dma semaphore(%arg9 : memref<!tpu.dma_semaphore, #tpu.memory_space<semaphore_mem>>) src(%dma_wait3A_11 : memref<8192x128xf32, #tpu.memory_space<hbm>>) dst(%arg7 : memref<256x128xf32, #tpu.memory_space<vmem>>)
    %add3A_12 = arith.constant 0 : i32
    %add3A_13 = arith.addi %mul3A_2, %add3A_12 : i32
    %dma_start3A_14 = arith.constant 0 : i32
    %dma_start3A_15 = tpu.memref_slice %arg4[%add3A_13, %dma_start3A_14] : memref<65536x128xf32, #tpu.memory_space<hbm>> -> memref<256x128xf32, #tpu.memory_space<hbm>>
    %dma_start3A_16 = arith.constant 0 : i32
    %dma_start3A_17 = tpu.memref_slice %arg4[%add3A_13, %dma_start3A_16] : memref<65536x128xf32, #tpu.memory_space<hbm>> -> memref<256x128xf32, #tpu.memory_space<hbm>>
    tpu.enqueue_dma source(%arg7 : memref<256x128xf32, #tpu.memory_space<vmem>>) target(%dma_start3A_17 : memref<256x128xf32, #tpu.memory_space<hbm>>) target_semaphore(%arg11 : memref<!tpu.dma_semaphore, #tpu.memory_space<semaphore_mem>>)
    %add3A_18 = arith.constant 512 : i32
    %add3A_19 = arith.addi %mul3A_2, %add3A_18 : i32
    "tpu.region"() ({
      %run_scoped3A = tpu.sem_alloc : memref<!tpu.dma_semaphore, #tpu.memory_space<semaphore_mem>>
      %dma_start3A_143 = tpu.memref_slice %arg2[%add3A_19] : memref<65536xi32, #tpu.memory_space<hbm>> -> memref<256xi32, #tpu.memory_space<hbm>>
      %dma_start3A_144 = tpu.memref_slice %arg2[%add3A_19] : memref<65536xi32, #tpu.memory_space<hbm>> -> memref<256xi32, #tpu.memory_space<hbm>>
      tpu.enqueue_dma source(%dma_start3A_144 : memref<256xi32, #tpu.memory_space<hbm>>) target(%arg5 : memref<256xi32, #tpu.memory_space<vmem>>) target_semaphore(%run_scoped3A : memref<!tpu.dma_semaphore, #tpu.memory_space<semaphore_mem>>)
      %dma_wait3A_145 = tpu.memref_slice %arg2[%add3A_19] : memref<65536xi32, #tpu.memory_space<hbm>> -> memref<256xi32, #tpu.memory_space<hbm>>
      %dma_wait3A_146 = tpu.memref_slice %arg2[%add3A_19] : memref<65536xi32, #tpu.memory_space<hbm>> -> memref<256xi32, #tpu.memory_space<hbm>>
      tpu.wait_dma2 semaphore(%run_scoped3A : memref<!tpu.dma_semaphore, #tpu.memory_space<semaphore_mem>>) src(%dma_wait3A_146 : memref<256xi32, #tpu.memory_space<hbm>>) dst(%arg5 : memref<256xi32, #tpu.memory_space<vmem>>)
      tpu.yield
    }) : () -> ()
    %dma_wait3A_20 = arith.constant 0 : i32
    %dma_wait3A_21 = tpu.memref_slice %arg4[%add3A_13, %dma_wait3A_20] : memref<65536x128xf32, #tpu.memory_space<hbm>> -> memref<256x128xf32, #tpu.memory_space<hbm>>
    %dma_wait3A_22 = arith.constant 0 : i32
    %dma_wait3A_23 = tpu.memref_slice %arg4[%add3A_13, %dma_wait3A_22] : memref<65536x128xf32, #tpu.memory_space<hbm>> -> memref<256x128xf32, #tpu.memory_space<hbm>>
    tpu.wait_dma2 semaphore(%arg11 : memref<!tpu.dma_semaphore, #tpu.memory_space<semaphore_mem>>) src(%arg7 : memref<256x128xf32, #tpu.memory_space<vmem>>) dst(%dma_wait3A_23 : memref<256x128xf32, #tpu.memory_space<hbm>>)
    %dma_start3A_24 = arith.constant 0 : i32
    %dma_start3A_25 = arith.constant 0 : i32
    %dma_start3A_26 = tpu.memref_slice %arg3[%dma_start3A_24, %dma_start3A_25] : memref<8192x128xf32, #tpu.memory_space<hbm>> -> memref<8192x128xf32, #tpu.memory_space<hbm>>
    tpu.enqueue_indirect_dma source(%dma_start3A_26 : memref<8192x128xf32, #tpu.memory_space<hbm>>) target(%arg7 : memref<256x128xf32, #tpu.memory_space<vmem>>) offsets(%arg5 : memref<256xi32, #tpu.memory_space<vmem>>) semaphore(%arg9 : memref<!tpu.dma_semaphore, #tpu.memory_space<semaphore_mem>>)
    %dma_wait3A_27 = arith.constant 0 : i32
    %dma_wait3A_28 = arith.constant 0 : i32
    %dma_wait3A_29 = tpu.memref_slice %arg3[%dma_wait3A_27, %dma_wait3A_28] : memref<8192x128xf32, #tpu.memory_space<hbm>> -> memref<8192x128xf32, #tpu.memory_space<hbm>>
    tpu.wait_indirect_dma semaphore(%arg10 : memref<!tpu.dma_semaphore, #tpu.memory_space<semaphore_mem>>) src(%dma_wait3A_29 : memref<8192x128xf32, #tpu.memory_space<hbm>>) dst(%arg8 : memref<256x128xf32, #tpu.memory_space<vmem>>)
    %add3A_30 = arith.constant 256 : i32
    %add3A_31 = arith.addi %mul3A_2, %add3A_30 : i32
    %dma_start3A_32 = arith.constant 0 : i32
    %dma_start3A_33 = tpu.memref_slice %arg4[%add3A_31, %dma_start3A_32] : memref<65536x128xf32, #tpu.memory_space<hbm>> -> memref<256x128xf32, #tpu.memory_space<hbm>>
    %dma_start3A_34 = arith.constant 0 : i32
    %dma_start3A_35 = tpu.memref_slice %arg4[%add3A_31, %dma_start3A_34] : memref<65536x128xf32, #tpu.memory_space<hbm>> -> memref<256x128xf32, #tpu.memory_space<hbm>>
    tpu.enqueue_dma source(%arg8 : memref<256x128xf32, #tpu.memory_space<vmem>>) target(%dma_start3A_35 : memref<256x128xf32, #tpu.memory_space<hbm>>) target_semaphore(%arg12 : memref<!tpu.dma_semaphore, #tpu.memory_space<semaphore_mem>>)
    %add3A_36 = arith.constant 768 : i32
    %add3A_37 = arith.addi %mul3A_2, %add3A_36 : i32
    "tpu.region"() ({
      %run_scoped3A = tpu.sem_alloc : memref<!tpu.dma_semaphore, #tpu.memory_space<semaphore_mem>>
      %dma_start3A_143 = tpu.memref_slice %arg2[%add3A_37] : memref<65536xi32, #tpu.memory_space<hbm>> -> memref<256xi32, #tpu.memory_space<hbm>>
      %dma_start3A_144 = tpu.memref_slice %arg2[%add3A_37] : memref<65536xi32, #tpu.memory_space<hbm>> -> memref<256xi32, #tpu.memory_space<hbm>>
      tpu.enqueue_dma source(%dma_start3A_144 : memref<256xi32, #tpu.memory_space<hbm>>) target(%arg6 : memref<256xi32, #tpu.memory_space<vmem>>) target_semaphore(%run_scoped3A : memref<!tpu.dma_semaphore, #tpu.memory_space<semaphore_mem>>)
      %dma_wait3A_145 = tpu.memref_slice %arg2[%add3A_37] : memref<65536xi32, #tpu.memory_space<hbm>> -> memref<256xi32, #tpu.memory_space<hbm>>
      %dma_wait3A_146 = tpu.memref_slice %arg2[%add3A_37] : memref<65536xi32, #tpu.memory_space<hbm>> -> memref<256xi32, #tpu.memory_space<hbm>>
      tpu.wait_dma2 semaphore(%run_scoped3A : memref<!tpu.dma_semaphore, #tpu.memory_space<semaphore_mem>>) src(%dma_wait3A_146 : memref<256xi32, #tpu.memory_space<hbm>>) dst(%arg6 : memref<256xi32, #tpu.memory_space<vmem>>)
      tpu.yield
    }) : () -> ()
    %dma_wait3A_38 = arith.constant 0 : i32
    %dma_wait3A_39 = tpu.memref_slice %arg4[%add3A_31, %dma_wait3A_38] : memref<65536x128xf32, #tpu.memory_space<hbm>> -> memref<256x128xf32, #tpu.memory_space<hbm>>
    %dma_wait3A_40 = arith.constant 0 : i32
    %dma_wait3A_41 = tpu.memref_slice %arg4[%add3A_31, %dma_wait3A_40] : memref<65536x128xf32, #tpu.memory_space<hbm>> -> memref<256x128xf32, #tpu.memory_space<hbm>>
    tpu.wait_dma2 semaphore(%arg12 : memref<!tpu.dma_semaphore, #tpu.memory_space<semaphore_mem>>) src(%arg8 : memref<256x128xf32, #tpu.memory_space<vmem>>) dst(%dma_wait3A_41 : memref<256x128xf32, #tpu.memory_space<hbm>>)
    %dma_start3A_42 = arith.constant 0 : i32
    %dma_start3A_43 = arith.constant 0 : i32
    %dma_start3A_44 = tpu.memref_slice %arg3[%dma_start3A_42, %dma_start3A_43] : memref<8192x128xf32, #tpu.memory_space<hbm>> -> memref<8192x128xf32, #tpu.memory_space<hbm>>
    tpu.enqueue_indirect_dma source(%dma_start3A_44 : memref<8192x128xf32, #tpu.memory_space<hbm>>) target(%arg8 : memref<256x128xf32, #tpu.memory_space<vmem>>) offsets(%arg6 : memref<256xi32, #tpu.memory_space<vmem>>) semaphore(%arg10 : memref<!tpu.dma_semaphore, #tpu.memory_space<semaphore_mem>>)
    %dma_wait3A_45 = arith.constant 0 : i32
    %dma_wait3A_46 = arith.constant 0 : i32
    %dma_wait3A_47 = tpu.memref_slice %arg3[%dma_wait3A_45, %dma_wait3A_46] : memref<8192x128xf32, #tpu.memory_space<hbm>> -> memref<8192x128xf32, #tpu.memory_space<hbm>>
    tpu.wait_indirect_dma semaphore(%arg9 : memref<!tpu.dma_semaphore, #tpu.memory_space<semaphore_mem>>) src(%dma_wait3A_47 : memref<8192x128xf32, #tpu.memory_space<hbm>>) dst(%arg7 : memref<256x128xf32, #tpu.memory_space<vmem>>)
    %add3A_48 = arith.constant 512 : i32
    %add3A_49 = arith.addi %mul3A_2, %add3A_48 : i32
    %dma_start3A_50 = arith.constant 0 : i32
    %dma_start3A_51 = tpu.memref_slice %arg4[%add3A_49, %dma_start3A_50] : memref<65536x128xf32, #tpu.memory_space<hbm>> -> memref<256x128xf32, #tpu.memory_space<hbm>>
    %dma_start3A_52 = arith.constant 0 : i32
    %dma_start3A_53 = tpu.memref_slice %arg4[%add3A_49, %dma_start3A_52] : memref<65536x128xf32, #tpu.memory_space<hbm>> -> memref<256x128xf32, #tpu.memory_space<hbm>>
    tpu.enqueue_dma source(%arg7 : memref<256x128xf32, #tpu.memory_space<vmem>>) target(%dma_start3A_53 : memref<256x128xf32, #tpu.memory_space<hbm>>) target_semaphore(%arg11 : memref<!tpu.dma_semaphore, #tpu.memory_space<semaphore_mem>>)
    %add3A_54 = arith.constant 1024 : i32
    %add3A_55 = arith.addi %mul3A_2, %add3A_54 : i32
    "tpu.region"() ({
      %run_scoped3A = tpu.sem_alloc : memref<!tpu.dma_semaphore, #tpu.memory_space<semaphore_mem>>
      %dma_start3A_143 = tpu.memref_slice %arg2[%add3A_55] : memref<65536xi32, #tpu.memory_space<hbm>> -> memref<256xi32, #tpu.memory_space<hbm>>
      %dma_start3A_144 = tpu.memref_slice %arg2[%add3A_55] : memref<65536xi32, #tpu.memory_space<hbm>> -> memref<256xi32, #tpu.memory_space<hbm>>
      tpu.enqueue_dma source(%dma_start3A_144 : memref<256xi32, #tpu.memory_space<hbm>>) target(%arg5 : memref<256xi32, #tpu.memory_space<vmem>>) target_semaphore(%run_scoped3A : memref<!tpu.dma_semaphore, #tpu.memory_space<semaphore_mem>>)
      %dma_wait3A_145 = tpu.memref_slice %arg2[%add3A_55] : memref<65536xi32, #tpu.memory_space<hbm>> -> memref<256xi32, #tpu.memory_space<hbm>>
      %dma_wait3A_146 = tpu.memref_slice %arg2[%add3A_55] : memref<65536xi32, #tpu.memory_space<hbm>> -> memref<256xi32, #tpu.memory_space<hbm>>
      tpu.wait_dma2 semaphore(%run_scoped3A : memref<!tpu.dma_semaphore, #tpu.memory_space<semaphore_mem>>) src(%dma_wait3A_146 : memref<256xi32, #tpu.memory_space<hbm>>) dst(%arg5 : memref<256xi32, #tpu.memory_space<vmem>>)
      tpu.yield
    }) : () -> ()
    %dma_wait3A_56 = arith.constant 0 : i32
    %dma_wait3A_57 = tpu.memref_slice %arg4[%add3A_49, %dma_wait3A_56] : memref<65536x128xf32, #tpu.memory_space<hbm>> -> memref<256x128xf32, #tpu.memory_space<hbm>>
    %dma_wait3A_58 = arith.constant 0 : i32
    %dma_wait3A_59 = tpu.memref_slice %arg4[%add3A_49, %dma_wait3A_58] : memref<65536x128xf32, #tpu.memory_space<hbm>> -> memref<256x128xf32, #tpu.memory_space<hbm>>
    tpu.wait_dma2 semaphore(%arg11 : memref<!tpu.dma_semaphore, #tpu.memory_space<semaphore_mem>>) src(%arg7 : memref<256x128xf32, #tpu.memory_space<vmem>>) dst(%dma_wait3A_59 : memref<256x128xf32, #tpu.memory_space<hbm>>)
    %dma_start3A_60 = arith.constant 0 : i32
    %dma_start3A_61 = arith.constant 0 : i32
    %dma_start3A_62 = tpu.memref_slice %arg3[%dma_start3A_60, %dma_start3A_61] : memref<8192x128xf32, #tpu.memory_space<hbm>> -> memref<8192x128xf32, #tpu.memory_space<hbm>>
    tpu.enqueue_indirect_dma source(%dma_start3A_62 : memref<8192x128xf32, #tpu.memory_space<hbm>>) target(%arg7 : memref<256x128xf32, #tpu.memory_space<vmem>>) offsets(%arg5 : memref<256xi32, #tpu.memory_space<vmem>>) semaphore(%arg9 : memref<!tpu.dma_semaphore, #tpu.memory_space<semaphore_mem>>)
    %dma_wait3A_63 = arith.constant 0 : i32
    %dma_wait3A_64 = arith.constant 0 : i32
    %dma_wait3A_65 = tpu.memref_slice %arg3[%dma_wait3A_63, %dma_wait3A_64] : memref<8192x128xf32, #tpu.memory_space<hbm>> -> memref<8192x128xf32, #tpu.memory_space<hbm>>
    tpu.wait_indirect_dma semaphore(%arg10 : memref<!tpu.dma_semaphore, #tpu.memory_space<semaphore_mem>>) src(%dma_wait3A_65 : memref<8192x128xf32, #tpu.memory_space<hbm>>) dst(%arg8 : memref<256x128xf32, #tpu.memory_space<vmem>>)
    %add3A_66 = arith.constant 768 : i32
    %add3A_67 = arith.addi %mul3A_2, %add3A_66 : i32
    %dma_start3A_68 = arith.constant 0 : i32
    %dma_start3A_69 = tpu.memref_slice %arg4[%add3A_67, %dma_start3A_68] : memref<65536x128xf32, #tpu.memory_space<hbm>> -> memref<256x128xf32, #tpu.memory_space<hbm>>
    %dma_start3A_70 = arith.constant 0 : i32
    %dma_start3A_71 = tpu.memref_slice %arg4[%add3A_67, %dma_start3A_70] : memref<65536x128xf32, #tpu.memory_space<hbm>> -> memref<256x128xf32, #tpu.memory_space<hbm>>
    tpu.enqueue_dma source(%arg8 : memref<256x128xf32, #tpu.memory_space<vmem>>) target(%dma_start3A_71 : memref<256x128xf32, #tpu.memory_space<hbm>>) target_semaphore(%arg12 : memref<!tpu.dma_semaphore, #tpu.memory_space<semaphore_mem>>)
    %add3A_72 = arith.constant 1280 : i32
    %add3A_73 = arith.addi %mul3A_2, %add3A_72 : i32
    "tpu.region"() ({
      %run_scoped3A = tpu.sem_alloc : memref<!tpu.dma_semaphore, #tpu.memory_space<semaphore_mem>>
      %dma_start3A_143 = tpu.memref_slice %arg2[%add3A_73] : memref<65536xi32, #tpu.memory_space<hbm>> -> memref<256xi32, #tpu.memory_space<hbm>>
      %dma_start3A_144 = tpu.memref_slice %arg2[%add3A_73] : memref<65536xi32, #tpu.memory_space<hbm>> -> memref<256xi32, #tpu.memory_space<hbm>>
      tpu.enqueue_dma source(%dma_start3A_144 : memref<256xi32, #tpu.memory_space<hbm>>) target(%arg6 : memref<256xi32, #tpu.memory_space<vmem>>) target_semaphore(%run_scoped3A : memref<!tpu.dma_semaphore, #tpu.memory_space<semaphore_mem>>)
      %dma_wait3A_145 = tpu.memref_slice %arg2[%add3A_73] : memref<65536xi32, #tpu.memory_space<hbm>> -> memref<256xi32, #tpu.memory_space<hbm>>
      %dma_wait3A_146 = tpu.memref_slice %arg2[%add3A_73] : memref<65536xi32, #tpu.memory_space<hbm>> -> memref<256xi32, #tpu.memory_space<hbm>>
      tpu.wait_dma2 semaphore(%run_scoped3A : memref<!tpu.dma_semaphore, #tpu.memory_space<semaphore_mem>>) src(%dma_wait3A_146 : memref<256xi32, #tpu.memory_space<hbm>>) dst(%arg6 : memref<256xi32, #tpu.memory_space<vmem>>)
      tpu.yield
    }) : () -> ()
    %dma_wait3A_74 = arith.constant 0 : i32
    %dma_wait3A_75 = tpu.memref_slice %arg4[%add3A_67, %dma_wait3A_74] : memref<65536x128xf32, #tpu.memory_space<hbm>> -> memref<256x128xf32, #tpu.memory_space<hbm>>
    %dma_wait3A_76 = arith.constant 0 : i32
    %dma_wait3A_77 = tpu.memref_slice %arg4[%add3A_67, %dma_wait3A_76] : memref<65536x128xf32, #tpu.memory_space<hbm>> -> memref<256x128xf32, #tpu.memory_space<hbm>>
    tpu.wait_dma2 semaphore(%arg12 : memref<!tpu.dma_semaphore, #tpu.memory_space<semaphore_mem>>) src(%arg8 : memref<256x128xf32, #tpu.memory_space<vmem>>) dst(%dma_wait3A_77 : memref<256x128xf32, #tpu.memory_space<hbm>>)
    %dma_start3A_78 = arith.constant 0 : i32
    %dma_start3A_79 = arith.constant 0 : i32
    %dma_start3A_80 = tpu.memref_slice %arg3[%dma_start3A_78, %dma_start3A_79] : memref<8192x128xf32, #tpu.memory_space<hbm>> -> memref<8192x128xf32, #tpu.memory_space<hbm>>
    tpu.enqueue_indirect_dma source(%dma_start3A_80 : memref<8192x128xf32, #tpu.memory_space<hbm>>) target(%arg8 : memref<256x128xf32, #tpu.memory_space<vmem>>) offsets(%arg6 : memref<256xi32, #tpu.memory_space<vmem>>) semaphore(%arg10 : memref<!tpu.dma_semaphore, #tpu.memory_space<semaphore_mem>>)
    %dma_wait3A_81 = arith.constant 0 : i32
    %dma_wait3A_82 = arith.constant 0 : i32
    %dma_wait3A_83 = tpu.memref_slice %arg3[%dma_wait3A_81, %dma_wait3A_82] : memref<8192x128xf32, #tpu.memory_space<hbm>> -> memref<8192x128xf32, #tpu.memory_space<hbm>>
    tpu.wait_indirect_dma semaphore(%arg9 : memref<!tpu.dma_semaphore, #tpu.memory_space<semaphore_mem>>) src(%dma_wait3A_83 : memref<8192x128xf32, #tpu.memory_space<hbm>>) dst(%arg7 : memref<256x128xf32, #tpu.memory_space<vmem>>)
    %add3A_84 = arith.constant 1024 : i32
    %add3A_85 = arith.addi %mul3A_2, %add3A_84 : i32
    %dma_start3A_86 = arith.constant 0 : i32
    %dma_start3A_87 = tpu.memref_slice %arg4[%add3A_85, %dma_start3A_86] : memref<65536x128xf32, #tpu.memory_space<hbm>> -> memref<256x128xf32, #tpu.memory_space<hbm>>
    %dma_start3A_88 = arith.constant 0 : i32
    %dma_start3A_89 = tpu.memref_slice %arg4[%add3A_85, %dma_start3A_88] : memref<65536x128xf32, #tpu.memory_space<hbm>> -> memref<256x128xf32, #tpu.memory_space<hbm>>
    tpu.enqueue_dma source(%arg7 : memref<256x128xf32, #tpu.memory_space<vmem>>) target(%dma_start3A_89 : memref<256x128xf32, #tpu.memory_space<hbm>>) target_semaphore(%arg11 : memref<!tpu.dma_semaphore, #tpu.memory_space<semaphore_mem>>)
    %add3A_90 = arith.constant 1536 : i32
    %add3A_91 = arith.addi %mul3A_2, %add3A_90 : i32
    "tpu.region"() ({
      %run_scoped3A = tpu.sem_alloc : memref<!tpu.dma_semaphore, #tpu.memory_space<semaphore_mem>>
      %dma_start3A_143 = tpu.memref_slice %arg2[%add3A_91] : memref<65536xi32, #tpu.memory_space<hbm>> -> memref<256xi32, #tpu.memory_space<hbm>>
      %dma_start3A_144 = tpu.memref_slice %arg2[%add3A_91] : memref<65536xi32, #tpu.memory_space<hbm>> -> memref<256xi32, #tpu.memory_space<hbm>>
      tpu.enqueue_dma source(%dma_start3A_144 : memref<256xi32, #tpu.memory_space<hbm>>) target(%arg5 : memref<256xi32, #tpu.memory_space<vmem>>) target_semaphore(%run_scoped3A : memref<!tpu.dma_semaphore, #tpu.memory_space<semaphore_mem>>)
      %dma_wait3A_145 = tpu.memref_slice %arg2[%add3A_91] : memref<65536xi32, #tpu.memory_space<hbm>> -> memref<256xi32, #tpu.memory_space<hbm>>
      %dma_wait3A_146 = tpu.memref_slice %arg2[%add3A_91] : memref<65536xi32, #tpu.memory_space<hbm>> -> memref<256xi32, #tpu.memory_space<hbm>>
      tpu.wait_dma2 semaphore(%run_scoped3A : memref<!tpu.dma_semaphore, #tpu.memory_space<semaphore_mem>>) src(%dma_wait3A_146 : memref<256xi32, #tpu.memory_space<hbm>>) dst(%arg5 : memref<256xi32, #tpu.memory_space<vmem>>)
      tpu.yield
    }) : () -> ()
    %dma_wait3A_92 = arith.constant 0 : i32
    %dma_wait3A_93 = tpu.memref_slice %arg4[%add3A_85, %dma_wait3A_92] : memref<65536x128xf32, #tpu.memory_space<hbm>> -> memref<256x128xf32, #tpu.memory_space<hbm>>
    %dma_wait3A_94 = arith.constant 0 : i32
    %dma_wait3A_95 = tpu.memref_slice %arg4[%add3A_85, %dma_wait3A_94] : memref<65536x128xf32, #tpu.memory_space<hbm>> -> memref<256x128xf32, #tpu.memory_space<hbm>>
    tpu.wait_dma2 semaphore(%arg11 : memref<!tpu.dma_semaphore, #tpu.memory_space<semaphore_mem>>) src(%arg7 : memref<256x128xf32, #tpu.memory_space<vmem>>) dst(%dma_wait3A_95 : memref<256x128xf32, #tpu.memory_space<hbm>>)
    %dma_start3A_96 = arith.constant 0 : i32
    %dma_start3A_97 = arith.constant 0 : i32
    %dma_start3A_98 = tpu.memref_slice %arg3[%dma_start3A_96, %dma_start3A_97] : memref<8192x128xf32, #tpu.memory_space<hbm>> -> memref<8192x128xf32, #tpu.memory_space<hbm>>
    tpu.enqueue_indirect_dma source(%dma_start3A_98 : memref<8192x128xf32, #tpu.memory_space<hbm>>) target(%arg7 : memref<256x128xf32, #tpu.memory_space<vmem>>) offsets(%arg5 : memref<256xi32, #tpu.memory_space<vmem>>) semaphore(%arg9 : memref<!tpu.dma_semaphore, #tpu.memory_space<semaphore_mem>>)
    %dma_wait3A_99 = arith.constant 0 : i32
    %dma_wait3A_100 = arith.constant 0 : i32
    %dma_wait3A_101 = tpu.memref_slice %arg3[%dma_wait3A_99, %dma_wait3A_100] : memref<8192x128xf32, #tpu.memory_space<hbm>> -> memref<8192x128xf32, #tpu.memory_space<hbm>>
    tpu.wait_indirect_dma semaphore(%arg10 : memref<!tpu.dma_semaphore, #tpu.memory_space<semaphore_mem>>) src(%dma_wait3A_101 : memref<8192x128xf32, #tpu.memory_space<hbm>>) dst(%arg8 : memref<256x128xf32, #tpu.memory_space<vmem>>)
    %add3A_102 = arith.constant 1280 : i32
    %add3A_103 = arith.addi %mul3A_2, %add3A_102 : i32
    %dma_start3A_104 = arith.constant 0 : i32
    %dma_start3A_105 = tpu.memref_slice %arg4[%add3A_103, %dma_start3A_104] : memref<65536x128xf32, #tpu.memory_space<hbm>> -> memref<256x128xf32, #tpu.memory_space<hbm>>
    %dma_start3A_106 = arith.constant 0 : i32
    %dma_start3A_107 = tpu.memref_slice %arg4[%add3A_103, %dma_start3A_106] : memref<65536x128xf32, #tpu.memory_space<hbm>> -> memref<256x128xf32, #tpu.memory_space<hbm>>
    tpu.enqueue_dma source(%arg8 : memref<256x128xf32, #tpu.memory_space<vmem>>) target(%dma_start3A_107 : memref<256x128xf32, #tpu.memory_space<hbm>>) target_semaphore(%arg12 : memref<!tpu.dma_semaphore, #tpu.memory_space<semaphore_mem>>)
    %add3A_108 = arith.constant 1792 : i32
    %add3A_109 = arith.addi %mul3A_2, %add3A_108 : i32
    "tpu.region"() ({
      %run_scoped3A = tpu.sem_alloc : memref<!tpu.dma_semaphore, #tpu.memory_space<semaphore_mem>>
      %dma_start3A_143 = tpu.memref_slice %arg2[%add3A_109] : memref<65536xi32, #tpu.memory_space<hbm>> -> memref<256xi32, #tpu.memory_space<hbm>>
      %dma_start3A_144 = tpu.memref_slice %arg2[%add3A_109] : memref<65536xi32, #tpu.memory_space<hbm>> -> memref<256xi32, #tpu.memory_space<hbm>>
      tpu.enqueue_dma source(%dma_start3A_144 : memref<256xi32, #tpu.memory_space<hbm>>) target(%arg6 : memref<256xi32, #tpu.memory_space<vmem>>) target_semaphore(%run_scoped3A : memref<!tpu.dma_semaphore, #tpu.memory_space<semaphore_mem>>)
      %dma_wait3A_145 = tpu.memref_slice %arg2[%add3A_109] : memref<65536xi32, #tpu.memory_space<hbm>> -> memref<256xi32, #tpu.memory_space<hbm>>
      %dma_wait3A_146 = tpu.memref_slice %arg2[%add3A_109] : memref<65536xi32, #tpu.memory_space<hbm>> -> memref<256xi32, #tpu.memory_space<hbm>>
      tpu.wait_dma2 semaphore(%run_scoped3A : memref<!tpu.dma_semaphore, #tpu.memory_space<semaphore_mem>>) src(%dma_wait3A_146 : memref<256xi32, #tpu.memory_space<hbm>>) dst(%arg6 : memref<256xi32, #tpu.memory_space<vmem>>)
      tpu.yield
    }) : () -> ()
    %dma_wait3A_110 = arith.constant 0 : i32
    %dma_wait3A_111 = tpu.memref_slice %arg4[%add3A_103, %dma_wait3A_110] : memref<65536x128xf32, #tpu.memory_space<hbm>> -> memref<256x128xf32, #tpu.memory_space<hbm>>
    %dma_wait3A_112 = arith.constant 0 : i32
    %dma_wait3A_113 = tpu.memref_slice %arg4[%add3A_103, %dma_wait3A_112] : memref<65536x128xf32, #tpu.memory_space<hbm>> -> memref<256x128xf32, #tpu.memory_space<hbm>>
    tpu.wait_dma2 semaphore(%arg12 : memref<!tpu.dma_semaphore, #tpu.memory_space<semaphore_mem>>) src(%arg8 : memref<256x128xf32, #tpu.memory_space<vmem>>) dst(%dma_wait3A_113 : memref<256x128xf32, #tpu.memory_space<hbm>>)
    %dma_start3A_114 = arith.constant 0 : i32
    %dma_start3A_115 = arith.constant 0 : i32
    %dma_start3A_116 = tpu.memref_slice %arg3[%dma_start3A_114, %dma_start3A_115] : memref<8192x128xf32, #tpu.memory_space<hbm>> -> memref<8192x128xf32, #tpu.memory_space<hbm>>
    tpu.enqueue_indirect_dma source(%dma_start3A_116 : memref<8192x128xf32, #tpu.memory_space<hbm>>) target(%arg8 : memref<256x128xf32, #tpu.memory_space<vmem>>) offsets(%arg6 : memref<256xi32, #tpu.memory_space<vmem>>) semaphore(%arg10 : memref<!tpu.dma_semaphore, #tpu.memory_space<semaphore_mem>>)
    %dma_wait3A_117 = arith.constant 0 : i32
    %dma_wait3A_118 = arith.constant 0 : i32
    %dma_wait3A_119 = tpu.memref_slice %arg3[%dma_wait3A_117, %dma_wait3A_118] : memref<8192x128xf32, #tpu.memory_space<hbm>> -> memref<8192x128xf32, #tpu.memory_space<hbm>>
    tpu.wait_indirect_dma semaphore(%arg9 : memref<!tpu.dma_semaphore, #tpu.memory_space<semaphore_mem>>) src(%dma_wait3A_119 : memref<8192x128xf32, #tpu.memory_space<hbm>>) dst(%arg7 : memref<256x128xf32, #tpu.memory_space<vmem>>)
    %add3A_120 = arith.constant 1536 : i32
    %add3A_121 = arith.addi %mul3A_2, %add3A_120 : i32
    %dma_start3A_122 = arith.constant 0 : i32
    %dma_start3A_123 = tpu.memref_slice %arg4[%add3A_121, %dma_start3A_122] : memref<65536x128xf32, #tpu.memory_space<hbm>> -> memref<256x128xf32, #tpu.memory_space<hbm>>
    %dma_start3A_124 = arith.constant 0 : i32
    %dma_start3A_125 = tpu.memref_slice %arg4[%add3A_121, %dma_start3A_124] : memref<65536x128xf32, #tpu.memory_space<hbm>> -> memref<256x128xf32, #tpu.memory_space<hbm>>
    tpu.enqueue_dma source(%arg7 : memref<256x128xf32, #tpu.memory_space<vmem>>) target(%dma_start3A_125 : memref<256x128xf32, #tpu.memory_space<hbm>>) target_semaphore(%arg11 : memref<!tpu.dma_semaphore, #tpu.memory_space<semaphore_mem>>)
    %dma_wait3A_126 = arith.constant 0 : i32
    %dma_wait3A_127 = arith.constant 0 : i32
    %dma_wait3A_128 = tpu.memref_slice %arg3[%dma_wait3A_126, %dma_wait3A_127] : memref<8192x128xf32, #tpu.memory_space<hbm>> -> memref<8192x128xf32, #tpu.memory_space<hbm>>
    tpu.wait_indirect_dma semaphore(%arg10 : memref<!tpu.dma_semaphore, #tpu.memory_space<semaphore_mem>>) src(%dma_wait3A_128 : memref<8192x128xf32, #tpu.memory_space<hbm>>) dst(%arg8 : memref<256x128xf32, #tpu.memory_space<vmem>>)
    %add3A_129 = arith.constant 1792 : i32
    %add3A_130 = arith.addi %mul3A_2, %add3A_129 : i32
    %dma_start3A_131 = arith.constant 0 : i32
    %dma_start3A_132 = tpu.memref_slice %arg4[%add3A_130, %dma_start3A_131] : memref<65536x128xf32, #tpu.memory_space<hbm>> -> memref<256x128xf32, #tpu.memory_space<hbm>>
    %dma_start3A_133 = arith.constant 0 : i32
    %dma_start3A_134 = tpu.memref_slice %arg4[%add3A_130, %dma_start3A_133] : memref<65536x128xf32, #tpu.memory_space<hbm>> -> memref<256x128xf32, #tpu.memory_space<hbm>>
    tpu.enqueue_dma source(%arg8 : memref<256x128xf32, #tpu.memory_space<vmem>>) target(%dma_start3A_134 : memref<256x128xf32, #tpu.memory_space<hbm>>) target_semaphore(%arg12 : memref<!tpu.dma_semaphore, #tpu.memory_space<semaphore_mem>>)
    %dma_wait3A_135 = arith.constant 0 : i32
    %dma_wait3A_136 = tpu.memref_slice %arg4[%add3A_130, %dma_wait3A_135] : memref<65536x128xf32, #tpu.memory_space<hbm>> -> memref<256x128xf32, #tpu.memory_space<hbm>>
    %dma_wait3A_137 = arith.constant 0 : i32
    %dma_wait3A_138 = tpu.memref_slice %arg4[%add3A_130, %dma_wait3A_137] : memref<65536x128xf32, #tpu.memory_space<hbm>> -> memref<256x128xf32, #tpu.memory_space<hbm>>
    tpu.wait_dma2 semaphore(%arg12 : memref<!tpu.dma_semaphore, #tpu.memory_space<semaphore_mem>>) src(%arg8 : memref<256x128xf32, #tpu.memory_space<vmem>>) dst(%dma_wait3A_138 : memref<256x128xf32, #tpu.memory_space<hbm>>)
    %dma_wait3A_139 = arith.constant 0 : i32
    %dma_wait3A_140 = tpu.memref_slice %arg4[%add3A_121, %dma_wait3A_139] : memref<65536x128xf32, #tpu.memory_space<hbm>> -> memref<256x128xf32, #tpu.memory_space<hbm>>
    %dma_wait3A_141 = arith.constant 0 : i32
    %dma_wait3A_142 = tpu.memref_slice %arg4[%add3A_121, %dma_wait3A_141] : memref<65536x128xf32, #tpu.memory_space<hbm>> -> memref<256x128xf32, #tpu.memory_space<hbm>>
    tpu.wait_dma2 semaphore(%arg11 : memref<!tpu.dma_semaphore, #tpu.memory_space<semaphore_mem>>) src(%arg7 : memref<256x128xf32, #tpu.memory_space<vmem>>) dst(%dma_wait3A_142 : memref<256x128xf32, #tpu.memory_space<hbm>>)
    return
  }
}

module attributes {stable_mosaic.version = 14 : i64} {
  func.func @_pretab_body(%arg0: i32, %arg1: memref<1x128x2048xf32, #tpu.memory_space<vmem>>, %arg2: memref<1x3x2048xf32, #tpu.memory_space<vmem>>, %arg3: memref<128x128xf32, #tpu.memory_space<vmem>>, %arg4: memref<3x128xf32, #tpu.memory_space<vmem>>, %arg5: memref<2048x128xf32, #tpu.memory_space<vmem>>) attributes {dimension_semantics = [#tpu.dimension_semantics<arbitrary>], iteration_bounds = array<i64: 4>, scalar_prefetch = 0 : i64, scratch_operands = 0 : i64, tpu.core_type = #tpu.core_type<tc>, window_params = [{transform_indices = @transform_0, window_bounds = array<i64: 1, 128, 2048>}, {transform_indices = @transform_1, window_bounds = array<i64: 1, 3, 2048>}, {pipeline_mode = #tpu.pipeline_mode<synchronous>, transform_indices = @transform_2, window_bounds = array<i64: 128, 128>}, {pipeline_mode = #tpu.pipeline_mode<synchronous>, transform_indices = @transform_3, window_bounds = array<i64: 3, 128>}, {transform_indices = @transform_4, window_bounds = array<i64: 2048, 128>}]} {
    %get3A = arith.constant 0 : index
    %get3A_0 = arith.constant 0 : index
    %get3A_1 = arith.constant 0 : index
    %get3A_2 = vector.load %arg1[%get3A, %get3A_0, %get3A_1] : memref<1x128x2048xf32, #tpu.memory_space<vmem>>, vector<1x128x2048xf32>
    %get3A_3 = vector.shape_cast %get3A_2 : vector<1x128x2048xf32> to vector<128x2048xf32>
    %get3A_4 = arith.constant 0 : index
    %get3A_5 = arith.constant 0 : index
    %get3A_6 = vector.load %arg3[%get3A_4, %get3A_5] : memref<128x128xf32, #tpu.memory_space<vmem>>, vector<128x128xf32>
    %dot_general3A = arith.constant dense<0.000000e+00> : vector<2048x128xf32>
    %dot_general3A_7 = tpu.matmul %get3A_3, %get3A_6, %dot_general3A {dimension_numbers = #tpu.dot_dimension_numbers<[0], [0], [1], [1], [0, 1, 1, 1], [], []>, transpose_lhs_hint = false} : vector<128x2048xf32>, vector<128x128xf32>, vector<2048x128xf32> -> vector<2048x128xf32>
    %get3A_8 = arith.constant 0 : index
    %get3A_9 = arith.constant 0 : index
    %get3A_10 = arith.constant 0 : index
    %get3A_11 = vector.load %arg2[%get3A_8, %get3A_9, %get3A_10] : memref<1x3x2048xf32, #tpu.memory_space<vmem>>, vector<1x3x2048xf32>
    %get3A_12 = vector.shape_cast %get3A_11 : vector<1x3x2048xf32> to vector<3x2048xf32>
    %get3A_13 = arith.constant 0 : index
    %get3A_14 = arith.constant 0 : index
    %get3A_15 = vector.load %arg4[%get3A_13, %get3A_14] : memref<3x128xf32, #tpu.memory_space<vmem>>, vector<3x128xf32>
    %dot_general3A_16 = arith.constant dense<0.000000e+00> : vector<2048x128xf32>
    %dot_general3A_17 = tpu.matmul %get3A_12, %get3A_15, %dot_general3A_16 {dimension_numbers = #tpu.dot_dimension_numbers<[0], [0], [1], [1], [0, 1, 1, 1], [], []>, transpose_lhs_hint = false} : vector<3x2048xf32>, vector<3x128xf32>, vector<2048x128xf32> -> vector<2048x128xf32>
    %add3A = arith.addf %dot_general3A_7, %dot_general3A_17 : vector<2048x128xf32>
    %swap3A = arith.constant 0 : index
    %swap3A_18 = arith.constant 0 : index
    %swap3A_19 = vector.load %arg5[%swap3A, %swap3A_18] : memref<2048x128xf32, #tpu.memory_space<vmem>>, vector<2048x128xf32>
    tpu.vector_store %arg5[%swap3A, %swap3A_18], %add3A {strides = array<i32>} : memref<2048x128xf32, #tpu.memory_space<vmem>>, vector<2048x128xf32>,
    return
  }
  func.func @transform_0(%arg0: i32) -> (i32, i32, i32) {
    %c0_i32 = arith.constant 0 : i32
    %c0_i32_0 = arith.constant 0 : i32
    %c0_i32_1 = arith.constant 0 : i32
    return %arg0, %c0_i32, %c0_i32_0 : i32, i32, i32
  }
  func.func @transform_1(%arg0: i32) -> (i32, i32, i32) {
    %c0_i32 = arith.constant 0 : i32
    %c0_i32_0 = arith.constant 0 : i32
    %c0_i32_1 = arith.constant 0 : i32
    return %arg0, %c0_i32, %c0_i32_0 : i32, i32, i32
  }
  func.func @transform_2(%arg0: i32) -> (i32, i32) {
    %c0_i32 = arith.constant 0 : i32
    %c0_i32_0 = arith.constant 0 : i32
    %c0_i32_1 = arith.constant 0 : i32
    return %c0_i32, %c0_i32_0 : i32, i32
  }
  func.func @transform_3(%arg0: i32) -> (i32, i32) {
    %c0_i32 = arith.constant 0 : i32
    %c0_i32_0 = arith.constant 0 : i32
    %c0_i32_1 = arith.constant 0 : i32
    return %c0_i32, %c0_i32_0 : i32, i32
  }
  func.func @transform_4(%arg0: i32) -> (i32, i32) {
    %c0_i32 = arith.constant 0 : i32
    %c0_i32_0 = arith.constant 0 : i32
    return %arg0, %c0_i32 : i32, i32
  }
}

module attributes {stable_mosaic.version = 14 : i64} {
  func.func @_topk_body(%arg0: i32, %arg1: i32, %arg2: memref<1x3x256xf32, #tpu.memory_space<vmem>>, %arg3: memref<1x3x2048xf32, #tpu.memory_space<vmem>>, %arg4: memref<1x256x16xi32, #tpu.memory_space<vmem>>) attributes {dimension_semantics = [#tpu.dimension_semantics<arbitrary>, #tpu.dimension_semantics<arbitrary>], iteration_bounds = array<i64: 2, 8>, scalar_prefetch = 0 : i64, scratch_operands = 0 : i64, tpu.core_type = #tpu.core_type<tc>, window_params = [{transform_indices = @transform_0, window_bounds = array<i64: 1, 3, 256>}, {transform_indices = @transform_1, window_bounds = array<i64: 1, 3, 2048>}, {transform_indices = @transform_2, window_bounds = array<i64: 1, 256, 16>}]} {
    %add3A = arith.constant 0 : i32
    %add3A_0 = arith.addi %arg0, %add3A : i32
    %get3A = arith.constant 0 : index
    %get3A_1 = arith.constant 0 : index
    %get3A_2 = arith.constant 0 : index
    %get3A_3 = vector.load %arg2[%get3A, %get3A_1, %get3A_2] : memref<1x3x256xf32, #tpu.memory_space<vmem>>, vector<1x3x256xf32>
    %get3A_4 = vector.shape_cast %get3A_3 : vector<1x3x256xf32> to vector<3x256xf32>
    %get3A_5 = arith.constant 0 : index
    %get3A_6 = arith.constant 0 : index
    %get3A_7 = arith.constant 0 : index
    %get3A_8 = vector.load %arg3[%get3A_5, %get3A_6, %get3A_7] : memref<1x3x2048xf32, #tpu.memory_space<vmem>>, vector<1x3x2048xf32>
    %get3A_9 = vector.shape_cast %get3A_8 : vector<1x3x2048xf32> to vector<3x2048xf32>
    %dot_general3A = arith.constant dense<0.000000e+00> : vector<256x2048xf32>
    %dot_general3A_10 = tpu.matmul %get3A_4, %get3A_9, %dot_general3A {dimension_numbers = #tpu.dot_dimension_numbers<[0], [0], [1], [1], [0, 1, 1, 1], [], []>, transpose_lhs_hint = false} : vector<3x256xf32>, vector<3x2048xf32>, vector<256x2048xf32> -> vector<256x2048xf32>
    %mul3A = arith.mulf %get3A_4, %get3A_4 : vector<3x256xf32>
    %reduce_sum3A = arith.constant dense<0.000000e+00> : vector<256xf32>
    %reduce_sum3A_11 = vector.multi_reduction <add>, %mul3A, %reduce_sum3A [0] : vector<3x256xf32> to vector<256xf32>
    %broadcast_in_dim3A = vector.shape_cast %reduce_sum3A_11 : vector<256xf32> to vector<256x1xf32>
    %mul3A_12 = arith.mulf %get3A_9, %get3A_9 : vector<3x2048xf32>
    %reduce_sum3A_13 = arith.constant dense<0.000000e+00> : vector<2048xf32>
    %reduce_sum3A_14 = vector.multi_reduction <add>, %mul3A_12, %reduce_sum3A_13 [0] : vector<3x2048xf32> to vector<2048xf32>
    %broadcast_in_dim3A_15 = vector.shape_cast %reduce_sum3A_14 : vector<2048xf32> to vector<1x2048xf32>
    %mul3A_16 = arith.constant -2.000000e+00 : f32
    %mul3A_17 = vector.broadcast %mul3A_16 : f32 to vector<256x2048xf32>
    %mul3A_18 = arith.mulf %mul3A_17, %dot_general3A_10 : vector<256x2048xf32>
    %add3A_19 = vector.broadcast %broadcast_in_dim3A : vector<256x1xf32> to vector<256x2048xf32>
    %add3A_20 = arith.addf %mul3A_18, %add3A_19 : vector<256x2048xf32>
    %add3A_21 = vector.broadcast %broadcast_in_dim3A_15 : vector<1x2048xf32> to vector<256x2048xf32>
    %add3A_22 = arith.addf %add3A_20, %add3A_21 : vector<256x2048xf32>
    %iota3A = tpu.iota {dimensions = array<i32: 1>} : vector<256x2048xi32>
    %argmin3A = tpu.reduce_index %add3A_22 {axis = 1 : i32, kind = #tpu.reduction_kind<arg_min>} : vector<256x2048xf32> -> vector<256xi32>
    %broadcast_in_dim3A_23 = vector.shape_cast %argmin3A : vector<256xi32> to vector<256x1xi32>
    %eq3A = vector.broadcast %broadcast_in_dim3A_23 : vector<256x1xi32> to vector<256x2048xi32>
    %eq3A_24 = arith.cmpi eq, %iota3A, %eq3A : vector<256x2048xi32>
    %jit3A = arith.constant 0x7F800000 : f32
    %broadcast_in_dim3A_25 = vector.broadcast %jit3A : f32 to vector<256x2048xf32>
    %select_n3A = arith.select %eq3A_24, %broadcast_in_dim3A_25, %add3A_22 : vector<256x2048xi1>, vector<256x2048xf32>
    %argmin3A_26 = tpu.reduce_index %select_n3A {axis = 1 : i32, kind = #tpu.reduction_kind<arg_min>} : vector<256x2048xf32> -> vector<256xi32>
    %broadcast_in_dim3A_27 = vector.shape_cast %argmin3A_26 : vector<256xi32> to vector<256x1xi32>
    %eq3A_28 = vector.broadcast %broadcast_in_dim3A_27 : vector<256x1xi32> to vector<256x2048xi32>
    %eq3A_29 = arith.cmpi eq, %iota3A, %eq3A_28 : vector<256x2048xi32>
    %jit3A_30 = arith.constant 0x7F800000 : f32
    %broadcast_in_dim3A_31 = vector.broadcast %jit3A_30 : f32 to vector<256x2048xf32>
    %select_n3A_32 = arith.select %eq3A_29, %broadcast_in_dim3A_31, %select_n3A : vector<256x2048xi1>, vector<256x2048xf32>
    %argmin3A_33 = tpu.reduce_index %select_n3A_32 {axis = 1 : i32, kind = #tpu.reduction_kind<arg_min>} : vector<256x2048xf32> -> vector<256xi32>
    %broadcast_in_dim3A_34 = vector.shape_cast %argmin3A_33 : vector<256xi32> to vector<256x1xi32>
    %eq3A_35 = vector.broadcast %broadcast_in_dim3A_34 : vector<256x1xi32> to vector<256x2048xi32>
    %eq3A_36 = arith.cmpi eq, %iota3A, %eq3A_35 : vector<256x2048xi32>
    %jit3A_37 = arith.constant 0x7F800000 : f32
    %broadcast_in_dim3A_38 = vector.broadcast %jit3A_37 : f32 to vector<256x2048xf32>
    %select_n3A_39 = arith.select %eq3A_36, %broadcast_in_dim3A_38, %select_n3A_32 : vector<256x2048xi1>, vector<256x2048xf32>
    %argmin3A_40 = tpu.reduce_index %select_n3A_39 {axis = 1 : i32, kind = #tpu.reduction_kind<arg_min>} : vector<256x2048xf32> -> vector<256xi32>
    %broadcast_in_dim3A_41 = vector.shape_cast %argmin3A_40 : vector<256xi32> to vector<256x1xi32>
    %eq3A_42 = vector.broadcast %broadcast_in_dim3A_41 : vector<256x1xi32> to vector<256x2048xi32>
    %eq3A_43 = arith.cmpi eq, %iota3A, %eq3A_42 : vector<256x2048xi32>
    %jit3A_44 = arith.constant 0x7F800000 : f32
    %broadcast_in_dim3A_45 = vector.broadcast %jit3A_44 : f32 to vector<256x2048xf32>
    %select_n3A_46 = arith.select %eq3A_43, %broadcast_in_dim3A_45, %select_n3A_39 : vector<256x2048xi1>, vector<256x2048xf32>
    %argmin3A_47 = tpu.reduce_index %select_n3A_46 {axis = 1 : i32, kind = #tpu.reduction_kind<arg_min>} : vector<256x2048xf32> -> vector<256xi32>
    %broadcast_in_dim3A_48 = vector.shape_cast %argmin3A_47 : vector<256xi32> to vector<256x1xi32>
    %eq3A_49 = vector.broadcast %broadcast_in_dim3A_48 : vector<256x1xi32> to vector<256x2048xi32>
    %eq3A_50 = arith.cmpi eq, %iota3A, %eq3A_49 : vector<256x2048xi32>
    %jit3A_51 = arith.constant 0x7F800000 : f32
    %broadcast_in_dim3A_52 = vector.broadcast %jit3A_51 : f32 to vector<256x2048xf32>
    %select_n3A_53 = arith.select %eq3A_50, %broadcast_in_dim3A_52, %select_n3A_46 : vector<256x2048xi1>, vector<256x2048xf32>
    %argmin3A_54 = tpu.reduce_index %select_n3A_53 {axis = 1 : i32, kind = #tpu.reduction_kind<arg_min>} : vector<256x2048xf32> -> vector<256xi32>
    %broadcast_in_dim3A_55 = vector.shape_cast %argmin3A_54 : vector<256xi32> to vector<256x1xi32>
    %eq3A_56 = vector.broadcast %broadcast_in_dim3A_55 : vector<256x1xi32> to vector<256x2048xi32>
    %eq3A_57 = arith.cmpi eq, %iota3A, %eq3A_56 : vector<256x2048xi32>
    %jit3A_58 = arith.constant 0x7F800000 : f32
    %broadcast_in_dim3A_59 = vector.broadcast %jit3A_58 : f32 to vector<256x2048xf32>
    %select_n3A_60 = arith.select %eq3A_57, %broadcast_in_dim3A_59, %select_n3A_53 : vector<256x2048xi1>, vector<256x2048xf32>
    %argmin3A_61 = tpu.reduce_index %select_n3A_60 {axis = 1 : i32, kind = #tpu.reduction_kind<arg_min>} : vector<256x2048xf32> -> vector<256xi32>
    %broadcast_in_dim3A_62 = vector.shape_cast %argmin3A_61 : vector<256xi32> to vector<256x1xi32>
    %eq3A_63 = vector.broadcast %broadcast_in_dim3A_62 : vector<256x1xi32> to vector<256x2048xi32>
    %eq3A_64 = arith.cmpi eq, %iota3A, %eq3A_63 : vector<256x2048xi32>
    %jit3A_65 = arith.constant 0x7F800000 : f32
    %broadcast_in_dim3A_66 = vector.broadcast %jit3A_65 : f32 to vector<256x2048xf32>
    %select_n3A_67 = arith.select %eq3A_64, %broadcast_in_dim3A_66, %select_n3A_60 : vector<256x2048xi1>, vector<256x2048xf32>
    %argmin3A_68 = tpu.reduce_index %select_n3A_67 {axis = 1 : i32, kind = #tpu.reduction_kind<arg_min>} : vector<256x2048xf32> -> vector<256xi32>
    %broadcast_in_dim3A_69 = vector.shape_cast %argmin3A_68 : vector<256xi32> to vector<256x1xi32>
    %eq3A_70 = vector.broadcast %broadcast_in_dim3A_69 : vector<256x1xi32> to vector<256x2048xi32>
    %eq3A_71 = arith.cmpi eq, %iota3A, %eq3A_70 : vector<256x2048xi32>
    %jit3A_72 = arith.constant 0x7F800000 : f32
    %broadcast_in_dim3A_73 = vector.broadcast %jit3A_72 : f32 to vector<256x2048xf32>
    %select_n3A_74 = arith.select %eq3A_71, %broadcast_in_dim3A_73, %select_n3A_67 : vector<256x2048xi1>, vector<256x2048xf32>
    %argmin3A_75 = tpu.reduce_index %select_n3A_74 {axis = 1 : i32, kind = #tpu.reduction_kind<arg_min>} : vector<256x2048xf32> -> vector<256xi32>
    %broadcast_in_dim3A_76 = vector.shape_cast %argmin3A_75 : vector<256xi32> to vector<256x1xi32>
    %eq3A_77 = vector.broadcast %broadcast_in_dim3A_76 : vector<256x1xi32> to vector<256x2048xi32>
    %eq3A_78 = arith.cmpi eq, %iota3A, %eq3A_77 : vector<256x2048xi32>
    %jit3A_79 = arith.constant 0x7F800000 : f32
    %broadcast_in_dim3A_80 = vector.broadcast %jit3A_79 : f32 to vector<256x2048xf32>
    %select_n3A_81 = arith.select %eq3A_78, %broadcast_in_dim3A_80, %select_n3A_74 : vector<256x2048xi1>, vector<256x2048xf32>
    %argmin3A_82 = tpu.reduce_index %select_n3A_81 {axis = 1 : i32, kind = #tpu.reduction_kind<arg_min>} : vector<256x2048xf32> -> vector<256xi32>
    %broadcast_in_dim3A_83 = vector.shape_cast %argmin3A_82 : vector<256xi32> to vector<256x1xi32>
    %eq3A_84 = vector.broadcast %broadcast_in_dim3A_83 : vector<256x1xi32> to vector<256x2048xi32>
    %eq3A_85 = arith.cmpi eq, %iota3A, %eq3A_84 : vector<256x2048xi32>
    %jit3A_86 = arith.constant 0x7F800000 : f32
    %broadcast_in_dim3A_87 = vector.broadcast %jit3A_86 : f32 to vector<256x2048xf32>
    %select_n3A_88 = arith.select %eq3A_85, %broadcast_in_dim3A_87, %select_n3A_81 : vector<256x2048xi1>, vector<256x2048xf32>
    %argmin3A_89 = tpu.reduce_index %select_n3A_88 {axis = 1 : i32, kind = #tpu.reduction_kind<arg_min>} : vector<256x2048xf32> -> vector<256xi32>
    %broadcast_in_dim3A_90 = vector.shape_cast %argmin3A_89 : vector<256xi32> to vector<256x1xi32>
    %eq3A_91 = vector.broadcast %broadcast_in_dim3A_90 : vector<256x1xi32> to vector<256x2048xi32>
    %eq3A_92 = arith.cmpi eq, %iota3A, %eq3A_91 : vector<256x2048xi32>
    %jit3A_93 = arith.constant 0x7F800000 : f32
    %broadcast_in_dim3A_94 = vector.broadcast %jit3A_93 : f32 to vector<256x2048xf32>
    %select_n3A_95 = arith.select %eq3A_92, %broadcast_in_dim3A_94, %select_n3A_88 : vector<256x2048xi1>, vector<256x2048xf32>
    %argmin3A_96 = tpu.reduce_index %select_n3A_95 {axis = 1 : i32, kind = #tpu.reduction_kind<arg_min>} : vector<256x2048xf32> -> vector<256xi32>
    %broadcast_in_dim3A_97 = vector.shape_cast %argmin3A_96 : vector<256xi32> to vector<256x1xi32>
    %eq3A_98 = vector.broadcast %broadcast_in_dim3A_97 : vector<256x1xi32> to vector<256x2048xi32>
    %eq3A_99 = arith.cmpi eq, %iota3A, %eq3A_98 : vector<256x2048xi32>
    %jit3A_100 = arith.constant 0x7F800000 : f32
    %broadcast_in_dim3A_101 = vector.broadcast %jit3A_100 : f32 to vector<256x2048xf32>
    %select_n3A_102 = arith.select %eq3A_99, %broadcast_in_dim3A_101, %select_n3A_95 : vector<256x2048xi1>, vector<256x2048xf32>
    %argmin3A_103 = tpu.reduce_index %select_n3A_102 {axis = 1 : i32, kind = #tpu.reduction_kind<arg_min>} : vector<256x2048xf32> -> vector<256xi32>
    %broadcast_in_dim3A_104 = vector.shape_cast %argmin3A_103 : vector<256xi32> to vector<256x1xi32>
    %eq3A_105 = vector.broadcast %broadcast_in_dim3A_104 : vector<256x1xi32> to vector<256x2048xi32>
    %eq3A_106 = arith.cmpi eq, %iota3A, %eq3A_105 : vector<256x2048xi32>
    %jit3A_107 = arith.constant 0x7F800000 : f32
    %broadcast_in_dim3A_108 = vector.broadcast %jit3A_107 : f32 to vector<256x2048xf32>
    %select_n3A_109 = arith.select %eq3A_106, %broadcast_in_dim3A_108, %select_n3A_102 : vector<256x2048xi1>, vector<256x2048xf32>
    %argmin3A_110 = tpu.reduce_index %select_n3A_109 {axis = 1 : i32, kind = #tpu.reduction_kind<arg_min>} : vector<256x2048xf32> -> vector<256xi32>
    %broadcast_in_dim3A_111 = vector.shape_cast %argmin3A_110 : vector<256xi32> to vector<256x1xi32>
    %eq3A_112 = vector.broadcast %broadcast_in_dim3A_111 : vector<256x1xi32> to vector<256x2048xi32>
    %eq3A_113 = arith.cmpi eq, %iota3A, %eq3A_112 : vector<256x2048xi32>
    %jit3A_114 = arith.constant 0x7F800000 : f32
    %broadcast_in_dim3A_115 = vector.broadcast %jit3A_114 : f32 to vector<256x2048xf32>
    %select_n3A_116 = arith.select %eq3A_113, %broadcast_in_dim3A_115, %select_n3A_109 : vector<256x2048xi1>, vector<256x2048xf32>
    %argmin3A_117 = tpu.reduce_index %select_n3A_116 {axis = 1 : i32, kind = #tpu.reduction_kind<arg_min>} : vector<256x2048xf32> -> vector<256xi32>
    %broadcast_in_dim3A_118 = vector.shape_cast %argmin3A_117 : vector<256xi32> to vector<256x1xi32>
    %eq3A_119 = vector.broadcast %broadcast_in_dim3A_118 : vector<256x1xi32> to vector<256x2048xi32>
    %eq3A_120 = arith.cmpi eq, %iota3A, %eq3A_119 : vector<256x2048xi32>
    %jit3A_121 = arith.constant 0x7F800000 : f32
    %broadcast_in_dim3A_122 = vector.broadcast %jit3A_121 : f32 to vector<256x2048xf32>
    %select_n3A_123 = arith.select %eq3A_120, %broadcast_in_dim3A_122, %select_n3A_116 : vector<256x2048xi1>, vector<256x2048xf32>
    %argmin3A_124 = tpu.reduce_index %select_n3A_123 {axis = 1 : i32, kind = #tpu.reduction_kind<arg_min>} : vector<256x2048xf32> -> vector<256xi32>
    %broadcast_in_dim3A_125 = vector.shape_cast %argmin3A_124 : vector<256xi32> to vector<256x1xi32>
    %concatenate3A = tpu.concatenate %broadcast_in_dim3A_23, %broadcast_in_dim3A_27, %broadcast_in_dim3A_34, %broadcast_in_dim3A_41, %broadcast_in_dim3A_48, %broadcast_in_dim3A_55, %broadcast_in_dim3A_62, %broadcast_in_dim3A_69, %broadcast_in_dim3A_76, %broadcast_in_dim3A_83, %broadcast_in_dim3A_90, %broadcast_in_dim3A_97, %broadcast_in_dim3A_104, %broadcast_in_dim3A_111, %broadcast_in_dim3A_118, %broadcast_in_dim3A_125 in 1 : vector<256x1xi32>, vector<256x1xi32>, vector<256x1xi32>, vector<256x1xi32>, vector<256x1xi32>, vector<256x1xi32>, vector<256x1xi32>, vector<256x1xi32>, vector<256x1xi32>, vector<256x1xi32>, vector<256x1xi32>, vector<256x1xi32>, vector<256x1xi32>, vector<256x1xi32>, vector<256x1xi32>, vector<256x1xi32> -> vector<256x16xi32>
    %mul3A_126 = arith.constant 2048 : i32
    %mul3A_127 = arith.muli %add3A_0, %mul3A_126 : i32
    %add3A_128 = vector.broadcast %mul3A_127 : i32 to vector<256x16xi32>
    %add3A_129 = arith.addi %concatenate3A, %add3A_128 : vector<256x16xi32>
    %swap3A = arith.constant 0 : index
    %swap3A_130 = arith.constant 0 : index
    %swap3A_131 = arith.constant 0 : index
    %swap3A_132 = vector.load %arg4[%swap3A, %swap3A_130, %swap3A_131] : memref<1x256x16xi32, #tpu.memory_space<vmem>>, vector<1x256x16xi32>
    %swap3A_133 = vector.shape_cast %swap3A_132 : vector<1x256x16xi32> to vector<256x16xi32>
    %swap3A_134 = vector.shape_cast %add3A_129 : vector<256x16xi32> to vector<1x256x16xi32>
    tpu.vector_store %arg4[%swap3A, %swap3A_130, %swap3A_131], %swap3A_134 {strides = array<i32>} : memref<1x256x16xi32, #tpu.memory_space<vmem>>, vector<1x256x16xi32>,
    return
  }
  func.func @transform_0(%arg0: i32, %arg1: i32) -> (i32, i32, i32) {
    %c0_i32 = arith.constant 0 : i32
    %c0_i32_0 = arith.constant 0 : i32
    return %arg0, %c0_i32, %arg1 : i32, i32, i32
  }
  func.func @transform_1(%arg0: i32, %arg1: i32) -> (i32, i32, i32) {
    %c0_i32 = arith.constant 0 : i32
    %c0_i32_0 = arith.constant 0 : i32
    %c0_i32_1 = arith.constant 0 : i32
    return %arg0, %c0_i32, %c0_i32_0 : i32, i32, i32
  }
  func.func @transform_2(%arg0: i32, %arg1: i32) -> (i32, i32, i32) {
    %c0_i32 = arith.constant 0 : i32
    %c0_i32_0 = arith.constant 0 : i32
    return %arg0, %arg1, %c0_i32 : i32, i32, i32
  }
}

module attributes {stable_mosaic.version = 14 : i64} {
  func.func @_topk_body(%arg0: i32, %arg1: i32, %arg2: memref<1x3x256xf32, #tpu.memory_space<vmem>>, %arg3: memref<1x3x2048xf32, #tpu.memory_space<vmem>>, %arg4: memref<1x256x16xi32, #tpu.memory_space<vmem>>) attributes {dimension_semantics = [#tpu.dimension_semantics<arbitrary>, #tpu.dimension_semantics<arbitrary>], iteration_bounds = array<i64: 2, 8>, scalar_prefetch = 0 : i64, scratch_operands = 0 : i64, tpu.core_type = #tpu.core_type<tc>, window_params = [{transform_indices = @transform_0, window_bounds = array<i64: 1, 3, 256>}, {transform_indices = @transform_1, window_bounds = array<i64: 1, 3, 2048>}, {transform_indices = @transform_2, window_bounds = array<i64: 1, 256, 16>}]} {
    %add3A = arith.constant 2 : i32
    %add3A_0 = arith.addi %arg0, %add3A : i32
    %get3A = arith.constant 0 : index
    %get3A_1 = arith.constant 0 : index
    %get3A_2 = arith.constant 0 : index
    %get3A_3 = vector.load %arg2[%get3A, %get3A_1, %get3A_2] : memref<1x3x256xf32, #tpu.memory_space<vmem>>, vector<1x3x256xf32>
    %get3A_4 = vector.shape_cast %get3A_3 : vector<1x3x256xf32> to vector<3x256xf32>
    %get3A_5 = arith.constant 0 : index
    %get3A_6 = arith.constant 0 : index
    %get3A_7 = arith.constant 0 : index
    %get3A_8 = vector.load %arg3[%get3A_5, %get3A_6, %get3A_7] : memref<1x3x2048xf32, #tpu.memory_space<vmem>>, vector<1x3x2048xf32>
    %get3A_9 = vector.shape_cast %get3A_8 : vector<1x3x2048xf32> to vector<3x2048xf32>
    %dot_general3A = arith.constant dense<0.000000e+00> : vector<256x2048xf32>
    %dot_general3A_10 = tpu.matmul %get3A_4, %get3A_9, %dot_general3A {dimension_numbers = #tpu.dot_dimension_numbers<[0], [0], [1], [1], [0, 1, 1, 1], [], []>, transpose_lhs_hint = false} : vector<3x256xf32>, vector<3x2048xf32>, vector<256x2048xf32> -> vector<256x2048xf32>
    %mul3A = arith.mulf %get3A_4, %get3A_4 : vector<3x256xf32>
    %reduce_sum3A = arith.constant dense<0.000000e+00> : vector<256xf32>
    %reduce_sum3A_11 = vector.multi_reduction <add>, %mul3A, %reduce_sum3A [0] : vector<3x256xf32> to vector<256xf32>
    %broadcast_in_dim3A = vector.shape_cast %reduce_sum3A_11 : vector<256xf32> to vector<256x1xf32>
    %mul3A_12 = arith.mulf %get3A_9, %get3A_9 : vector<3x2048xf32>
    %reduce_sum3A_13 = arith.constant dense<0.000000e+00> : vector<2048xf32>
    %reduce_sum3A_14 = vector.multi_reduction <add>, %mul3A_12, %reduce_sum3A_13 [0] : vector<3x2048xf32> to vector<2048xf32>
    %broadcast_in_dim3A_15 = vector.shape_cast %reduce_sum3A_14 : vector<2048xf32> to vector<1x2048xf32>
    %mul3A_16 = arith.constant -2.000000e+00 : f32
    %mul3A_17 = vector.broadcast %mul3A_16 : f32 to vector<256x2048xf32>
    %mul3A_18 = arith.mulf %mul3A_17, %dot_general3A_10 : vector<256x2048xf32>
    %add3A_19 = vector.broadcast %broadcast_in_dim3A : vector<256x1xf32> to vector<256x2048xf32>
    %add3A_20 = arith.addf %mul3A_18, %add3A_19 : vector<256x2048xf32>
    %add3A_21 = vector.broadcast %broadcast_in_dim3A_15 : vector<1x2048xf32> to vector<256x2048xf32>
    %add3A_22 = arith.addf %add3A_20, %add3A_21 : vector<256x2048xf32>
    %iota3A = tpu.iota {dimensions = array<i32: 1>} : vector<256x2048xi32>
    %argmin3A = tpu.reduce_index %add3A_22 {axis = 1 : i32, kind = #tpu.reduction_kind<arg_min>} : vector<256x2048xf32> -> vector<256xi32>
    %broadcast_in_dim3A_23 = vector.shape_cast %argmin3A : vector<256xi32> to vector<256x1xi32>
    %eq3A = vector.broadcast %broadcast_in_dim3A_23 : vector<256x1xi32> to vector<256x2048xi32>
    %eq3A_24 = arith.cmpi eq, %iota3A, %eq3A : vector<256x2048xi32>
    %jit3A = arith.constant 0x7F800000 : f32
    %broadcast_in_dim3A_25 = vector.broadcast %jit3A : f32 to vector<256x2048xf32>
    %select_n3A = arith.select %eq3A_24, %broadcast_in_dim3A_25, %add3A_22 : vector<256x2048xi1>, vector<256x2048xf32>
    %argmin3A_26 = tpu.reduce_index %select_n3A {axis = 1 : i32, kind = #tpu.reduction_kind<arg_min>} : vector<256x2048xf32> -> vector<256xi32>
    %broadcast_in_dim3A_27 = vector.shape_cast %argmin3A_26 : vector<256xi32> to vector<256x1xi32>
    %eq3A_28 = vector.broadcast %broadcast_in_dim3A_27 : vector<256x1xi32> to vector<256x2048xi32>
    %eq3A_29 = arith.cmpi eq, %iota3A, %eq3A_28 : vector<256x2048xi32>
    %jit3A_30 = arith.constant 0x7F800000 : f32
    %broadcast_in_dim3A_31 = vector.broadcast %jit3A_30 : f32 to vector<256x2048xf32>
    %select_n3A_32 = arith.select %eq3A_29, %broadcast_in_dim3A_31, %select_n3A : vector<256x2048xi1>, vector<256x2048xf32>
    %argmin3A_33 = tpu.reduce_index %select_n3A_32 {axis = 1 : i32, kind = #tpu.reduction_kind<arg_min>} : vector<256x2048xf32> -> vector<256xi32>
    %broadcast_in_dim3A_34 = vector.shape_cast %argmin3A_33 : vector<256xi32> to vector<256x1xi32>
    %eq3A_35 = vector.broadcast %broadcast_in_dim3A_34 : vector<256x1xi32> to vector<256x2048xi32>
    %eq3A_36 = arith.cmpi eq, %iota3A, %eq3A_35 : vector<256x2048xi32>
    %jit3A_37 = arith.constant 0x7F800000 : f32
    %broadcast_in_dim3A_38 = vector.broadcast %jit3A_37 : f32 to vector<256x2048xf32>
    %select_n3A_39 = arith.select %eq3A_36, %broadcast_in_dim3A_38, %select_n3A_32 : vector<256x2048xi1>, vector<256x2048xf32>
    %argmin3A_40 = tpu.reduce_index %select_n3A_39 {axis = 1 : i32, kind = #tpu.reduction_kind<arg_min>} : vector<256x2048xf32> -> vector<256xi32>
    %broadcast_in_dim3A_41 = vector.shape_cast %argmin3A_40 : vector<256xi32> to vector<256x1xi32>
    %eq3A_42 = vector.broadcast %broadcast_in_dim3A_41 : vector<256x1xi32> to vector<256x2048xi32>
    %eq3A_43 = arith.cmpi eq, %iota3A, %eq3A_42 : vector<256x2048xi32>
    %jit3A_44 = arith.constant 0x7F800000 : f32
    %broadcast_in_dim3A_45 = vector.broadcast %jit3A_44 : f32 to vector<256x2048xf32>
    %select_n3A_46 = arith.select %eq3A_43, %broadcast_in_dim3A_45, %select_n3A_39 : vector<256x2048xi1>, vector<256x2048xf32>
    %argmin3A_47 = tpu.reduce_index %select_n3A_46 {axis = 1 : i32, kind = #tpu.reduction_kind<arg_min>} : vector<256x2048xf32> -> vector<256xi32>
    %broadcast_in_dim3A_48 = vector.shape_cast %argmin3A_47 : vector<256xi32> to vector<256x1xi32>
    %eq3A_49 = vector.broadcast %broadcast_in_dim3A_48 : vector<256x1xi32> to vector<256x2048xi32>
    %eq3A_50 = arith.cmpi eq, %iota3A, %eq3A_49 : vector<256x2048xi32>
    %jit3A_51 = arith.constant 0x7F800000 : f32
    %broadcast_in_dim3A_52 = vector.broadcast %jit3A_51 : f32 to vector<256x2048xf32>
    %select_n3A_53 = arith.select %eq3A_50, %broadcast_in_dim3A_52, %select_n3A_46 : vector<256x2048xi1>, vector<256x2048xf32>
    %argmin3A_54 = tpu.reduce_index %select_n3A_53 {axis = 1 : i32, kind = #tpu.reduction_kind<arg_min>} : vector<256x2048xf32> -> vector<256xi32>
    %broadcast_in_dim3A_55 = vector.shape_cast %argmin3A_54 : vector<256xi32> to vector<256x1xi32>
    %eq3A_56 = vector.broadcast %broadcast_in_dim3A_55 : vector<256x1xi32> to vector<256x2048xi32>
    %eq3A_57 = arith.cmpi eq, %iota3A, %eq3A_56 : vector<256x2048xi32>
    %jit3A_58 = arith.constant 0x7F800000 : f32
    %broadcast_in_dim3A_59 = vector.broadcast %jit3A_58 : f32 to vector<256x2048xf32>
    %select_n3A_60 = arith.select %eq3A_57, %broadcast_in_dim3A_59, %select_n3A_53 : vector<256x2048xi1>, vector<256x2048xf32>
    %argmin3A_61 = tpu.reduce_index %select_n3A_60 {axis = 1 : i32, kind = #tpu.reduction_kind<arg_min>} : vector<256x2048xf32> -> vector<256xi32>
    %broadcast_in_dim3A_62 = vector.shape_cast %argmin3A_61 : vector<256xi32> to vector<256x1xi32>
    %eq3A_63 = vector.broadcast %broadcast_in_dim3A_62 : vector<256x1xi32> to vector<256x2048xi32>
    %eq3A_64 = arith.cmpi eq, %iota3A, %eq3A_63 : vector<256x2048xi32>
    %jit3A_65 = arith.constant 0x7F800000 : f32
    %broadcast_in_dim3A_66 = vector.broadcast %jit3A_65 : f32 to vector<256x2048xf32>
    %select_n3A_67 = arith.select %eq3A_64, %broadcast_in_dim3A_66, %select_n3A_60 : vector<256x2048xi1>, vector<256x2048xf32>
    %argmin3A_68 = tpu.reduce_index %select_n3A_67 {axis = 1 : i32, kind = #tpu.reduction_kind<arg_min>} : vector<256x2048xf32> -> vector<256xi32>
    %broadcast_in_dim3A_69 = vector.shape_cast %argmin3A_68 : vector<256xi32> to vector<256x1xi32>
    %eq3A_70 = vector.broadcast %broadcast_in_dim3A_69 : vector<256x1xi32> to vector<256x2048xi32>
    %eq3A_71 = arith.cmpi eq, %iota3A, %eq3A_70 : vector<256x2048xi32>
    %jit3A_72 = arith.constant 0x7F800000 : f32
    %broadcast_in_dim3A_73 = vector.broadcast %jit3A_72 : f32 to vector<256x2048xf32>
    %select_n3A_74 = arith.select %eq3A_71, %broadcast_in_dim3A_73, %select_n3A_67 : vector<256x2048xi1>, vector<256x2048xf32>
    %argmin3A_75 = tpu.reduce_index %select_n3A_74 {axis = 1 : i32, kind = #tpu.reduction_kind<arg_min>} : vector<256x2048xf32> -> vector<256xi32>
    %broadcast_in_dim3A_76 = vector.shape_cast %argmin3A_75 : vector<256xi32> to vector<256x1xi32>
    %eq3A_77 = vector.broadcast %broadcast_in_dim3A_76 : vector<256x1xi32> to vector<256x2048xi32>
    %eq3A_78 = arith.cmpi eq, %iota3A, %eq3A_77 : vector<256x2048xi32>
    %jit3A_79 = arith.constant 0x7F800000 : f32
    %broadcast_in_dim3A_80 = vector.broadcast %jit3A_79 : f32 to vector<256x2048xf32>
    %select_n3A_81 = arith.select %eq3A_78, %broadcast_in_dim3A_80, %select_n3A_74 : vector<256x2048xi1>, vector<256x2048xf32>
    %argmin3A_82 = tpu.reduce_index %select_n3A_81 {axis = 1 : i32, kind = #tpu.reduction_kind<arg_min>} : vector<256x2048xf32> -> vector<256xi32>
    %broadcast_in_dim3A_83 = vector.shape_cast %argmin3A_82 : vector<256xi32> to vector<256x1xi32>
    %eq3A_84 = vector.broadcast %broadcast_in_dim3A_83 : vector<256x1xi32> to vector<256x2048xi32>
    %eq3A_85 = arith.cmpi eq, %iota3A, %eq3A_84 : vector<256x2048xi32>
    %jit3A_86 = arith.constant 0x7F800000 : f32
    %broadcast_in_dim3A_87 = vector.broadcast %jit3A_86 : f32 to vector<256x2048xf32>
    %select_n3A_88 = arith.select %eq3A_85, %broadcast_in_dim3A_87, %select_n3A_81 : vector<256x2048xi1>, vector<256x2048xf32>
    %argmin3A_89 = tpu.reduce_index %select_n3A_88 {axis = 1 : i32, kind = #tpu.reduction_kind<arg_min>} : vector<256x2048xf32> -> vector<256xi32>
    %broadcast_in_dim3A_90 = vector.shape_cast %argmin3A_89 : vector<256xi32> to vector<256x1xi32>
    %eq3A_91 = vector.broadcast %broadcast_in_dim3A_90 : vector<256x1xi32> to vector<256x2048xi32>
    %eq3A_92 = arith.cmpi eq, %iota3A, %eq3A_91 : vector<256x2048xi32>
    %jit3A_93 = arith.constant 0x7F800000 : f32
    %broadcast_in_dim3A_94 = vector.broadcast %jit3A_93 : f32 to vector<256x2048xf32>
    %select_n3A_95 = arith.select %eq3A_92, %broadcast_in_dim3A_94, %select_n3A_88 : vector<256x2048xi1>, vector<256x2048xf32>
    %argmin3A_96 = tpu.reduce_index %select_n3A_95 {axis = 1 : i32, kind = #tpu.reduction_kind<arg_min>} : vector<256x2048xf32> -> vector<256xi32>
    %broadcast_in_dim3A_97 = vector.shape_cast %argmin3A_96 : vector<256xi32> to vector<256x1xi32>
    %eq3A_98 = vector.broadcast %broadcast_in_dim3A_97 : vector<256x1xi32> to vector<256x2048xi32>
    %eq3A_99 = arith.cmpi eq, %iota3A, %eq3A_98 : vector<256x2048xi32>
    %jit3A_100 = arith.constant 0x7F800000 : f32
    %broadcast_in_dim3A_101 = vector.broadcast %jit3A_100 : f32 to vector<256x2048xf32>
    %select_n3A_102 = arith.select %eq3A_99, %broadcast_in_dim3A_101, %select_n3A_95 : vector<256x2048xi1>, vector<256x2048xf32>
    %argmin3A_103 = tpu.reduce_index %select_n3A_102 {axis = 1 : i32, kind = #tpu.reduction_kind<arg_min>} : vector<256x2048xf32> -> vector<256xi32>
    %broadcast_in_dim3A_104 = vector.shape_cast %argmin3A_103 : vector<256xi32> to vector<256x1xi32>
    %eq3A_105 = vector.broadcast %broadcast_in_dim3A_104 : vector<256x1xi32> to vector<256x2048xi32>
    %eq3A_106 = arith.cmpi eq, %iota3A, %eq3A_105 : vector<256x2048xi32>
    %jit3A_107 = arith.constant 0x7F800000 : f32
    %broadcast_in_dim3A_108 = vector.broadcast %jit3A_107 : f32 to vector<256x2048xf32>
    %select_n3A_109 = arith.select %eq3A_106, %broadcast_in_dim3A_108, %select_n3A_102 : vector<256x2048xi1>, vector<256x2048xf32>
    %argmin3A_110 = tpu.reduce_index %select_n3A_109 {axis = 1 : i32, kind = #tpu.reduction_kind<arg_min>} : vector<256x2048xf32> -> vector<256xi32>
    %broadcast_in_dim3A_111 = vector.shape_cast %argmin3A_110 : vector<256xi32> to vector<256x1xi32>
    %eq3A_112 = vector.broadcast %broadcast_in_dim3A_111 : vector<256x1xi32> to vector<256x2048xi32>
    %eq3A_113 = arith.cmpi eq, %iota3A, %eq3A_112 : vector<256x2048xi32>
    %jit3A_114 = arith.constant 0x7F800000 : f32
    %broadcast_in_dim3A_115 = vector.broadcast %jit3A_114 : f32 to vector<256x2048xf32>
    %select_n3A_116 = arith.select %eq3A_113, %broadcast_in_dim3A_115, %select_n3A_109 : vector<256x2048xi1>, vector<256x2048xf32>
    %argmin3A_117 = tpu.reduce_index %select_n3A_116 {axis = 1 : i32, kind = #tpu.reduction_kind<arg_min>} : vector<256x2048xf32> -> vector<256xi32>
    %broadcast_in_dim3A_118 = vector.shape_cast %argmin3A_117 : vector<256xi32> to vector<256x1xi32>
    %eq3A_119 = vector.broadcast %broadcast_in_dim3A_118 : vector<256x1xi32> to vector<256x2048xi32>
    %eq3A_120 = arith.cmpi eq, %iota3A, %eq3A_119 : vector<256x2048xi32>
    %jit3A_121 = arith.constant 0x7F800000 : f32
    %broadcast_in_dim3A_122 = vector.broadcast %jit3A_121 : f32 to vector<256x2048xf32>
    %select_n3A_123 = arith.select %eq3A_120, %broadcast_in_dim3A_122, %select_n3A_116 : vector<256x2048xi1>, vector<256x2048xf32>
    %argmin3A_124 = tpu.reduce_index %select_n3A_123 {axis = 1 : i32, kind = #tpu.reduction_kind<arg_min>} : vector<256x2048xf32> -> vector<256xi32>
    %broadcast_in_dim3A_125 = vector.shape_cast %argmin3A_124 : vector<256xi32> to vector<256x1xi32>
    %concatenate3A = tpu.concatenate %broadcast_in_dim3A_23, %broadcast_in_dim3A_27, %broadcast_in_dim3A_34, %broadcast_in_dim3A_41, %broadcast_in_dim3A_48, %broadcast_in_dim3A_55, %broadcast_in_dim3A_62, %broadcast_in_dim3A_69, %broadcast_in_dim3A_76, %broadcast_in_dim3A_83, %broadcast_in_dim3A_90, %broadcast_in_dim3A_97, %broadcast_in_dim3A_104, %broadcast_in_dim3A_111, %broadcast_in_dim3A_118, %broadcast_in_dim3A_125 in 1 : vector<256x1xi32>, vector<256x1xi32>, vector<256x1xi32>, vector<256x1xi32>, vector<256x1xi32>, vector<256x1xi32>, vector<256x1xi32>, vector<256x1xi32>, vector<256x1xi32>, vector<256x1xi32>, vector<256x1xi32>, vector<256x1xi32>, vector<256x1xi32>, vector<256x1xi32>, vector<256x1xi32>, vector<256x1xi32> -> vector<256x16xi32>
    %mul3A_126 = arith.constant 2048 : i32
    %mul3A_127 = arith.muli %add3A_0, %mul3A_126 : i32
    %add3A_128 = vector.broadcast %mul3A_127 : i32 to vector<256x16xi32>
    %add3A_129 = arith.addi %concatenate3A, %add3A_128 : vector<256x16xi32>
    %swap3A = arith.constant 0 : index
    %swap3A_130 = arith.constant 0 : index
    %swap3A_131 = arith.constant 0 : index
    %swap3A_132 = vector.load %arg4[%swap3A, %swap3A_130, %swap3A_131] : memref<1x256x16xi32, #tpu.memory_space<vmem>>, vector<1x256x16xi32>
    %swap3A_133 = vector.shape_cast %swap3A_132 : vector<1x256x16xi32> to vector<256x16xi32>
    %swap3A_134 = vector.shape_cast %add3A_129 : vector<256x16xi32> to vector<1x256x16xi32>
    tpu.vector_store %arg4[%swap3A, %swap3A_130, %swap3A_131], %swap3A_134 {strides = array<i32>} : memref<1x256x16xi32, #tpu.memory_space<vmem>>, vector<1x256x16xi32>,
    return
  }
  func.func @transform_0(%arg0: i32, %arg1: i32) -> (i32, i32, i32) {
    %c0_i32 = arith.constant 0 : i32
    %c0_i32_0 = arith.constant 0 : i32
    return %arg0, %c0_i32, %arg1 : i32, i32, i32
  }
  func.func @transform_1(%arg0: i32, %arg1: i32) -> (i32, i32, i32) {
    %c0_i32 = arith.constant 0 : i32
    %c0_i32_0 = arith.constant 0 : i32
    %c0_i32_1 = arith.constant 0 : i32
    return %arg0, %c0_i32, %c0_i32_0 : i32, i32, i32
  }
  func.func @transform_2(%arg0: i32, %arg1: i32) -> (i32, i32, i32) {
    %c0_i32 = arith.constant 0 : i32
    %c0_i32_0 = arith.constant 0 : i32
    return %arg0, %arg1, %c0_i32 : i32, i32, i32
  }
}

module attributes {stable_mosaic.version = 14 : i64} {
  func.func @_l1_body(%arg0: i32, %arg1: memref<2048x128xf32, #tpu.memory_space<vmem>>, %arg2: memref<1x128x128xf32, #tpu.memory_space<vmem>>, %arg3: memref<1x3x128xf32, #tpu.memory_space<vmem>>, %arg4: memref<128x128xf32, #tpu.memory_space<vmem>>, %arg5: memref<3x128xf32, #tpu.memory_space<vmem>>, %arg6: memref<2048x128xbf16, #tpu.memory_space<vmem>>, %arg7: memref<1x128xf32, #tpu.memory_space<vmem>>, %arg8: memref<1x128xf32, #tpu.memory_space<vmem>>) attributes {dimension_semantics = [#tpu.dimension_semantics<arbitrary>], iteration_bounds = array<i64: 32>, scalar_prefetch = 0 : i64, scratch_operands = 0 : i64, tpu.core_type = #tpu.core_type<tc>, window_params = [{transform_indices = @transform_0, window_bounds = array<i64: 2048, 128>}, {transform_indices = @transform_1, window_bounds = array<i64: 1, 128, 128>}, {transform_indices = @transform_2, window_bounds = array<i64: 1, 3, 128>}, {pipeline_mode = #tpu.pipeline_mode<synchronous>, transform_indices = @transform_3, window_bounds = array<i64: 128, 128>}, {pipeline_mode = #tpu.pipeline_mode<synchronous>, transform_indices = @transform_4, window_bounds = array<i64: 3, 128>}, {transform_indices = @transform_5, window_bounds = array<i64: 2048, 128>}, {pipeline_mode = #tpu.pipeline_mode<synchronous>, transform_indices = @transform_6, window_bounds = array<i64: 1, 128>}, {pipeline_mode = #tpu.pipeline_mode<synchronous>, transform_indices = @transform_7, window_bounds = array<i64: 1, 128>}]} {
    %get3A = arith.constant 0 : index
    %get3A_0 = arith.constant 0 : index
    %get3A_1 = arith.constant 0 : index
    %get3A_2 = vector.load %arg2[%get3A, %get3A_0, %get3A_1] : memref<1x128x128xf32, #tpu.memory_space<vmem>>, vector<1x128x128xf32>
    %get3A_3 = vector.shape_cast %get3A_2 : vector<1x128x128xf32> to vector<128x128xf32>
    %get3A_4 = arith.constant 0 : index
    %get3A_5 = arith.constant 0 : index
    %get3A_6 = vector.load %arg4[%get3A_4, %get3A_5] : memref<128x128xf32, #tpu.memory_space<vmem>>, vector<128x128xf32>
    %dot_general3A = arith.constant dense<0.000000e+00> : vector<128x128xf32>
    %dot_general3A_7 = tpu.matmul %get3A_3, %get3A_6, %dot_general3A {dimension_numbers = #tpu.dot_dimension_numbers<[0], [0], [1], [1], [0, 1, 1, 1], [], []>, transpose_lhs_hint = false} : vector<128x128xf32>, vector<128x128xf32>, vector<128x128xf32> -> vector<128x128xf32>
    %get3A_8 = arith.constant 0 : index
    %get3A_9 = arith.constant 0 : index
    %get3A_10 = arith.constant 0 : index
    %get3A_11 = vector.load %arg3[%get3A_8, %get3A_9, %get3A_10] : memref<1x3x128xf32, #tpu.memory_space<vmem>>, vector<1x3x128xf32>
    %get3A_12 = vector.shape_cast %get3A_11 : vector<1x3x128xf32> to vector<3x128xf32>
    %get3A_13 = arith.constant 0 : index
    %get3A_14 = arith.constant 0 : index
    %get3A_15 = vector.load %arg5[%get3A_13, %get3A_14] : memref<3x128xf32, #tpu.memory_space<vmem>>, vector<3x128xf32>
    %dot_general3A_16 = arith.constant dense<0.000000e+00> : vector<128x128xf32>
    %dot_general3A_17 = tpu.matmul %get3A_12, %get3A_15, %dot_general3A_16 {dimension_numbers = #tpu.dot_dimension_numbers<[0], [0], [1], [1], [0, 1, 1, 1], [], []>, transpose_lhs_hint = false} : vector<3x128xf32>, vector<3x128xf32>, vector<128x128xf32> -> vector<128x128xf32>
    %sub3A = arith.subf %dot_general3A_7, %dot_general3A_17 : vector<128x128xf32>
    %get3A_18 = arith.constant 0 : index
    %get3A_19 = arith.constant 0 : index
    %get3A_20 = vector.load %arg1[%get3A_18, %get3A_19] : memref<2048x128xf32, #tpu.memory_space<vmem>>, vector<2048x128xf32>
    %concatenate3A = tpu.concatenate %sub3A, %sub3A, %sub3A, %sub3A, %sub3A, %sub3A, %sub3A, %sub3A, %sub3A, %sub3A, %sub3A, %sub3A, %sub3A, %sub3A, %sub3A, %sub3A in 0 : vector<128x128xf32>, vector<128x128xf32>, vector<128x128xf32>, vector<128x128xf32>, vector<128x128xf32>, vector<128x128xf32>, vector<128x128xf32>, vector<128x128xf32>, vector<128x128xf32>, vector<128x128xf32>, vector<128x128xf32>, vector<128x128xf32>, vector<128x128xf32>, vector<128x128xf32>, vector<128x128xf32>, vector<128x128xf32> -> vector<2048x128xf32>
    %add3A = arith.addf %get3A_20, %concatenate3A : vector<2048x128xf32>
    %convert_element_type3A = arith.truncf %add3A : vector<2048x128xf32> to vector<2048x128xbf16>
    %swap3A = arith.constant 0 : index
    %swap3A_21 = arith.constant 0 : index
    %swap3A_22 = vector.load %arg6[%swap3A, %swap3A_21] : memref<2048x128xbf16, #tpu.memory_space<vmem>>, vector<2048x128xbf16>
    tpu.vector_store %arg6[%swap3A, %swap3A_21], %convert_element_type3A {strides = array<i32>} : memref<2048x128xbf16, #tpu.memory_space<vmem>>, vector<2048x128xbf16>,
    %eq3A = arith.constant 0 : i32
    %eq3A_23 = arith.cmpi eq, %arg0, %eq3A : i32
    %convert_element_type3A_24 = arith.extui %eq3A_23 : i1 to i32
    %cond3A = arith.constant 0 : i32
    %cond3A_25 = arith.cmpi ne, %convert_element_type3A_24, %cond3A : i32
    scf.if %cond3A_25 {
      %broadcast_in_dim3A_44 = arith.constant 0.000000e+00 : f32
      %broadcast_in_dim3A_45 = vector.broadcast %broadcast_in_dim3A_44 : f32 to vector<1x128xf32>
      %swap3A_46 = arith.constant 0 : index
      %swap3A_47 = arith.constant 0 : index
      %swap3A_48 = vector.load %arg7[%swap3A_46, %swap3A_47] : memref<1x128xf32, #tpu.memory_space<vmem>>, vector<1x128xf32>
      tpu.vector_store %arg7[%swap3A_46, %swap3A_47], %broadcast_in_dim3A_45 {strides = array<i32>} : memref<1x128xf32, #tpu.memory_space<vmem>>, vector<1x128xf32>,
      %broadcast_in_dim3A_49 = arith.constant 0.000000e+00 : f32
      %broadcast_in_dim3A_50 = vector.broadcast %broadcast_in_dim3A_49 : f32 to vector<1x128xf32>
      %swap3A_51 = arith.constant 0 : index
      %swap3A_52 = arith.constant 0 : index
      %swap3A_53 = vector.load %arg8[%swap3A_51, %swap3A_52] : memref<1x128xf32, #tpu.memory_space<vmem>>, vector<1x128xf32>
      tpu.vector_store %arg8[%swap3A_51, %swap3A_52], %broadcast_in_dim3A_50 {strides = array<i32>} : memref<1x128xf32, #tpu.memory_space<vmem>>, vector<1x128xf32>,
    } else {
    }
    %get3A_26 = arith.constant 0 : index
    %get3A_27 = arith.constant 0 : index
    %get3A_28 = vector.load %arg7[%get3A_26, %get3A_27] : memref<1x128xf32, #tpu.memory_space<vmem>>, vector<1x128xf32>
    %reduce_sum3A = arith.constant dense<0.000000e+00> : vector<128xf32>
    %reduce_sum3A_29 = vector.multi_reduction <add>, %add3A, %reduce_sum3A [0] : vector<2048x128xf32> to vector<128xf32>
    %broadcast_in_dim3A = vector.shape_cast %reduce_sum3A_29 : vector<128xf32> to vector<1x128xf32>
    %add3A_30 = arith.addf %get3A_28, %broadcast_in_dim3A : vector<1x128xf32>
    %swap3A_31 = arith.constant 0 : index
    %swap3A_32 = arith.constant 0 : index
    %swap3A_33 = vector.load %arg7[%swap3A_31, %swap3A_32] : memref<1x128xf32, #tpu.memory_space<vmem>>, vector<1x128xf32>
    tpu.vector_store %arg7[%swap3A_31, %swap3A_32], %add3A_30 {strides = array<i32>} : memref<1x128xf32, #tpu.memory_space<vmem>>, vector<1x128xf32>,
    %get3A_34 = arith.constant 0 : index
    %get3A_35 = arith.constant 0 : index
    %get3A_36 = vector.load %arg8[%get3A_34, %get3A_35] : memref<1x128xf32, #tpu.memory_space<vmem>>, vector<1x128xf32>
    %mul3A = arith.mulf %add3A, %add3A : vector<2048x128xf32>
    %reduce_sum3A_37 = arith.constant dense<0.000000e+00> : vector<128xf32>
    %reduce_sum3A_38 = vector.multi_reduction <add>, %mul3A, %reduce_sum3A_37 [0] : vector<2048x128xf32> to vector<128xf32>
    %broadcast_in_dim3A_39 = vector.shape_cast %reduce_sum3A_38 : vector<128xf32> to vector<1x128xf32>
    %add3A_40 = arith.addf %get3A_36, %broadcast_in_dim3A_39 : vector<1x128xf32>
    %swap3A_41 = arith.constant 0 : index
    %swap3A_42 = arith.constant 0 : index
    %swap3A_43 = vector.load %arg8[%swap3A_41, %swap3A_42] : memref<1x128xf32, #tpu.memory_space<vmem>>, vector<1x128xf32>
    tpu.vector_store %arg8[%swap3A_41, %swap3A_42], %add3A_40 {strides = array<i32>} : memref<1x128xf32, #tpu.memory_space<vmem>>, vector<1x128xf32>,
    return
  }
  func.func @transform_0(%arg0: i32) -> (i32, i32) {
    %c0_i32 = arith.constant 0 : i32
    %c0_i32_0 = arith.constant 0 : i32
    return %arg0, %c0_i32 : i32, i32
  }
  func.func @transform_1(%arg0: i32) -> (i32, i32, i32) {
    %jit3A = arith.constant 16 : i32
    %div3A = arith.divsi %arg0, %jit3A : i32
    %sign3A = arith.constant 0 : i32
    %sign3A_0 = arith.cmpi sgt, %arg0, %sign3A : i32
    %sign3A_1 = arith.extui %sign3A_0 : i1 to i32
    %sign3A_2 = arith.constant 0 : i32
    %sign3A_3 = arith.cmpi slt, %arg0, %sign3A_2 : i32
    %sign3A_4 = arith.extui %sign3A_3 : i1 to i32
    %sign3A_5 = arith.subi %sign3A_1, %sign3A_4 : i32
    %sign3A_6 = arith.constant 0 : i32
    %sign3A_7 = arith.cmpi sgt, %jit3A, %sign3A_6 : i32
    %sign3A_8 = arith.extui %sign3A_7 : i1 to i32
    %sign3A_9 = arith.constant 0 : i32
    %sign3A_10 = arith.cmpi slt, %jit3A, %sign3A_9 : i32
    %sign3A_11 = arith.extui %sign3A_10 : i1 to i32
    %sign3A_12 = arith.subi %sign3A_8, %sign3A_11 : i32
    %ne3A = arith.cmpi ne, %sign3A_5, %sign3A_12 : i32
    %rem3A = arith.remsi %arg0, %jit3A : i32
    %ne3A_13 = arith.constant 0 : i32
    %ne3A_14 = arith.cmpi ne, %rem3A, %ne3A_13 : i32
    %and3A = arith.andi %ne3A, %ne3A_14 : i1
    %sub3A = arith.constant 1 : i32
    %sub3A_15 = arith.subi %div3A, %sub3A : i32
    %select_n3A = arith.select %and3A, %sub3A_15, %div3A : i32
    %jit3A_16 = arith.constant 16 : i32
    %eq3A = arith.constant 0 : i32
    %eq3A_17 = arith.cmpi eq, %jit3A_16, %eq3A : i32
    %jit3A_18 = arith.constant 1 : i32
    %select_n3A_19 = arith.select %eq3A_17, %jit3A_18, %jit3A_16 : i32
    %rem3A_20 = arith.remsi %arg0, %select_n3A_19 : i32
    %ne3A_21 = arith.constant 0 : i32
    %ne3A_22 = arith.cmpi ne, %rem3A_20, %ne3A_21 : i32
    %lt3A = arith.constant 0 : i32
    %lt3A_23 = arith.cmpi slt, %rem3A_20, %lt3A : i32
    %lt3A_24 = arith.constant 0 : i32
    %lt3A_25 = arith.cmpi slt, %select_n3A_19, %lt3A_24 : i32
    %ne3A_26 = arith.xori %lt3A_23, %lt3A_25 : i1
    %and3A_27 = arith.andi %ne3A_26, %ne3A_22 : i1
    %add3A = arith.addi %rem3A_20, %select_n3A_19 : i32
    %select_n3A_28 = arith.select %and3A_27, %add3A, %rem3A_20 : i32
    %c0_i32 = arith.constant 0 : i32
    %c0_i32_29 = arith.constant 0 : i32
    return %select_n3A, %c0_i32, %select_n3A_28 : i32, i32, i32
  }
  func.func @transform_2(%arg0: i32) -> (i32, i32, i32) {
    %jit3A = arith.constant 16 : i32
    %div3A = arith.divsi %arg0, %jit3A : i32
    %sign3A = arith.constant 0 : i32
    %sign3A_0 = arith.cmpi sgt, %arg0, %sign3A : i32
    %sign3A_1 = arith.extui %sign3A_0 : i1 to i32
    %sign3A_2 = arith.constant 0 : i32
    %sign3A_3 = arith.cmpi slt, %arg0, %sign3A_2 : i32
    %sign3A_4 = arith.extui %sign3A_3 : i1 to i32
    %sign3A_5 = arith.subi %sign3A_1, %sign3A_4 : i32
    %sign3A_6 = arith.constant 0 : i32
    %sign3A_7 = arith.cmpi sgt, %jit3A, %sign3A_6 : i32
    %sign3A_8 = arith.extui %sign3A_7 : i1 to i32
    %sign3A_9 = arith.constant 0 : i32
    %sign3A_10 = arith.cmpi slt, %jit3A, %sign3A_9 : i32
    %sign3A_11 = arith.extui %sign3A_10 : i1 to i32
    %sign3A_12 = arith.subi %sign3A_8, %sign3A_11 : i32
    %ne3A = arith.cmpi ne, %sign3A_5, %sign3A_12 : i32
    %rem3A = arith.remsi %arg0, %jit3A : i32
    %ne3A_13 = arith.constant 0 : i32
    %ne3A_14 = arith.cmpi ne, %rem3A, %ne3A_13 : i32
    %and3A = arith.andi %ne3A, %ne3A_14 : i1
    %sub3A = arith.constant 1 : i32
    %sub3A_15 = arith.subi %div3A, %sub3A : i32
    %select_n3A = arith.select %and3A, %sub3A_15, %div3A : i32
    %jit3A_16 = arith.constant 16 : i32
    %eq3A = arith.constant 0 : i32
    %eq3A_17 = arith.cmpi eq, %jit3A_16, %eq3A : i32
    %jit3A_18 = arith.constant 1 : i32
    %select_n3A_19 = arith.select %eq3A_17, %jit3A_18, %jit3A_16 : i32
    %rem3A_20 = arith.remsi %arg0, %select_n3A_19 : i32
    %ne3A_21 = arith.constant 0 : i32
    %ne3A_22 = arith.cmpi ne, %rem3A_20, %ne3A_21 : i32
    %lt3A = arith.constant 0 : i32
    %lt3A_23 = arith.cmpi slt, %rem3A_20, %lt3A : i32
    %lt3A_24 = arith.constant 0 : i32
    %lt3A_25 = arith.cmpi slt, %select_n3A_19, %lt3A_24 : i32
    %ne3A_26 = arith.xori %lt3A_23, %lt3A_25 : i1
    %and3A_27 = arith.andi %ne3A_26, %ne3A_22 : i1
    %add3A = arith.addi %rem3A_20, %select_n3A_19 : i32
    %select_n3A_28 = arith.select %and3A_27, %add3A, %rem3A_20 : i32
    %c0_i32 = arith.constant 0 : i32
    %c0_i32_29 = arith.constant 0 : i32
    return %select_n3A, %c0_i32, %select_n3A_28 : i32, i32, i32
  }
  func.func @transform_3(%arg0: i32) -> (i32, i32) {
    %c0_i32 = arith.constant 0 : i32
    %c0_i32_0 = arith.constant 0 : i32
    %c0_i32_1 = arith.constant 0 : i32
    return %c0_i32, %c0_i32_0 : i32, i32
  }
  func.func @transform_4(%arg0: i32) -> (i32, i32) {
    %c0_i32 = arith.constant 0 : i32
    %c0_i32_0 = arith.constant 0 : i32
    %c0_i32_1 = arith.constant 0 : i32
    return %c0_i32, %c0_i32_0 : i32, i32
  }
  func.func @transform_5(%arg0: i32) -> (i32, i32) {
    %c0_i32 = arith.constant 0 : i32
    %c0_i32_0 = arith.constant 0 : i32
    return %arg0, %c0_i32 : i32, i32
  }
  func.func @transform_6(%arg0: i32) -> (i32, i32) {
    %c0_i32 = arith.constant 0 : i32
    %c0_i32_0 = arith.constant 0 : i32
    %c0_i32_1 = arith.constant 0 : i32
    return %c0_i32, %c0_i32_0 : i32, i32
  }
  func.func @transform_7(%arg0: i32) -> (i32, i32) {
    %c0_i32 = arith.constant 0 : i32
    %c0_i32_0 = arith.constant 0 : i32
    %c0_i32_1 = arith.constant 0 : i32
    return %c0_i32, %c0_i32_0 : i32, i32
  }
}

module attributes {stable_mosaic.version = 14 : i64} {
  func.func @_mid_body(%arg0: i32, %arg1: memref<2048x128xbf16, #tpu.memory_space<vmem>>, %arg2: memref<1x128xf32, #tpu.memory_space<vmem>>, %arg3: memref<1x128xf32, #tpu.memory_space<vmem>>, %arg4: memref<128x128xf32, #tpu.memory_space<vmem>>, %arg5: memref<2048x128xbf16, #tpu.memory_space<vmem>>, %arg6: memref<1x128xf32, #tpu.memory_space<vmem>>, %arg7: memref<1x128xf32, #tpu.memory_space<vmem>>) attributes {dimension_semantics = [#tpu.dimension_semantics<arbitrary>], iteration_bounds = array<i64: 32>, scalar_prefetch = 0 : i64, scratch_operands = 0 : i64, tpu.core_type = #tpu.core_type<tc>, window_params = [{transform_indices = @transform_0, window_bounds = array<i64: 2048, 128>}, {pipeline_mode = #tpu.pipeline_mode<synchronous>, transform_indices = @transform_1, window_bounds = array<i64: 1, 128>}, {pipeline_mode = #tpu.pipeline_mode<synchronous>, transform_indices = @transform_2, window_bounds = array<i64: 1, 128>}, {pipeline_mode = #tpu.pipeline_mode<synchronous>, transform_indices = @transform_3, window_bounds = array<i64: 128, 128>}, {transform_indices = @transform_4, window_bounds = array<i64: 2048, 128>}, {pipeline_mode = #tpu.pipeline_mode<synchronous>, transform_indices = @transform_5, window_bounds = array<i64: 1, 128>}, {pipeline_mode = #tpu.pipeline_mode<synchronous>, transform_indices = @transform_6, window_bounds = array<i64: 1, 128>}]} {
    %get3A = arith.constant 0 : index
    %get3A_0 = arith.constant 0 : index
    %get3A_1 = vector.load %arg1[%get3A, %get3A_0] : memref<2048x128xbf16, #tpu.memory_space<vmem>>, vector<2048x128xbf16>
    %convert_element_type3A = arith.extf %get3A_1 : vector<2048x128xbf16> to vector<2048x128xf32>
    %get3A_2 = arith.constant 0 : index
    %get3A_3 = arith.constant 0 : index
    %get3A_4 = vector.load %arg2[%get3A_2, %get3A_3] : memref<1x128xf32, #tpu.memory_space<vmem>>, vector<1x128xf32>
    %mul3A = vector.broadcast %get3A_4 : vector<1x128xf32> to vector<2048x128xf32>
    %mul3A_5 = arith.mulf %convert_element_type3A, %mul3A : vector<2048x128xf32>
    %get3A_6 = arith.constant 0 : index
    %get3A_7 = arith.constant 0 : index
    %get3A_8 = vector.load %arg3[%get3A_6, %get3A_7] : memref<1x128xf32, #tpu.memory_space<vmem>>, vector<1x128xf32>
    %add3A = vector.broadcast %get3A_8 : vector<1x128xf32> to vector<2048x128xf32>
    %add3A_9 = arith.addf %mul3A_5, %add3A : vector<2048x128xf32>
    %max3A = arith.constant 0.000000e+00 : f32
    %max3A_10 = vector.broadcast %max3A : f32 to vector<2048x128xf32>
    %max3A_11 = arith.maximumf %add3A_9, %max3A_10 : vector<2048x128xf32>
    %get3A_12 = arith.constant 0 : index
    %get3A_13 = arith.constant 0 : index
    %get3A_14 = vector.load %arg4[%get3A_12, %get3A_13] : memref<128x128xf32, #tpu.memory_space<vmem>>, vector<128x128xf32>
    %dot_general3A = arith.constant dense<0.000000e+00> : vector<2048x128xf32>
    %dot_general3A_15 = tpu.matmul %max3A_11, %get3A_14, %dot_general3A {dimension_numbers = #tpu.dot_dimension_numbers<[1], [0], [0], [1], [0, 0, 1, 1], [], []>, transpose_lhs_hint = false} : vector<2048x128xf32>, vector<128x128xf32>, vector<2048x128xf32> -> vector<2048x128xf32>
    %convert_element_type3A_16 = arith.truncf %dot_general3A_15 : vector<2048x128xf32> to vector<2048x128xbf16>
    %swap3A = arith.constant 0 : index
    %swap3A_17 = arith.constant 0 : index
    %swap3A_18 = vector.load %arg5[%swap3A, %swap3A_17] : memref<2048x128xbf16, #tpu.memory_space<vmem>>, vector<2048x128xbf16>
    tpu.vector_store %arg5[%swap3A, %swap3A_17], %convert_element_type3A_16 {strides = array<i32>} : memref<2048x128xbf16, #tpu.memory_space<vmem>>, vector<2048x128xbf16>,
    %eq3A = arith.constant 0 : i32
    %eq3A_19 = arith.cmpi eq, %arg0, %eq3A : i32
    %convert_element_type3A_20 = arith.extui %eq3A_19 : i1 to i32
    %cond3A = arith.constant 0 : i32
    %cond3A_21 = arith.cmpi ne, %convert_element_type3A_20, %cond3A : i32
    scf.if %cond3A_21 {
      %broadcast_in_dim3A_41 = arith.constant 0.000000e+00 : f32
      %broadcast_in_dim3A_42 = vector.broadcast %broadcast_in_dim3A_41 : f32 to vector<1x128xf32>
      %swap3A_43 = arith.constant 0 : index
      %swap3A_44 = arith.constant 0 : index
      %swap3A_45 = vector.load %arg6[%swap3A_43, %swap3A_44] : memref<1x128xf32, #tpu.memory_space<vmem>>, vector<1x128xf32>
      tpu.vector_store %arg6[%swap3A_43, %swap3A_44], %broadcast_in_dim3A_42 {strides = array<i32>} : memref<1x128xf32, #tpu.memory_space<vmem>>, vector<1x128xf32>,
      %broadcast_in_dim3A_46 = arith.constant 0.000000e+00 : f32
      %broadcast_in_dim3A_47 = vector.broadcast %broadcast_in_dim3A_46 : f32 to vector<1x128xf32>
      %swap3A_48 = arith.constant 0 : index
      %swap3A_49 = arith.constant 0 : index
      %swap3A_50 = vector.load %arg7[%swap3A_48, %swap3A_49] : memref<1x128xf32, #tpu.memory_space<vmem>>, vector<1x128xf32>
      tpu.vector_store %arg7[%swap3A_48, %swap3A_49], %broadcast_in_dim3A_47 {strides = array<i32>} : memref<1x128xf32, #tpu.memory_space<vmem>>, vector<1x128xf32>,
    } else {
    }
    %get3A_22 = arith.constant 0 : index
    %get3A_23 = arith.constant 0 : index
    %get3A_24 = vector.load %arg6[%get3A_22, %get3A_23] : memref<1x128xf32, #tpu.memory_space<vmem>>, vector<1x128xf32>
    %reduce_sum3A = arith.constant dense<0.000000e+00> : vector<128xf32>
    %reduce_sum3A_25 = vector.multi_reduction <add>, %dot_general3A_15, %reduce_sum3A [0] : vector<2048x128xf32> to vector<128xf32>
    %broadcast_in_dim3A = vector.shape_cast %reduce_sum3A_25 : vector<128xf32> to vector<1x128xf32>
    %add3A_26 = arith.addf %get3A_24, %broadcast_in_dim3A : vector<1x128xf32>
    %swap3A_27 = arith.constant 0 : index
    %swap3A_28 = arith.constant 0 : index
    %swap3A_29 = vector.load %arg6[%swap3A_27, %swap3A_28] : memref<1x128xf32, #tpu.memory_space<vmem>>, vector<1x128xf32>
    tpu.vector_store %arg6[%swap3A_27, %swap3A_28], %add3A_26 {strides = array<i32>} : memref<1x128xf32, #tpu.memory_space<vmem>>, vector<1x128xf32>,
    %get3A_30 = arith.constant 0 : index
    %get3A_31 = arith.constant 0 : index
    %get3A_32 = vector.load %arg7[%get3A_30, %get3A_31] : memref<1x128xf32, #tpu.memory_space<vmem>>, vector<1x128xf32>
    %mul3A_33 = arith.mulf %dot_general3A_15, %dot_general3A_15 : vector<2048x128xf32>
    %reduce_sum3A_34 = arith.constant dense<0.000000e+00> : vector<128xf32>
    %reduce_sum3A_35 = vector.multi_reduction <add>, %mul3A_33, %reduce_sum3A_34 [0] : vector<2048x128xf32> to vector<128xf32>
    %broadcast_in_dim3A_36 = vector.shape_cast %reduce_sum3A_35 : vector<128xf32> to vector<1x128xf32>
    %add3A_37 = arith.addf %get3A_32, %broadcast_in_dim3A_36 : vector<1x128xf32>
    %swap3A_38 = arith.constant 0 : index
    %swap3A_39 = arith.constant 0 : index
    %swap3A_40 = vector.load %arg7[%swap3A_38, %swap3A_39] : memref<1x128xf32, #tpu.memory_space<vmem>>, vector<1x128xf32>
    tpu.vector_store %arg7[%swap3A_38, %swap3A_39], %add3A_37 {strides = array<i32>} : memref<1x128xf32, #tpu.memory_space<vmem>>, vector<1x128xf32>,
    return
  }
  func.func @transform_0(%arg0: i32) -> (i32, i32) {
    %c0_i32 = arith.constant 0 : i32
    %c0_i32_0 = arith.constant 0 : i32
    return %arg0, %c0_i32 : i32, i32
  }
  func.func @transform_1(%arg0: i32) -> (i32, i32) {
    %c0_i32 = arith.constant 0 : i32
    %c0_i32_0 = arith.constant 0 : i32
    %c0_i32_1 = arith.constant 0 : i32
    return %c0_i32, %c0_i32_0 : i32, i32
  }
  func.func @transform_2(%arg0: i32) -> (i32, i32) {
    %c0_i32 = arith.constant 0 : i32
    %c0_i32_0 = arith.constant 0 : i32
    %c0_i32_1 = arith.constant 0 : i32
    return %c0_i32, %c0_i32_0 : i32, i32
  }
  func.func @transform_3(%arg0: i32) -> (i32, i32) {
    %c0_i32 = arith.constant 0 : i32
    %c0_i32_0 = arith.constant 0 : i32
    %c0_i32_1 = arith.constant 0 : i32
    return %c0_i32, %c0_i32_0 : i32, i32
  }
  func.func @transform_4(%arg0: i32) -> (i32, i32) {
    %c0_i32 = arith.constant 0 : i32
    %c0_i32_0 = arith.constant 0 : i32
    return %arg0, %c0_i32 : i32, i32
  }
  func.func @transform_5(%arg0: i32) -> (i32, i32) {
    %c0_i32 = arith.constant 0 : i32
    %c0_i32_0 = arith.constant 0 : i32
    %c0_i32_1 = arith.constant 0 : i32
    return %c0_i32, %c0_i32_0 : i32, i32
  }
  func.func @transform_6(%arg0: i32) -> (i32, i32) {
    %c0_i32 = arith.constant 0 : i32
    %c0_i32_0 = arith.constant 0 : i32
    %c0_i32_1 = arith.constant 0 : i32
    return %c0_i32, %c0_i32_0 : i32, i32
  }
}

module attributes {stable_mosaic.version = 14 : i64} {
  func.func @_l3_body(%arg0: i32, %arg1: memref<2048x128xbf16, #tpu.memory_space<vmem>>, %arg2: memref<1x128xf32, #tpu.memory_space<vmem>>, %arg3: memref<1x128xf32, #tpu.memory_space<vmem>>, %arg4: memref<128x128xf32, #tpu.memory_space<vmem>>, %arg5: memref<128x128xf32, #tpu.memory_space<vmem>>, %arg6: memref<1x128xf32, #tpu.memory_space<vmem>>, %arg7: memref<1x128xf32, #tpu.memory_space<vmem>>) attributes {dimension_semantics = [#tpu.dimension_semantics<arbitrary>], iteration_bounds = array<i64: 32>, scalar_prefetch = 0 : i64, scratch_operands = 0 : i64, tpu.core_type = #tpu.core_type<tc>, window_params = [{transform_indices = @transform_0, window_bounds = array<i64: 2048, 128>}, {pipeline_mode = #tpu.pipeline_mode<synchronous>, transform_indices = @transform_1, window_bounds = array<i64: 1, 128>}, {pipeline_mode = #tpu.pipeline_mode<synchronous>, transform_indices = @transform_2, window_bounds = array<i64: 1, 128>}, {pipeline_mode = #tpu.pipeline_mode<synchronous>, transform_indices = @transform_3, window_bounds = array<i64: 128, 128>}, {transform_indices = @transform_4, window_bounds = array<i64: 128, 128>}, {pipeline_mode = #tpu.pipeline_mode<synchronous>, transform_indices = @transform_5, window_bounds = array<i64: 1, 128>}, {pipeline_mode = #tpu.pipeline_mode<synchronous>, transform_indices = @transform_6, window_bounds = array<i64: 1, 128>}]} {
    %get3A = arith.constant 0 : index
    %get3A_0 = arith.constant 0 : index
    %get3A_1 = vector.load %arg1[%get3A, %get3A_0] : memref<2048x128xbf16, #tpu.memory_space<vmem>>, vector<2048x128xbf16>
    %convert_element_type3A = arith.extf %get3A_1 : vector<2048x128xbf16> to vector<2048x128xf32>
    %get3A_2 = arith.constant 0 : index
    %get3A_3 = arith.constant 0 : index
    %get3A_4 = vector.load %arg2[%get3A_2, %get3A_3] : memref<1x128xf32, #tpu.memory_space<vmem>>, vector<1x128xf32>
    %mul3A = vector.broadcast %get3A_4 : vector<1x128xf32> to vector<2048x128xf32>
    %mul3A_5 = arith.mulf %convert_element_type3A, %mul3A : vector<2048x128xf32>
    %get3A_6 = arith.constant 0 : index
    %get3A_7 = arith.constant 0 : index
    %get3A_8 = vector.load %arg3[%get3A_6, %get3A_7] : memref<1x128xf32, #tpu.memory_space<vmem>>, vector<1x128xf32>
    %add3A = vector.broadcast %get3A_8 : vector<1x128xf32> to vector<2048x128xf32>
    %add3A_9 = arith.addf %mul3A_5, %add3A : vector<2048x128xf32>
    %max3A = arith.constant 0.000000e+00 : f32
    %max3A_10 = vector.broadcast %max3A : f32 to vector<2048x128xf32>
    %max3A_11 = arith.maximumf %add3A_9, %max3A_10 : vector<2048x128xf32>
    %get3A_12 = arith.constant 0 : index
    %get3A_13 = arith.constant 0 : index
    %get3A_14 = vector.load %arg4[%get3A_12, %get3A_13] : memref<128x128xf32, #tpu.memory_space<vmem>>, vector<128x128xf32>
    %dot_general3A = arith.constant dense<0.000000e+00> : vector<2048x128xf32>
    %dot_general3A_15 = tpu.matmul %max3A_11, %get3A_14, %dot_general3A {dimension_numbers = #tpu.dot_dimension_numbers<[1], [0], [0], [1], [0, 0, 1, 1], [], []>, transpose_lhs_hint = false} : vector<2048x128xf32>, vector<128x128xf32>, vector<2048x128xf32> -> vector<2048x128xf32>
    %eq3A = arith.constant 0 : i32
    %eq3A_16 = arith.cmpi eq, %arg0, %eq3A : i32
    %convert_element_type3A_17 = arith.extui %eq3A_16 : i1 to i32
    %cond3A = arith.constant 0 : i32
    %cond3A_18 = arith.cmpi ne, %convert_element_type3A_17, %cond3A : i32
    scf.if %cond3A_18 {
      %broadcast_in_dim3A_70 = arith.constant 0.000000e+00 : f32
      %broadcast_in_dim3A_71 = vector.broadcast %broadcast_in_dim3A_70 : f32 to vector<1x128xf32>
      %swap3A_72 = arith.constant 0 : index
      %swap3A_73 = arith.constant 0 : index
      %swap3A_74 = vector.load %arg6[%swap3A_72, %swap3A_73] : memref<1x128xf32, #tpu.memory_space<vmem>>, vector<1x128xf32>
      tpu.vector_store %arg6[%swap3A_72, %swap3A_73], %broadcast_in_dim3A_71 {strides = array<i32>} : memref<1x128xf32, #tpu.memory_space<vmem>>, vector<1x128xf32>,
      %broadcast_in_dim3A_75 = arith.constant 0.000000e+00 : f32
      %broadcast_in_dim3A_76 = vector.broadcast %broadcast_in_dim3A_75 : f32 to vector<1x128xf32>
      %swap3A_77 = arith.constant 0 : index
      %swap3A_78 = arith.constant 0 : index
      %swap3A_79 = vector.load %arg7[%swap3A_77, %swap3A_78] : memref<1x128xf32, #tpu.memory_space<vmem>>, vector<1x128xf32>
      tpu.vector_store %arg7[%swap3A_77, %swap3A_78], %broadcast_in_dim3A_76 {strides = array<i32>} : memref<1x128xf32, #tpu.memory_space<vmem>>, vector<1x128xf32>,
    } else {
    }
    %get3A_19 = arith.constant 0 : index
    %get3A_20 = arith.constant 0 : index
    %get3A_21 = vector.load %arg6[%get3A_19, %get3A_20] : memref<1x128xf32, #tpu.memory_space<vmem>>, vector<1x128xf32>
    %reduce_sum3A = arith.constant dense<0.000000e+00> : vector<128xf32>
    %reduce_sum3A_22 = vector.multi_reduction <add>, %dot_general3A_15, %reduce_sum3A [0] : vector<2048x128xf32> to vector<128xf32>
    %broadcast_in_dim3A = vector.shape_cast %reduce_sum3A_22 : vector<128xf32> to vector<1x128xf32>
    %add3A_23 = arith.addf %get3A_21, %broadcast_in_dim3A : vector<1x128xf32>
    %swap3A = arith.constant 0 : index
    %swap3A_24 = arith.constant 0 : index
    %swap3A_25 = vector.load %arg6[%swap3A, %swap3A_24] : memref<1x128xf32, #tpu.memory_space<vmem>>, vector<1x128xf32>
    tpu.vector_store %arg6[%swap3A, %swap3A_24], %add3A_23 {strides = array<i32>} : memref<1x128xf32, #tpu.memory_space<vmem>>, vector<1x128xf32>,
    %get3A_26 = arith.constant 0 : index
    %get3A_27 = arith.constant 0 : index
    %get3A_28 = vector.load %arg7[%get3A_26, %get3A_27] : memref<1x128xf32, #tpu.memory_space<vmem>>, vector<1x128xf32>
    %mul3A_29 = arith.mulf %dot_general3A_15, %dot_general3A_15 : vector<2048x128xf32>
    %reduce_sum3A_30 = arith.constant dense<0.000000e+00> : vector<128xf32>
    %reduce_sum3A_31 = vector.multi_reduction <add>, %mul3A_29, %reduce_sum3A_30 [0] : vector<2048x128xf32> to vector<128xf32>
    %broadcast_in_dim3A_32 = vector.shape_cast %reduce_sum3A_31 : vector<128xf32> to vector<1x128xf32>
    %add3A_33 = arith.addf %get3A_28, %broadcast_in_dim3A_32 : vector<1x128xf32>
    %swap3A_34 = arith.constant 0 : index
    %swap3A_35 = arith.constant 0 : index
    %swap3A_36 = vector.load %arg7[%swap3A_34, %swap3A_35] : memref<1x128xf32, #tpu.memory_space<vmem>>, vector<1x128xf32>
    tpu.vector_store %arg7[%swap3A_34, %swap3A_35], %add3A_33 {strides = array<i32>} : memref<1x128xf32, #tpu.memory_space<vmem>>, vector<1x128xf32>,
    %slice3A = vector.extract_strided_slice %dot_general3A_15 {offsets = [0, 0], sizes = [128, 128], strides = [1, 1]} : vector<2048x128xf32> to vector<128x128xf32>
    %slice3A_37 = vector.extract_strided_slice %dot_general3A_15 {offsets = [128, 0], sizes = [128, 128], strides = [1, 1]} : vector<2048x128xf32> to vector<128x128xf32>
    %max3A_38 = arith.maximumf %slice3A, %slice3A_37 : vector<128x128xf32>
    %slice3A_39 = vector.extract_strided_slice %dot_general3A_15 {offsets = [256, 0], sizes = [128, 128], strides = [1, 1]} : vector<2048x128xf32> to vector<128x128xf32>
    %max3A_40 = arith.maximumf %max3A_38, %slice3A_39 : vector<128x128xf32>
    %slice3A_41 = vector.extract_strided_slice %dot_general3A_15 {offsets = [384, 0], sizes = [128, 128], strides = [1, 1]} : vector<2048x128xf32> to vector<128x128xf32>
    %max3A_42 = arith.maximumf %max3A_40, %slice3A_41 : vector<128x128xf32>
    %slice3A_43 = vector.extract_strided_slice %dot_general3A_15 {offsets = [512, 0], sizes = [128, 128], strides = [1, 1]} : vector<2048x128xf32> to vector<128x128xf32>
    %max3A_44 = arith.maximumf %max3A_42, %slice3A_43 : vector<128x128xf32>
    %slice3A_45 = vector.extract_strided_slice %dot_general3A_15 {offsets = [640, 0], sizes = [128, 128], strides = [1, 1]} : vector<2048x128xf32> to vector<128x128xf32>
    %max3A_46 = arith.maximumf %max3A_44, %slice3A_45 : vector<128x128xf32>
    %slice3A_47 = vector.extract_strided_slice %dot_general3A_15 {offsets = [768, 0], sizes = [128, 128], strides = [1, 1]} : vector<2048x128xf32> to vector<128x128xf32>
    %max3A_48 = arith.maximumf %max3A_46, %slice3A_47 : vector<128x128xf32>
    %slice3A_49 = vector.extract_strided_slice %dot_general3A_15 {offsets = [896, 0], sizes = [128, 128], strides = [1, 1]} : vector<2048x128xf32> to vector<128x128xf32>
    %max3A_50 = arith.maximumf %max3A_48, %slice3A_49 : vector<128x128xf32>
    %slice3A_51 = vector.extract_strided_slice %dot_general3A_15 {offsets = [1024, 0], sizes = [128, 128], strides = [1, 1]} : vector<2048x128xf32> to vector<128x128xf32>
    %max3A_52 = arith.maximumf %max3A_50, %slice3A_51 : vector<128x128xf32>
    %slice3A_53 = vector.extract_strided_slice %dot_general3A_15 {offsets = [1152, 0], sizes = [128, 128], strides = [1, 1]} : vector<2048x128xf32> to vector<128x128xf32>
    %max3A_54 = arith.maximumf %max3A_52, %slice3A_53 : vector<128x128xf32>
    %slice3A_55 = vector.extract_strided_slice %dot_general3A_15 {offsets = [1280, 0], sizes = [128, 128], strides = [1, 1]} : vector<2048x128xf32> to vector<128x128xf32>
    %max3A_56 = arith.maximumf %max3A_54, %slice3A_55 : vector<128x128xf32>
    %slice3A_57 = vector.extract_strided_slice %dot_general3A_15 {offsets = [1408, 0], sizes = [128, 128], strides = [1, 1]} : vector<2048x128xf32> to vector<128x128xf32>
    %max3A_58 = arith.maximumf %max3A_56, %slice3A_57 : vector<128x128xf32>
    %slice3A_59 = vector.extract_strided_slice %dot_general3A_15 {offsets = [1536, 0], sizes = [128, 128], strides = [1, 1]} : vector<2048x128xf32> to vector<128x128xf32>
    %max3A_60 = arith.maximumf %max3A_58, %slice3A_59 : vector<128x128xf32>
    %slice3A_61 = vector.extract_strided_slice %dot_general3A_15 {offsets = [1664, 0], sizes = [128, 128], strides = [1, 1]} : vector<2048x128xf32> to vector<128x128xf32>
    %max3A_62 = arith.maximumf %max3A_60, %slice3A_61 : vector<128x128xf32>
    %slice3A_63 = vector.extract_strided_slice %dot_general3A_15 {offsets = [1792, 0], sizes = [128, 128], strides = [1, 1]} : vector<2048x128xf32> to vector<128x128xf32>
    %max3A_64 = arith.maximumf %max3A_62, %slice3A_63 : vector<128x128xf32>
    %slice3A_65 = vector.extract_strided_slice %dot_general3A_15 {offsets = [1920, 0], sizes = [128, 128], strides = [1, 1]} : vector<2048x128xf32> to vector<128x128xf32>
    %max3A_66 = arith.maximumf %max3A_64, %slice3A_65 : vector<128x128xf32>
    %swap3A_67 = arith.constant 0 : index
    %swap3A_68 = arith.constant 0 : index
    %swap3A_69 = vector.load %arg5[%swap3A_67, %swap3A_68] : memref<128x128xf32, #tpu.memory_space<vmem>>, vector<128x128xf32>
    tpu.vector_store %arg5[%swap3A_67, %swap3A_68], %max3A_66 {strides = array<i32>} : memref<128x128xf32, #tpu.memory_space<vmem>>, vector<128x128xf32>,
    return
  }
  func.func @transform_0(%arg0: i32) -> (i32, i32) {
    %c0_i32 = arith.constant 0 : i32
    %c0_i32_0 = arith.constant 0 : i32
    return %arg0, %c0_i32 : i32, i32
  }
  func.func @transform_1(%arg0: i32) -> (i32, i32) {
    %c0_i32 = arith.constant 0 : i32
    %c0_i32_0 = arith.constant 0 : i32
    %c0_i32_1 = arith.constant 0 : i32
    return %c0_i32, %c0_i32_0 : i32, i32
  }
  func.func @transform_2(%arg0: i32) -> (i32, i32) {
    %c0_i32 = arith.constant 0 : i32
    %c0_i32_0 = arith.constant 0 : i32
    %c0_i32_1 = arith.constant 0 : i32
    return %c0_i32, %c0_i32_0 : i32, i32
  }
  func.func @transform_3(%arg0: i32) -> (i32, i32) {
    %c0_i32 = arith.constant 0 : i32
    %c0_i32_0 = arith.constant 0 : i32
    %c0_i32_1 = arith.constant 0 : i32
    return %c0_i32, %c0_i32_0 : i32, i32
  }
  func.func @transform_4(%arg0: i32) -> (i32, i32) {
    %c0_i32 = arith.constant 0 : i32
    %c0_i32_0 = arith.constant 0 : i32
    return %arg0, %c0_i32 : i32, i32
  }
  func.func @transform_5(%arg0: i32) -> (i32, i32) {
    %c0_i32 = arith.constant 0 : i32
    %c0_i32_0 = arith.constant 0 : i32
    %c0_i32_1 = arith.constant 0 : i32
    return %c0_i32, %c0_i32_0 : i32, i32
  }
  func.func @transform_6(%arg0: i32) -> (i32, i32) {
    %c0_i32 = arith.constant 0 : i32
    %c0_i32_0 = arith.constant 0 : i32
    %c0_i32_1 = arith.constant 0 : i32
    return %c0_i32, %c0_i32_0 : i32, i32
  }
}

module attributes {stable_mosaic.version = 14 : i64} {
  func.func @_fin_body(%arg0: i32, %arg1: memref<512x128xf32, #tpu.memory_space<vmem>>, %arg2: memref<1x128xf32, #tpu.memory_space<vmem>>, %arg3: memref<1x128xf32, #tpu.memory_space<vmem>>, %arg4: memref<1x128x512xf32, #tpu.memory_space<vmem>>) attributes {dimension_semantics = [#tpu.dimension_semantics<arbitrary>], iteration_bounds = array<i64: 8>, scalar_prefetch = 0 : i64, scratch_operands = 0 : i64, tpu.core_type = #tpu.core_type<tc>, window_params = [{transform_indices = @transform_0, window_bounds = array<i64: 512, 128>}, {pipeline_mode = #tpu.pipeline_mode<synchronous>, transform_indices = @transform_1, window_bounds = array<i64: 1, 128>}, {pipeline_mode = #tpu.pipeline_mode<synchronous>, transform_indices = @transform_2, window_bounds = array<i64: 1, 128>}, {transform_indices = @transform_3, window_bounds = array<i64: 1, 128, 512>}]} {
    %get3A = arith.constant 0 : index
    %get3A_0 = arith.constant 0 : index
    %get3A_1 = vector.load %arg1[%get3A, %get3A_0] : memref<512x128xf32, #tpu.memory_space<vmem>>, vector<512x128xf32>
    %get3A_2 = arith.constant 0 : index
    %get3A_3 = arith.constant 0 : index
    %get3A_4 = vector.load %arg2[%get3A_2, %get3A_3] : memref<1x128xf32, #tpu.memory_space<vmem>>, vector<1x128xf32>
    %mul3A = vector.broadcast %get3A_4 : vector<1x128xf32> to vector<512x128xf32>
    %mul3A_5 = arith.mulf %get3A_1, %mul3A : vector<512x128xf32>
    %get3A_6 = arith.constant 0 : index
    %get3A_7 = arith.constant 0 : index
    %get3A_8 = vector.load %arg3[%get3A_6, %get3A_7] : memref<1x128xf32, #tpu.memory_space<vmem>>, vector<1x128xf32>
    %add3A = vector.broadcast %get3A_8 : vector<1x128xf32> to vector<512x128xf32>
    %add3A_9 = arith.addf %mul3A_5, %add3A : vector<512x128xf32>
    %max3A = arith.constant 0.000000e+00 : f32
    %max3A_10 = vector.broadcast %max3A : f32 to vector<512x128xf32>
    %max3A_11 = arith.maximumf %add3A_9, %max3A_10 : vector<512x128xf32>
    %transpose3A = tpu.transpose %max3A_11, [1, 0] : vector<512x128xf32> -> vector<128x512xf32>
    %swap3A = arith.constant 0 : index
    %swap3A_12 = arith.constant 0 : index
    %swap3A_13 = arith.constant 0 : index
    %swap3A_14 = vector.load %arg4[%swap3A, %swap3A_12, %swap3A_13] : memref<1x128x512xf32, #tpu.memory_space<vmem>>, vector<1x128x512xf32>
    %swap3A_15 = vector.shape_cast %swap3A_14 : vector<1x128x512xf32> to vector<128x512xf32>
    %swap3A_16 = vector.shape_cast %transpose3A : vector<128x512xf32> to vector<1x128x512xf32>
    tpu.vector_store %arg4[%swap3A, %swap3A_12, %swap3A_13], %swap3A_16 {strides = array<i32>} : memref<1x128x512xf32, #tpu.memory_space<vmem>>, vector<1x128x512xf32>,
    return
  }
  func.func @transform_0(%arg0: i32) -> (i32, i32) {
    %c0_i32 = arith.constant 0 : i32
    %c0_i32_0 = arith.constant 0 : i32
    return %arg0, %c0_i32 : i32, i32
  }
  func.func @transform_1(%arg0: i32) -> (i32, i32) {
    %c0_i32 = arith.constant 0 : i32
    %c0_i32_0 = arith.constant 0 : i32
    %c0_i32_1 = arith.constant 0 : i32
    return %c0_i32, %c0_i32_0 : i32, i32
  }
  func.func @transform_2(%arg0: i32) -> (i32, i32) {
    %c0_i32 = arith.constant 0 : i32
    %c0_i32_0 = arith.constant 0 : i32
    %c0_i32_1 = arith.constant 0 : i32
    return %c0_i32, %c0_i32_0 : i32, i32
  }
  func.func @transform_3(%arg0: i32) -> (i32, i32, i32) {
    %jit3A = arith.constant 4 : i32
    %div3A = arith.divsi %arg0, %jit3A : i32
    %sign3A = arith.constant 0 : i32
    %sign3A_0 = arith.cmpi sgt, %arg0, %sign3A : i32
    %sign3A_1 = arith.extui %sign3A_0 : i1 to i32
    %sign3A_2 = arith.constant 0 : i32
    %sign3A_3 = arith.cmpi slt, %arg0, %sign3A_2 : i32
    %sign3A_4 = arith.extui %sign3A_3 : i1 to i32
    %sign3A_5 = arith.subi %sign3A_1, %sign3A_4 : i32
    %sign3A_6 = arith.constant 0 : i32
    %sign3A_7 = arith.cmpi sgt, %jit3A, %sign3A_6 : i32
    %sign3A_8 = arith.extui %sign3A_7 : i1 to i32
    %sign3A_9 = arith.constant 0 : i32
    %sign3A_10 = arith.cmpi slt, %jit3A, %sign3A_9 : i32
    %sign3A_11 = arith.extui %sign3A_10 : i1 to i32
    %sign3A_12 = arith.subi %sign3A_8, %sign3A_11 : i32
    %ne3A = arith.cmpi ne, %sign3A_5, %sign3A_12 : i32
    %rem3A = arith.remsi %arg0, %jit3A : i32
    %ne3A_13 = arith.constant 0 : i32
    %ne3A_14 = arith.cmpi ne, %rem3A, %ne3A_13 : i32
    %and3A = arith.andi %ne3A, %ne3A_14 : i1
    %sub3A = arith.constant 1 : i32
    %sub3A_15 = arith.subi %div3A, %sub3A : i32
    %select_n3A = arith.select %and3A, %sub3A_15, %div3A : i32
    %jit3A_16 = arith.constant 4 : i32
    %eq3A = arith.constant 0 : i32
    %eq3A_17 = arith.cmpi eq, %jit3A_16, %eq3A : i32
    %jit3A_18 = arith.constant 1 : i32
    %select_n3A_19 = arith.select %eq3A_17, %jit3A_18, %jit3A_16 : i32
    %rem3A_20 = arith.remsi %arg0, %select_n3A_19 : i32
    %ne3A_21 = arith.constant 0 : i32
    %ne3A_22 = arith.cmpi ne, %rem3A_20, %ne3A_21 : i32
    %lt3A = arith.constant 0 : i32
    %lt3A_23 = arith.cmpi slt, %rem3A_20, %lt3A : i32
    %lt3A_24 = arith.constant 0 : i32
    %lt3A_25 = arith.cmpi slt, %select_n3A_19, %lt3A_24 : i32
    %ne3A_26 = arith.xori %lt3A_23, %lt3A_25 : i1
    %and3A_27 = arith.andi %ne3A_26, %ne3A_22 : i1
    %add3A = arith.addi %rem3A_20, %select_n3A_19 : i32
    %select_n3A_28 = arith.select %and3A_27, %add3A, %rem3A_20 : i32
    %c0_i32 = arith.constant 0 : i32
    %c0_i32_29 = arith.constant 0 : i32
    return %select_n3A, %c0_i32, %select_n3A_28 : i32, i32, i32
  }
}

</mosaic_0001>

<sc_bundles>
// kernel: kernel.15.cloned.1.call-start
scs
__scs_entry_jumppad:
0x0: {  	(pc) =	sbr.rel $0x88, $3  }
0x1: {  	(tag) =	ssettag $0x0;
	lr =	simm.s32 $0x1  }
0x2: {  	[smem:$0x3F94] =	sst lr;
	_ =	strace $0xD0000000  }
0x3: {  	_ = 	snop  }
0x4: {  	_ = 	snop  }
0x5: {  	_ = 	snop  }
0x6: {  	_ = 	snop  }
0x7: {  	_ = 	snop  }
__scs_overlays_trampoline_lowered:
0x8: {  	[smem:$0x3FA3] =	sst s0  }
0x9: {  	[smem:$0x3FA4] =	sst s1  }
0xa: {  	[smem:$0x3FA5] =	sst s2  }
0xb: {  	[smem:$0x3FA6] =	sst s3  }
0xc: {  	[smem:$0x3FA7] =	sst s4  }
0xd: {  	[smem:$0x3FA8] =	sst s5  }
0xe: {  	[smem:$0x3FA9] =	sst s6  }
0xf: {  	[smem:$0x3FAA] =	sst s7  }
0x10: {  	[smem:$0x3FAB] =	sst s8  }
0x11: {  	[smem:$0x3FAC] =	sst s9;
	s0 =	simm.s32 @!p0 $0x0  }
0x12: {  	s1 =	sld [smem:$0x3F92];
	s0 =	simm.s32 @p0 $0x1  }
0x13: {  	[smem:$0x3FAD] =	sst s0;
	s0 =	simm.s32 @!p1 $0x0  }
0x14: {  	s2 =	sld [smem:$0x3F91];
	s0 =	simm.s32 @p1 $0x1  }
0x15: {  	[smem:$0x3FAE] =	sst s0;
	s0 =	simm.s32 @!p2 $0x0  }
0x16: {  	s3 =	sld [smem:$0x3FDB];
	s0 =	simm.s32 @p2 $0x1  }
0x17: {  	s4 =	simm.s32 $0x1BF5;
	[smem:$0x3FB0] =	sst s0  }
0x18: {  	s0 =	sld [smem:$0x3F93];
	_ =	swait.ge [sflag:s4], $0x0  }
0x19: {  	s7 =	sld [smem:$0x3F94]  }
0x1a: {  	s8 =	sadd.s32 $0xFFFFE003, lr  }
0x1b: {  	s9 =	sadd.s32 $0xFFFFFEF7, lr;
	s5 =	simm.s32 $0xFFFFFFFF;
	p2 =	slt.u32 s8, $0xFFFFF086  }
0x1c: {  	p1 =	slt.u32 s9, $0xF7A;
	s5 =	simm.s32 @!p2 $0x0  }
0x1d: {  	s5 =	simm.s32 @p1 $0x1;
	p0 =	seq.s32 s7, s2  }
0x1e: {  	s7 =	smul.u32 @!p0 $0xF7A, s2;
	p2 =	seq.s32 @!p0 s5, $0x0  }
0x1f: {  	s9 =	smul.u32 $0xF7A, s1;
	s8 =	simm.s32 @!p0 $0x1BF5;
	p2 =	por !p2, p0  }
0x20: {  	[sflag:s8] =	ssyncset.s32 @!p0 $0xFFFFF086;
	s6 =	sadd.s32 @!p0 s3, s7;
	s7 =	simm.s32 @!p0 $0x108  }
0x21: {  	s3 =	sadd.s32 s3, s9;
	s6 =	sadd.s32 @!p0 $0x88, s6;
	s7 =	simm.s32 @p2 $0x1082  }
0x22: {  	[simem:s7], [sflag:s8] =	dma.local @!p0 [hbm:s6], $0xF7A  }
0x23: {  	s9 =	sor.u32 $0xD0000000, s2;
	s6 =	simm.s32 $0x108;
	_ =	swait.ge @!p0 [sflag:s8], $0x0  }
0x24: {  	s3 =	sadd.s32 $0x88, s3;
	s6 =	simm.s32 @!p1 $0x1082;
	[sflag:s4] =	ssyncset.s32 $0xFFFFF086  }
0x25: {  	[simem:s6], [sflag:s4] =	dma.local [hbm:s3], $0xF7A  }
0x26: {  	[smem:$0x3F94] =	sst s1;
	(tag) =	ssettag s2;
	_ =	strace s9  }
0x27: {  	s1 =	sld [smem:$0x3FA4]  }
0x28: {  	s2 =	sld [smem:$0x3FA5]  }
0x29: {  	s4 =	sld [smem:$0x3FA7]  }
0x2a: {  	p0 =	seq.s32 s5, $0x0;
	s5 =	sld [smem:$0x3FA8]  }
0x2b: {  	s6 =	sld [smem:$0x3FA9]  }
0x2c: {  	s7 =	sld [smem:$0x3FAA]  }
0x2d: {  	s3 =	simm.s32 $0x108;
	s8 =	sld [smem:$0x3FAB]  }
0x2e: {  	s3 =	simm.s32 @!p0 $0x1082;
	s9 =	sld [smem:$0x3FAC]  }
0x2f: {  	lr =	sadd.s32 s0, s3;
	s0 =	sld [smem:$0x3FA3]  }
0x30: {  	s3 =	sld [smem:$0x3FA6]  }
0x31: {  	[smem:$0x3FAF] =	sst s10  }
0x32: {  	s10 =	sld [smem:$0x3FAD];
	_ =	sdelay $0x3  }
0x33: {  	p0 =	seq.s32 s10, $0x1;
	s10 =	sld [smem:$0x3FAF];
	_ =	sdelay $0x3  }
0x34: {  	[smem:$0x3FAF] =	sst s10  }
0x35: {  	s10 =	sld [smem:$0x3FAE];
	_ =	sdelay $0x3  }
0x36: {  	p1 =	seq.s32 s10, $0x1;
	s10 =	sld [smem:$0x3FAF];
	_ =	sdelay $0x3  }
0x37: {  	[smem:$0x3FAF] =	sst s10  }
0x38: {  	s10 =	sld [smem:$0x3FB0]  }
0x39: {  	_ = 	snop;
	(pc) =	sbr.ind lr, $3  }
0x3a: {  	_ = 	snop  }
0x3b: {  	_ = 	snop  }
0x3c: {  	p2 =	seq.s32 s10, $0x1;
	s10 =	sld [smem:$0x3FAF]  }
0x3d: {  	_ =	shalt  }
0x3e: {  	_ =	shalt  }
0x3f: {  	_ =	shalt  }
0x40: {  	_ =	shalt  }
0x41: {  	_ =	shalt  }
0x42: {  	_ =	shalt  }
0x43: {  	_ =	shalt  }
0x44: {  	_ =	shalt  }
0x45: {  	_ =	shalt  }
0x46: {  	_ =	shalt  }
0x47: {  	_ =	shalt  }
0x48: {  	_ =	shalt  }
0x49: {  	_ =	shalt  }
0x4a: {  	_ =	shalt  }
0x4b: {  	_ =	shalt  }
0x4c: {  	_ =	shalt  }
0x4d: {  	_ =	shalt  }
0x4e: {  	_ =	shalt  }
0x4f: {  	_ =	shalt  }
0x50: {  	_ =	shalt  }
0x51: {  	_ =	shalt  }
0x52: {  	_ =	shalt  }
0x53: {  	_ =	shalt  }
0x54: {  	_ =	shalt  }
0x55: {  	_ =	shalt  }
0x56: {  	_ =	shalt  }
0x57: {  	_ =	shalt  }
0x58: {  	_ =	shalt  }
0x59: {  	_ =	shalt  }
0x5a: {  	_ =	shalt  }
0x5b: {  	_ =	shalt  }
0x5c: {  	_ =	shalt  }
0x5d: {  	_ =	shalt  }
0x5e: {  	_ =	shalt  }
0x5f: {  	_ =	shalt  }
0x60: {  	_ =	shalt  }
0x61: {  	_ =	shalt  }
0x62: {  	_ =	shalt  }
0x63: {  	_ =	shalt  }
0x64: {  	_ =	shalt  }
0x65: {  	_ =	shalt  }
0x66: {  	_ =	shalt  }
0x67: {  	_ =	shalt  }
0x68: {  	_ =	shalt  }
0x69: {  	_ =	shalt  }
0x6a: {  	_ =	shalt  }
0x6b: {  	_ =	shalt  }
0x6c: {  	_ =	shalt  }
0x6d: {  	_ =	shalt  }
0x6e: {  	_ =	shalt  }
0x6f: {  	_ =	shalt  }
0x70: {  	_ =	shalt  }
0x71: {  	_ =	shalt  }
0x72: {  	_ =	shalt  }
0x73: {  	_ =	shalt  }
0x74: {  	_ =	shalt  }
0x75: {  	_ =	shalt  }
0x76: {  	_ =	shalt  }
0x77: {  	_ =	shalt  }
0x78: {  	_ =	shalt  }
0x79: {  	_ =	shalt  }
0x7a: {  	_ =	shalt  }
0x7b: {  	_ =	shalt  }
0x7c: {  	_ =	shalt  }
0x7d: {  	_ =	shalt  }
0x7e: {  	_ =	shalt  }
0x7f: {  	_ =	shalt  }
0x80: {  	_ =	shalt  }
0x81: {  	_ =	shalt  }
0x82: {  	_ =	shalt  }
0x83: {  	_ =	shalt  }
0x84: {  	_ =	shalt  }
0x85: {  	_ =	shalt  }
0x86: {  	_ =	shalt  }
0x87: {  	_ =	shalt  }
.Lfunc_end0:
.L_simem_size_0:
called_computation_lowered:
.L_overlay_start_0:
0x88: {  	s2 =	sld [smem:$0x3FD9]  }
0x89: {  	s3 =	sld [smem:$0x3FFE];
	_ =	sdelay $0x1  }
0x8a: {  	s1 =	srdreg.scid  }
0x8b: {  	s0 =	sand.u32 $0x1, s1  }
0x8c: {  	s14 =	sshll.u32 s0, $0xA;
	s2 =	sadd.s32 s3, s2  }
0x8d: {  	s2 =	sadd.s32 s2, s14  }
0x8e: {  	[smem:$0x3FBB] =	sst s2  }
0x8f: {  	_ = 	snop  }
0x90: {  	s2 =	sld [smem:$0x3FD0];
	_ =	sdelay $0x2  }
0x91: {  	s15 =	simm.s32 $0xB;
	s4 =	simm.s32 $0x10  }
0x92: {  	[smem:s4], [sflag:s15] =	dma.local [hbm:s2], $0x1  }
0x93: {  	_ =	swait.eq [sflag:s15], $0x1  }
0x94: {  	[sflag:s15] =	ssyncset.done $0x0  }
0x95: {  	[sflag:s15] =	ssyncadd.s32 $0xFFFFFFFF  }
0x96: {  	s16 =	sld [smem:$0x11];
	(tm) =	ssettm $0x1  }
0x97: {  	s17 =	sld [smem:$0x3FFB];
	_ =	sdelay $0x3  }
0x98: {  	_ =	strace s17  }
0x99: {  	s3 =	sld [smem:$0x3FFC];
	_ =	sdelay $0x3  }
0x9a: {  	_ =	strace s3  }
0x9b: {  	s3 =	sld [smem:$0x3FFD];
	_ =	sdelay $0x3  }
0x9c: {  	_ =	strace s3  }
0x9d: {  	_ =	strace $0x8FFFFFFF  }
0x9e: {  	s18 =	sld [smem:$0x3FDB];
	_ =	sdelay $0x1  }
0x9f: {  	s19 =	simm.s32 $_scs_section_size  }
0xa0: {  	s5 =	simm.s32 $_size__tile_overlayer_lowered;
	s6 =	simm.s32 $_tile_overlayer_lowered  }
0xa1: {  	s22 =	simm.s32 $0x1BFF;
	s21 =	sshll.u32 s6, $0x1;
	s3 =	sadd.s32 s19, s18  }
0xa2: {  	s7 =	simm.s32 $0x0;
	s20 =	sshll.u32 s5, $0x1;
	s5 =	sadd.s32 s21, s3  }
0xa3: {  	[timem:s7], [sflag:s22] =	dma.local [hbm:s5], s20  }
0xa4: {  	_ =	swait.ge [sflag:s22], s20  }
0xa5: {  	s4 =	ssub.s32 $0x0, s20;
	[sflag:s22] =	ssyncset.done $0x0  }
0xa6: {  	[sflag:s22] =	ssyncadd.s32 s4;
	_ =	sdelay $0x1  }
0xa7: {  	s23 =	simm.s32 $0x1B8B  }
0xa8: {  	_ =	swait.ge [sflag:s23], $0x1  }
0xa9: {  	[sflag:s23] =	ssyncset.done $0x0  }
0xaa: {  	s25 =	simm.s32 $0x1B8E;
	s24 =	sld [smem:$0x3FFE];
	[sflag:s23] =	ssyncadd.s32 $0xFFFFFFFF  }
0xab: {  	s26 =	simm.s32 $execute0_lowered;
	[smem:$0x3FD2] =	sst s25  }
0xac: {  	s5 =	sshll.u32 s26, $0x1;
	_ =	strace $0x80000046;
	[dreg:$0x1] =	wrdreg $0xFFFFFFFF  }
0xad: {  	s28 =	simm.s32 $_size_execute0_lowered;
	s3 =	sadd.s32 s3, s5;
	[dreg:$0x0] =	wrdreg $0x0  }
0xae: {  	s5 =	sshll.u32 s28, $0x1;
	[dreg:$0x2] =	wrdreg s3  }
0xaf: {  	[dreg:$0x3] =	wrdreg s5  }
0xb0: {  	[dreg:$0x4] =	wrdreg $0xC0  }
0xb1: {  	_ =	task [dreg:s7], $0x5FFFF  }
0xb2: {  	[dreg:$0x1] =	wrdreg $0xFFFFFFFF  }
0xb3: {  	[dreg:$0x0] =	wrdreg $0x60  }
0xb4: {  	[dreg:$0x2] =	wrdreg s24  }
0xb5: {  	[dreg:$0x3] =	wrdreg s16  }
0xb6: {  	[dreg:$0x4] =	wrdreg $0x9  }
0xb7: {  	_ =	task.clear_ibuf [dreg:s7], $0x5FFFF;
	_ =	strace $0x90000046  }
0xb8: {  	s29 =	simm.s32 $0x9;
	_ =	strace $0x80000048  }
0xb9: {  	_ =	swait.ge [sflag:s29], $0x1  }
0xba: {  	[sflag:s29] =	ssyncadd.s32 $0xFFFFFFFF  }
0xbb: {  	_ =	strace $0x90000048  }
0xbc: {  	_ =	sfence  }
0xbd: {  	s30 =	sld [smem:$0x0];
	_ =	sdelay $0x2  }
0xbe: {  	s31 =	sshll.u32 s1, $0xD;
	s1 =	sshrl.u32 s1, $0x2  }
0xbf: {  	s3 =	sand.u32 $0x4000, s31;
	s1 =	sadd.s32 s1, s30  }
0xc0: {  	s0 =	sor.u32 s3, s0;
	s1 =	sshll.u32 s1, $0x11  }
0xc1: {  	s0 =	sor.u32 s1, s0  }
0xc2: {  	s0 =	sadd.s32 $0x8F2B, s0  }
0xc3: {  	[sflag:s0] =	ssyncadd.remote.s32 $0x1  }
0xc4: {  	_ =	sfence.sel $0xFFFF  }
0xc5: {  	[dreg:$0x0] =	wrdreg $0xFFFFFFFF;
	(pc) =	sbr.abs _section_cstart, $3  }
0xc6: {  	[dreg:$0x1] =	wrdreg $0xFFFFFFFF  }
0xc7: {  	_ =	task.clear_ibuf [dreg:s7], $0x2FFFF;
	_ =	strace $0x9FFFFFFF  }
0xc8: {  	(tm) =	ssettm $0x7FFFFFFF  }
0xc9: {  	_ =	shalt  }
tec
execute0_lowered:
.L_overlay_start_1:
0x0: {  	(tag) =	ssettag $0x1  }
0x1: {  	s1 =	srdreg.scid  }
0x2: {  	s11 =	rddreg [dreg:$0x0];
	s0 =	stileid.u32;
	s29 =	sand.u32 $0x1, s1  }
0x3: {  	s2 =	rddreg [dreg:$0x1];
	s4 =	sshll.u32 s0, $0xC;
	s5 =	sshll.u32 s29, $0xB  }
0x4: {  	s3 =	simm.s32 $0x0;
	s1 =	rddreg [dreg:$0x2];
	s26 =	sor.u32 s5, s4  }
0x5: {  	[smem:$0x7FF] =	sst s3;
	s25 =	sadd.s32 $0x4600, s11;
	s4 =	sshrl.u32 s26, $0x3  }
0x6: {  	_ =	strace $0x80000047;
	s5 =	simm.s32 $0x5;
	s4 =	sadd.s32 s25, s4  }
0x7: {  	[tilespmem:s3], [sflag:$0x5] =	stream.linear.gather [hbm4b:s4+s3], $0x100, $0x38;
	[tilespmem:$0x10200] =	vst v63  }
0x8: {  	_ =	swait.ge [sflag:s5], $0x100  }
0x9: {  	s6 =	simm.s32 $0x100;
	s15 =	sor.u32 $0x100, s26;
	[sflag:s5] =	ssyncset.done $0x0  }
0xa: {  	s7 =	simm.s32 $0x200;
	s8 =	sshrl.u32 s15, $0x3;
	[sflag:s5] =	ssyncadd.s32 $0xFFFFFF00  }
0xb: {  	[tilespmem:s7], [sflag:$0x1] =	stream.indirect.gather [hbm4b:s2+s6], $0x80, s3, s6, $0xb8;
	[tilespmem:$0x10200] =	vst v63  }
0xc: {  	s8 =	sadd.s32 s25, s8  }
0xd: {  	[tilespmem:s6], [sflag:$0x5] =	stream.linear.gather [hbm4b:s8+s3], $0x100, $0x38;
	[tilespmem:$0x10200] =	vst v63  }
0xe: {  	_ =	swait.ge [sflag:s5], $0x100  }
0xf: {  	[sflag:s5] =	ssyncset.done $0x0  }
0x10: {  	s9 =	simm.s32 $0x8200;
	s10 =	simm.s32 $0x1;
	[sflag:s5] =	ssyncadd.s32 $0xFFFFFF00  }
0x11: {  	[tilespmem:s9], [sflag:$0x2] =	stream.indirect.gather [hbm4b:s2+s6], $0x80, s6, s6, $0xb8;
	[tilespmem:$0x10200] =	vst v63  }
0x12: {  	s28 =	sadd.s32 $0x6600, s11;
	_ =	swait.ge [sflag:s10], $0x8000  }
0x13: {  	s24 =	sshll.u32 s26, $0x4;
	s18 =	sor.u32 $0x200, s26;
	[sflag:s10] =	ssyncset.done $0x0  }
0x14: {  	s11 =	sadd.s32 s28, s24;
	s12 =	sshrl.u32 s18, $0x3;
	[sflag:s10] =	ssyncadd.s32 $0xFFFF8000  }
0x15: {  	[hbm4b:s11+s3] =	stream.linear.scatter [tilespmem:s7], [sflag:$0x3], $0x8000, $0x38;
	[tilespmem:$0x10200] =	vst v63  }
0x16: {  	s12 =	sadd.s32 s25, s12  }
0x17: {  	[tilespmem:s3], [sflag:$0x5] =	stream.linear.gather [hbm4b:s12+s3], $0x100, $0x38;
	[tilespmem:$0x10200] =	vst v63  }
0x18: {  	_ =	swait.ge [sflag:s5], $0x100  }
0x19: {  	[sflag:s5] =	ssyncset.done $0x0  }
0x1a: {  	s13 =	simm.s32 $0x3;
	[sflag:s5] =	ssyncadd.s32 $0xFFFFFF00  }
0x1b: {  	_ =	swait.ge [sflag:s13], $0x8000  }
0x1c: {  	[sflag:s13] =	ssyncset.done $0x0  }
0x1d: {  	s14 =	simm.s32 $0x2;
	[sflag:s13] =	ssyncadd.s32 $0xFFFF8000  }
0x1e: {  	[tilespmem:s7], [sflag:$0x1] =	stream.indirect.gather [hbm4b:s2+s6], $0x80, s3, s6, $0xb8;
	[tilespmem:$0x10200] =	vst v63  }
0x1f: {  	_ =	swait.ge [sflag:s14], $0x8000  }
0x20: {  	s20 =	sor.u32 $0x300, s26;
	s15 =	sshll.u32 s15, $0x4;
	[sflag:s14] =	ssyncset.done $0x0  }
0x21: {  	s16 =	sshrl.u32 s20, $0x3;
	s15 =	sadd.s32 s28, s15;
	[sflag:s14] =	ssyncadd.s32 $0xFFFF8000  }
0x22: {  	[hbm4b:s15+s3] =	stream.linear.scatter [tilespmem:s9], [sflag:$0x4], $0x8000, $0x38;
	[tilespmem:$0x10200] =	vst v63  }
0x23: {  	s16 =	sadd.s32 s25, s16  }
0x24: {  	[tilespmem:s6], [sflag:$0x5] =	stream.linear.gather [hbm4b:s16+s3], $0x100, $0x38;
	[tilespmem:$0x10200] =	vst v63  }
0x25: {  	_ =	swait.ge [sflag:s5], $0x100  }
0x26: {  	[sflag:s5] =	ssyncset.done $0x0  }
0x27: {  	s17 =	simm.s32 $0x4;
	[sflag:s5] =	ssyncadd.s32 $0xFFFFFF00  }
0x28: {  	_ =	swait.ge [sflag:s17], $0x8000  }
0x29: {  	[sflag:s17] =	ssyncset.done $0x0  }
0x2a: {  	[sflag:s17] =	ssyncadd.s32 $0xFFFF8000  }
0x2b: {  	[tilespmem:s9], [sflag:$0x2] =	stream.indirect.gather [hbm4b:s2+s6], $0x80, s6, s6, $0xb8;
	[tilespmem:$0x10200] =	vst v63  }
0x2c: {  	_ =	swait.ge [sflag:s10], $0x8000  }
0x2d: {  	s22 =	sor.u32 $0x400, s26;
	s18 =	sshll.u32 s18, $0x4;
	[sflag:s10] =	ssyncset.done $0x0  }
0x2e: {  	s19 =	sshrl.u32 s22, $0x3;
	s18 =	sadd.s32 s28, s18;
	[sflag:s10] =	ssyncadd.s32 $0xFFFF8000  }
0x2f: {  	[hbm4b:s18+s3] =	stream.linear.scatter [tilespmem:s7], [sflag:$0x3], $0x8000, $0x38;
	[tilespmem:$0x10200] =	vst v63  }
0x30: {  	s19 =	sadd.s32 s25, s19  }
0x31: {  	[tilespmem:s3], [sflag:$0x5] =	stream.linear.gather [hbm4b:s19+s3], $0x100, $0x38;
	[tilespmem:$0x10200] =	vst v63  }
0x32: {  	_ =	swait.ge [sflag:s5], $0x100  }
0x33: {  	[sflag:s5] =	ssyncset.done $0x0  }
0x34: {  	[sflag:s5] =	ssyncadd.s32 $0xFFFFFF00  }
0x35: {  	_ =	swait.ge [sflag:s13], $0x8000  }
0x36: {  	[sflag:s13] =	ssyncset.done $0x0  }
0x37: {  	[sflag:s13] =	ssyncadd.s32 $0xFFFF8000  }
0x38: {  	[tilespmem:s7], [sflag:$0x1] =	stream.indirect.gather [hbm4b:s2+s6], $0x80, s3, s6, $0xb8;
	[tilespmem:$0x10200] =	vst v63  }
0x39: {  	_ =	swait.ge [sflag:s14], $0x8000  }
0x3a: {  	s20 =	sshll.u32 s20, $0x4;
	s24 =	sor.u32 $0x500, s26;
	[sflag:s14] =	ssyncset.done $0x0  }
0x3b: {  	s20 =	sadd.s32 s28, s20;
	s21 =	sshrl.u32 s24, $0x3;
	[sflag:s14] =	ssyncadd.s32 $0xFFFF8000  }
0x3c: {  	[hbm4b:s20+s3] =	stream.linear.scatter [tilespmem:s9], [sflag:$0x4], $0x8000, $0x38;
	[tilespmem:$0x10200] =	vst v63  }
0x3d: {  	s21 =	sadd.s32 s25, s21  }
0x3e: {  	[tilespmem:s6], [sflag:$0x5] =	stream.linear.gather [hbm4b:s21+s3], $0x100, $0x38;
	[tilespmem:$0x10200] =	vst v63  }
0x3f: {  	_ =	swait.ge [sflag:s5], $0x100  }
0x40: {  	[sflag:s5] =	ssyncset.done $0x0  }
0x41: {  	[sflag:s5] =	ssyncadd.s32 $0xFFFFFF00  }
0x42: {  	_ =	swait.ge [sflag:s17], $0x8000  }
0x43: {  	[sflag:s17] =	ssyncset.done $0x0  }
0x44: {  	[sflag:s17] =	ssyncadd.s32 $0xFFFF8000  }
0x45: {  	[tilespmem:s9], [sflag:$0x2] =	stream.indirect.gather [hbm4b:s2+s6], $0x80, s6, s6, $0xb8;
	[tilespmem:$0x10200] =	vst v63  }
0x46: {  	_ =	swait.ge [sflag:s10], $0x8000  }
0x47: {  	s30 =	sor.u32 $0x600, s26;
	s22 =	sshll.u32 s22, $0x4;
	[sflag:s10] =	ssyncset.done $0x0  }
0x48: {  	s23 =	sshrl.u32 s30, $0x3;
	s22 =	sadd.s32 s28, s22;
	[sflag:s10] =	ssyncadd.s32 $0xFFFF8000  }
0x49: {  	[hbm4b:s22+s3] =	stream.linear.scatter [tilespmem:s7], [sflag:$0x3], $0x8000, $0x38;
	[tilespmem:$0x10200] =	vst v63  }
0x4a: {  	s23 =	sadd.s32 s25, s23  }
0x4b: {  	[tilespmem:s3], [sflag:$0x5] =	stream.linear.gather [hbm4b:s23+s3], $0x100, $0x38;
	[tilespmem:$0x10200] =	vst v63  }
0x4c: {  	_ =	swait.ge [sflag:s5], $0x100  }
0x4d: {  	[sflag:s5] =	ssyncset.done $0x0  }
0x4e: {  	[sflag:s5] =	ssyncadd.s32 $0xFFFFFF00  }
0x4f: {  	_ =	swait.ge [sflag:s13], $0x8000  }
0x50: {  	[sflag:s13] =	ssyncset.done $0x0  }
0x51: {  	[sflag:s13] =	ssyncadd.s32 $0xFFFF8000  }
0x52: {  	[tilespmem:s7], [sflag:$0x1] =	stream.indirect.gather [hbm4b:s2+s6], $0x80, s3, s6, $0xb8;
	[tilespmem:$0x10200] =	vst v63  }
0x53: {  	_ =	swait.ge [sflag:s14], $0x8000  }
0x54: {  	s31 =	sor.u32 $0x700, s26;
	s24 =	sshll.u32 s24, $0x4;
	[sflag:s14] =	ssyncset.done $0x0  }
0x55: {  	s26 =	sshrl.u32 s31, $0x3;
	s24 =	sadd.s32 s28, s24;
	[sflag:s14] =	ssyncadd.s32 $0xFFFF8000  }
0x56: {  	[hbm4b:s24+s3] =	stream.linear.scatter [tilespmem:s9], [sflag:$0x4], $0x8000, $0x38;
	[tilespmem:$0x10200] =	vst v63  }
0x57: {  	s25 =	sadd.s32 s25, s26  }
0x58: {  	[tilespmem:s6], [sflag:$0x5] =	stream.linear.gather [hbm4b:s25+s3], $0x100, $0x38;
	[tilespmem:$0x10200] =	vst v63  }
0x59: {  	_ =	swait.ge [sflag:s5], $0x100  }
0x5a: {  	[sflag:s5] =	ssyncset.done $0x0  }
0x5b: {  	[sflag:s5] =	ssyncadd.s32 $0xFFFFFF00  }
0x5c: {  	_ =	swait.ge [sflag:s17], $0x8000  }
0x5d: {  	[sflag:s17] =	ssyncset.done $0x0  }
0x5e: {  	[sflag:s17] =	ssyncadd.s32 $0xFFFF8000  }
0x5f: {  	[tilespmem:s9], [sflag:$0x2] =	stream.indirect.gather [hbm4b:s2+s6], $0x80, s6, s6, $0xb8;
	[tilespmem:$0x10200] =	vst v63  }
0x60: {  	s29 =	ssub.s32 $0x2, s29;
	s30 =	sshll.u32 s30, $0x4;
	_ =	swait.ge [sflag:s10], $0x8000  }
0x61: {  	s31 =	sshll.u32 s31, $0x4;
	s26 =	sadd.s32 s28, s30;
	[sflag:s10] =	ssyncset.done $0x0  }
0x62: {  	s28 =	sadd.s32 s28, s31;
	s31 =	sshrl.u32 s29, $0x1;
	[sflag:s10] =	ssyncadd.s32 $0xFFFF8000  }
0x63: {  	[hbm4b:s26+s3] =	stream.linear.scatter [tilespmem:s7], [sflag:$0x3], $0x8000, $0x38;
	[tilespmem:$0x10200] =	vst v63  }
0x64: {  	s29 =	ssub.s32 s29, s31;
	_ =	swait.ge [sflag:s14], $0x8000  }
0x65: {  	s29 =	smax.u32 s29, $0x1;
	[sflag:s14] =	ssyncset.done $0x0  }
0x66: {  	p0 =	sne.s32 s29, $0x1;
	[sflag:s14] =	ssyncadd.s32 $0xFFFF8000  }
0x67: {  	[hbm4b:s28+s3] =	stream.linear.scatter [tilespmem:s9], [sflag:$0x4], $0x8000, $0x38;
	[tilespmem:$0x10200] =	vst v63  }
.Ltmp0:
0x68: {  	_ =	swait.ge [sflag:s17], $0x8000;
	(pc) =	sbr.rel @!p0 .LBB2_2-.Ltmp0, $4  }
0x69: {  	[sflag:s17] =	ssyncset.done $0x0  }
0x6a: {  	[sflag:s17] =	ssyncadd.s32 $0xFFFF8000  }
0x6b: {  	_ =	swait.ge [sflag:s13], $0x8000  }
0x6c: {  	s29 =	sadd.s32 $0xFFFFFFFF, s29;
	[sflag:s13] =	ssyncset.done $0x0  }
.LBB2_1:
0x6d: {  	p0 =	sne.s32 s29, $0x1;
	s29 =	sadd.s32 $0xFFFFFFFF, s29;
	[sflag:s13] =	ssyncadd.s32 $0xFFFF8000  }
0x6e: {  	[tilespmem:s3], [sflag:$0x5] =	stream.linear.gather [hbm4b:s4+s3], $0x100, $0x38;
	[tilespmem:$0x10200] =	vst v63  }
0x6f: {  	_ =	swait.ge [sflag:s5], $0x100  }
0x70: {  	[sflag:s5] =	ssyncset.done $0x0  }
0x71: {  	[sflag:s5] =	ssyncadd.s32 $0xFFFFFF00  }
0x72: {  	[tilespmem:s7], [sflag:$0x1] =	stream.indirect.gather [hbm4b:s2+s6], $0x80, s3, s6, $0xb8;
	[tilespmem:$0x10200] =	vst v63  }
0x73: {  	_ = 	snop  }
0x74: {  	[tilespmem:s6], [sflag:$0x5] =	stream.linear.gather [hbm4b:s8+s3], $0x100, $0x38;
	[tilespmem:$0x10200] =	vst v63  }
0x75: {  	_ =	swait.ge [sflag:s5], $0x100  }
0x76: {  	[sflag:s5] =	ssyncset.done $0x0  }
0x77: {  	[sflag:s5] =	ssyncadd.s32 $0xFFFFFF00  }
0x78: {  	[tilespmem:s9], [sflag:$0x2] =	stream.indirect.gather [hbm4b:s2+s6], $0x80, s6, s6, $0xb8;
	[tilespmem:$0x10200] =	vst v63  }
0x79: {  	_ =	swait.ge [sflag:s10], $0x8000  }
0x7a: {  	[sflag:s10] =	ssyncset.done $0x0  }
0x7b: {  	[sflag:s10] =	ssyncadd.s32 $0xFFFF8000  }
0x7c: {  	[hbm4b:s11+s3] =	stream.linear.scatter [tilespmem:s7], [sflag:$0x3], $0x8000, $0x38;
	[tilespmem:$0x10200] =	vst v63  }
0x7d: {  	_ = 	snop  }
0x7e: {  	[tilespmem:s3], [sflag:$0x5] =	stream.linear.gather [hbm4b:s12+s3], $0x100, $0x38;
	[tilespmem:$0x10200] =	vst v63  }
0x7f: {  	_ =	swait.ge [sflag:s5], $0x100  }
0x80: {  	[sflag:s5] =	ssyncset.done $0x0  }
0x81: {  	[sflag:s5] =	ssyncadd.s32 $0xFFFFFF00  }
0x82: {  	_ =	swait.ge [sflag:s13], $0x8000  }
0x83: {  	[sflag:s13] =	ssyncset.done $0x0  }
0x84: {  	[sflag:s13] =	ssyncadd.s32 $0xFFFF8000  }
0x85: {  	[tilespmem:s7], [sflag:$0x1] =	stream.indirect.gather [hbm4b:s2+s6], $0x80, s3, s6, $0xb8;
	[tilespmem:$0x10200] =	vst v63  }
0x86: {  	_ =	swait.ge [sflag:s14], $0x8000  }
0x87: {  	[sflag:s14] =	ssyncset.done $0x0  }
0x88: {  	[sflag:s14] =	ssyncadd.s32 $0xFFFF8000  }
0x89: {  	[hbm4b:s15+s3] =	stream.linear.scatter [tilespmem:s9], [sflag:$0x4], $0x8000, $0x38;
	[tilespmem:$0x10200] =	vst v63  }
0x8a: {  	_ = 	snop  }
0x8b: {  	[tilespmem:s6], [sflag:$0x5] =	stream.linear.gather [hbm4b:s16+s3], $0x100, $0x38;
	[tilespmem:$0x10200] =	vst v63  }
0x8c: {  	_ =	swait.ge [sflag:s5], $0x100  }
0x8d: {  	[sflag:s5] =	ssyncset.done $0x0  }
0x8e: {  	[sflag:s5] =	ssyncadd.s32 $0xFFFFFF00  }
0x8f: {  	_ =	swait.ge [sflag:s17], $0x8000  }
0x90: {  	[sflag:s17] =	ssyncset.done $0x0  }
0x91: {  	[sflag:s17] =	ssyncadd.s32 $0xFFFF8000  }
0x92: {  	[tilespmem:s9], [sflag:$0x2] =	stream.indirect.gather [hbm4b:s2+s6], $0x80, s6, s6, $0xb8;
	[tilespmem:$0x10200] =	vst v63  }
0x93: {  	_ =	swait.ge [sflag:s10], $0x8000  }
0x94: {  	[sflag:s10] =	ssyncset.done $0x0  }
0x95: {  	[sflag:s10] =	ssyncadd.s32 $0xFFFF8000  }
0x96: {  	[hbm4b:s18+s3] =	stream.linear.scatter [tilespmem:s7], [sflag:$0x3], $0x8000, $0x38;
	[tilespmem:$0x10200] =	vst v63  }
0x97: {  	_ = 	snop  }
0x98: {  	[tilespmem:s3], [sflag:$0x5] =	stream.linear.gather [hbm4b:s19+s3], $0x100, $0x38;
	[tilespmem:$0x10200] =	vst v63  }
0x99: {  	_ =	swait.ge [sflag:s5], $0x100  }
0x9a: {  	[sflag:s5] =	ssyncset.done $0x0  }
0x9b: {  	[sflag:s5] =	ssyncadd.s32 $0xFFFFFF00  }
0x9c: {  	_ =	swait.ge [sflag:s13], $0x8000  }
0x9d: {  	[sflag:s13] =	ssyncset.done $0x0  }
0x9e: {  	[sflag:s13] =	ssyncadd.s32 $0xFFFF8000  }
0x9f: {  	[tilespmem:s7], [sflag:$0x1] =	stream.indirect.gather [hbm4b:s2+s6], $0x80, s3, s6, $0xb8;
	[tilespmem:$0x10200] =	vst v63  }
0xa0: {  	_ =	swait.ge [sflag:s14], $0x8000  }
0xa1: {  	[sflag:s14] =	ssyncset.done $0x0  }
0xa2: {  	[sflag:s14] =	ssyncadd.s32 $0xFFFF8000  }
0xa3: {  	[hbm4b:s20+s3] =	stream.linear.scatter [tilespmem:s9], [sflag:$0x4], $0x8000, $0x38;
	[tilespmem:$0x10200] =	vst v63  }
0xa4: {  	_ = 	snop  }
0xa5: {  	[tilespmem:s6], [sflag:$0x5] =	stream.linear.gather [hbm4b:s21+s3], $0x100, $0x38;
	[tilespmem:$0x10200] =	vst v63  }
0xa6: {  	_ =	swait.ge [sflag:s5], $0x100  }
0xa7: {  	[sflag:s5] =	ssyncset.done $0x0  }
0xa8: {  	[sflag:s5] =	ssyncadd.s32 $0xFFFFFF00  }
0xa9: {  	_ =	swait.ge [sflag:s17], $0x8000  }
0xaa: {  	[sflag:s17] =	ssyncset.done $0x0  }
0xab: {  	[sflag:s17] =	ssyncadd.s32 $0xFFFF8000  }
0xac: {  	[tilespmem:s9], [sflag:$0x2] =	stream.indirect.gather [hbm4b:s2+s6], $0x80, s6, s6, $0xb8;
	[tilespmem:$0x10200] =	vst v63  }
0xad: {  	_ =	swait.ge [sflag:s10], $0x8000  }
0xae: {  	[sflag:s10] =	ssyncset.done $0x0  }
0xaf: {  	[sflag:s10] =	ssyncadd.s32 $0xFFFF8000  }
0xb0: {  	[hbm4b:s22+s3] =	stream.linear.scatter [tilespmem:s7], [sflag:$0x3], $0x8000, $0x38;
	[tilespmem:$0x10200] =	vst v63  }
0xb1: {  	_ = 	snop  }
0xb2: {  	[tilespmem:s3], [sflag:$0x5] =	stream.linear.gather [hbm4b:s23+s3], $0x100, $0x38;
	[tilespmem:$0x10200] =	vst v63  }
0xb3: {  	_ =	swait.ge [sflag:s5], $0x100  }
0xb4: {  	[sflag:s5] =	ssyncset.done $0x0  }
0xb5: {  	[sflag:s5] =	ssyncadd.s32 $0xFFFFFF00  }
0xb6: {  	_ =	swait.ge [sflag:s13], $0x8000  }
0xb7: {  	[sflag:s13] =	ssyncset.done $0x0  }
0xb8: {  	[sflag:s13] =	ssyncadd.s32 $0xFFFF8000  }
0xb9: {  	[tilespmem:s7], [sflag:$0x1] =	stream.indirect.gather [hbm4b:s2+s6], $0x80, s3, s6, $0xb8;
	[tilespmem:$0x10200] =	vst v63  }
0xba: {  	_ =	swait.ge [sflag:s14], $0x8000  }
0xbb: {  	[sflag:s14] =	ssyncset.done $0x0  }
0xbc: {  	[sflag:s14] =	ssyncadd.s32 $0xFFFF8000  }
0xbd: {  	[hbm4b:s24+s3] =	stream.linear.scatter [tilespmem:s9], [sflag:$0x4], $0x8000, $0x38;
	[tilespmem:$0x10200] =	vst v63  }
0xbe: {  	_ = 	snop  }
0xbf: {  	[tilespmem:s6], [sflag:$0x5] =	stream.linear.gather [hbm4b:s25+s3], $0x100, $0x38;
	[tilespmem:$0x10200] =	vst v63  }
0xc0: {  	_ =	swait.ge [sflag:s5], $0x100  }
0xc1: {  	[sflag:s5] =	ssyncset.done $0x0  }
0xc2: {  	[sflag:s5] =	ssyncadd.s32 $0xFFFFFF00  }
0xc3: {  	_ =	swait.ge [sflag:s17], $0x8000  }
0xc4: {  	[sflag:s17] =	ssyncset.done $0x0  }
0xc5: {  	[sflag:s17] =	ssyncadd.s32 $0xFFFF8000  }
0xc6: {  	[tilespmem:s9], [sflag:$0x2] =	stream.indirect.gather [hbm4b:s2+s6], $0x80, s6, s6, $0xb8;
	[tilespmem:$0x10200] =	vst v63  }
0xc7: {  	_ =	swait.ge [sflag:s10], $0x8000  }
0xc8: {  	[sflag:s10] =	ssyncset.done $0x0  }
0xc9: {  	[sflag:s10] =	ssyncadd.s32 $0xFFFF8000  }
0xca: {  	[hbm4b:s26+s3] =	stream.linear.scatter [tilespmem:s7], [sflag:$0x3], $0x8000, $0x38;
	[tilespmem:$0x10200] =	vst v63  }
0xcb: {  	_ =	swait.ge [sflag:s14], $0x8000  }
0xcc: {  	[sflag:s14] =	ssyncset.done $0x0  }
0xcd: {  	[sflag:s14] =	ssyncadd.s32 $0xFFFF8000  }
0xce: {  	[hbm4b:s28+s3] =	stream.linear.scatter [tilespmem:s9], [sflag:$0x4], $0x8000, $0x38;
	[tilespmem:$0x10200] =	vst v63  }
.Ltmp1:
0xcf: {  	_ =	swait.ge [sflag:s17], $0x8000;
	(pc) =	sbr.rel @p0 .LBB2_1-.Ltmp1, $4  }
0xd0: {  	[sflag:s17] =	ssyncset.done $0x0  }
0xd1: {  	[sflag:s17] =	ssyncadd.s32 $0xFFFF8000  }
0xd2: {  	_ =	swait.ge [sflag:s13], $0x8000  }
0xd3: {  	[sflag:s13] =	ssyncset.done $0x0  }
.LBB2_2:
0xd4: {  	[sflag:s13] =	ssyncadd.s32 $0xFFFF8000  }
0xd5: {  	_ =	sfence.sel $0x180000  }
0xd6: {  	[bflag:$0x0] =	sbarrier.arrive $0xFFFF  }
0xd7: {  	p0 =	sne.s32 s0, $0x0;
	_ =	strace $0x90000047  }
0xd8: {  	s0 =	sadd.s32 @!p0 $0x100000, s1;
	[bflag:$0x2] =	sbarrier.arrive $0xFFFF  }
0xd9: {  	[sflag:s0] =	ssyncadd.tile.s32 @!p0 $0x1;
	_ =	shalt  }
.Lfunc_end2:
_tile_overlayer_lowered:
.L_overlay_start_2:
0xda: {  	(tag) =	ssettag $0x2  }
0xdb: {  	s0 =	rddreg [dreg:$0x0];
	s2 =	stileid.u32  }
0xdc: {  	s1 =	rddreg [dreg:$0x1];
	p0 =	sne.s32 s2, $0x0  }
0xdd: {  	s3 =	rddreg [dreg:$0x2];
	[bflag:$0x3] =	sbarrier.arrive $0xFFFF;
	s2 =	simm.s32 @!p0 $0x1C05  }
0xde: {  	[timem:s3], [sflag:s2] =	dma.local @!p0 [hbm:s0], s1  }
0xdf: {  	s0 =	simm.s32 @!p0 $0x5  }
0xe0: {  	_ =	swait.ge @!p0 [sflag:s0], s1  }
0xe1: {  	s1 =	ssub.s32 @!p0 $0x0, s1;
	[sflag:s0] =	ssyncset.done @!p0 $0x0  }
0xe2: {  	[sflag:s0] =	ssyncadd.s32 @!p0 s1  }
0xe3: {  	[bflag:$0x3] =	sbarrier.arrive $0xFFFF  }
0xe4: {  	_ =	shalt  }

// kernel: kernel.18.cloned.1.call-start
scs
__scs_entry_jumppad:
0x0: {  	(pc) =	sbr.rel $0x88, $3  }
0x1: {  	(tag) =	ssettag $0x0;
	lr =	simm.s32 $0x1  }
0x2: {  	[smem:$0x3F94] =	sst lr;
	_ =	strace $0xD0000000  }
0x3: {  	_ = 	snop  }
0x4: {  	_ = 	snop  }
0x5: {  	_ = 	snop  }
0x6: {  	_ = 	snop  }
0x7: {  	_ = 	snop  }
__scs_overlays_trampoline_lowered:
0x8: {  	[smem:$0x3FA3] =	sst s0  }
0x9: {  	[smem:$0x3FA4] =	sst s1  }
0xa: {  	[smem:$0x3FA5] =	sst s2  }
0xb: {  	[smem:$0x3FA6] =	sst s3  }
0xc: {  	[smem:$0x3FA7] =	sst s4  }
0xd: {  	[smem:$0x3FA8] =	sst s5  }
0xe: {  	[smem:$0x3FA9] =	sst s6  }
0xf: {  	[smem:$0x3FAA] =	sst s7  }
0x10: {  	[smem:$0x3FAB] =	sst s8  }
0x11: {  	[smem:$0x3FAC] =	sst s9;
	s0 =	simm.s32 @!p0 $0x0  }
0x12: {  	s1 =	sld [smem:$0x3F92];
	s0 =	simm.s32 @p0 $0x1  }
0x13: {  	[smem:$0x3FAD] =	sst s0;
	s0 =	simm.s32 @!p1 $0x0  }
0x14: {  	s2 =	sld [smem:$0x3F91];
	s0 =	simm.s32 @p1 $0x1  }
0x15: {  	[smem:$0x3FAE] =	sst s0;
	s0 =	simm.s32 @!p2 $0x0  }
0x16: {  	s3 =	sld [smem:$0x3FDB];
	s0 =	simm.s32 @p2 $0x1  }
0x17: {  	s4 =	simm.s32 $0x1BF5;
	[smem:$0x3FB0] =	sst s0  }
0x18: {  	s0 =	sld [smem:$0x3F93];
	_ =	swait.ge [sflag:s4], $0x0  }
0x19: {  	s7 =	sld [smem:$0x3F94]  }
0x1a: {  	s8 =	sadd.s32 $0xFFFFE003, lr  }
0x1b: {  	s9 =	sadd.s32 $0xFFFFFEF7, lr;
	s5 =	simm.s32 $0xFFFFFFFF;
	p2 =	slt.u32 s8, $0xFFFFF086  }
0x1c: {  	p1 =	slt.u32 s9, $0xF7A;
	s5 =	simm.s32 @!p2 $0x0  }
0x1d: {  	s5 =	simm.s32 @p1 $0x1;
	p0 =	seq.s32 s7, s2  }
0x1e: {  	s7 =	smul.u32 @!p0 $0xF7A, s2;
	p2 =	seq.s32 @!p0 s5, $0x0  }
0x1f: {  	s9 =	smul.u32 $0xF7A, s1;
	s8 =	simm.s32 @!p0 $0x1BF5;
	p2 =	por !p2, p0  }
0x20: {  	[sflag:s8] =	ssyncset.s32 @!p0 $0xFFFFF086;
	s6 =	sadd.s32 @!p0 s3, s7;
	s7 =	simm.s32 @!p0 $0x108  }
0x21: {  	s3 =	sadd.s32 s3, s9;
	s6 =	sadd.s32 @!p0 $0x88, s6;
	s7 =	simm.s32 @p2 $0x1082  }
0x22: {  	[simem:s7], [sflag:s8] =	dma.local @!p0 [hbm:s6], $0xF7A  }
0x23: {  	s9 =	sor.u32 $0xD0000000, s2;
	s6 =	simm.s32 $0x108;
	_ =	swait.ge @!p0 [sflag:s8], $0x0  }
0x24: {  	s3 =	sadd.s32 $0x88, s3;
	s6 =	simm.s32 @!p1 $0x1082;
	[sflag:s4] =	ssyncset.s32 $0xFFFFF086  }
0x25: {  	[simem:s6], [sflag:s4] =	dma.local [hbm:s3], $0xF7A  }
0x26: {  	[smem:$0x3F94] =	sst s1;
	(tag) =	ssettag s2;
	_ =	strace s9  }
0x27: {  	s1 =	sld [smem:$0x3FA4]  }
0x28: {  	s2 =	sld [smem:$0x3FA5]  }
0x29: {  	s4 =	sld [smem:$0x3FA7]  }
0x2a: {  	p0 =	seq.s32 s5, $0x0;
	s5 =	sld [smem:$0x3FA8]  }
0x2b: {  	s6 =	sld [smem:$0x3FA9]  }
0x2c: {  	s7 =	sld [smem:$0x3FAA]  }
0x2d: {  	s3 =	simm.s32 $0x108;
	s8 =	sld [smem:$0x3FAB]  }
0x2e: {  	s3 =	simm.s32 @!p0 $0x1082;
	s9 =	sld [smem:$0x3FAC]  }
0x2f: {  	lr =	sadd.s32 s0, s3;
	s0 =	sld [smem:$0x3FA3]  }
0x30: {  	s3 =	sld [smem:$0x3FA6]  }
0x31: {  	[smem:$0x3FAF] =	sst s10  }
0x32: {  	s10 =	sld [smem:$0x3FAD];
	_ =	sdelay $0x3  }
0x33: {  	p0 =	seq.s32 s10, $0x1;
	s10 =	sld [smem:$0x3FAF];
	_ =	sdelay $0x3  }
0x34: {  	[smem:$0x3FAF] =	sst s10  }
0x35: {  	s10 =	sld [smem:$0x3FAE];
	_ =	sdelay $0x3  }
0x36: {  	p1 =	seq.s32 s10, $0x1;
	s10 =	sld [smem:$0x3FAF];
	_ =	sdelay $0x3  }
0x37: {  	[smem:$0x3FAF] =	sst s10  }
0x38: {  	s10 =	sld [smem:$0x3FB0]  }
0x39: {  	_ = 	snop;
	(pc) =	sbr.ind lr, $3  }
0x3a: {  	_ = 	snop  }
0x3b: {  	_ = 	snop  }
0x3c: {  	p2 =	seq.s32 s10, $0x1;
	s10 =	sld [smem:$0x3FAF]  }
0x3d: {  	_ =	shalt  }
0x3e: {  	_ =	shalt  }
0x3f: {  	_ =	shalt  }
0x40: {  	_ =	shalt  }
0x41: {  	_ =	shalt  }
0x42: {  	_ =	shalt  }
0x43: {  	_ =	shalt  }
0x44: {  	_ =	shalt  }
0x45: {  	_ =	shalt  }
0x46: {  	_ =	shalt  }
0x47: {  	_ =	shalt  }
0x48: {  	_ =	shalt  }
0x49: {  	_ =	shalt  }
0x4a: {  	_ =	shalt  }
0x4b: {  	_ =	shalt  }
0x4c: {  	_ =	shalt  }
0x4d: {  	_ =	shalt  }
0x4e: {  	_ =	shalt  }
0x4f: {  	_ =	shalt  }
0x50: {  	_ =	shalt  }
0x51: {  	_ =	shalt  }
0x52: {  	_ =	shalt  }
0x53: {  	_ =	shalt  }
0x54: {  	_ =	shalt  }
0x55: {  	_ =	shalt  }
0x56: {  	_ =	shalt  }
0x57: {  	_ =	shalt  }
0x58: {  	_ =	shalt  }
0x59: {  	_ =	shalt  }
0x5a: {  	_ =	shalt  }
0x5b: {  	_ =	shalt  }
0x5c: {  	_ =	shalt  }
0x5d: {  	_ =	shalt  }
0x5e: {  	_ =	shalt  }
0x5f: {  	_ =	shalt  }
0x60: {  	_ =	shalt  }
0x61: {  	_ =	shalt  }
0x62: {  	_ =	shalt  }
0x63: {  	_ =	shalt  }
0x64: {  	_ =	shalt  }
0x65: {  	_ =	shalt  }
0x66: {  	_ =	shalt  }
0x67: {  	_ =	shalt  }
0x68: {  	_ =	shalt  }
0x69: {  	_ =	shalt  }
0x6a: {  	_ =	shalt  }
0x6b: {  	_ =	shalt  }
0x6c: {  	_ =	shalt  }
0x6d: {  	_ =	shalt  }
0x6e: {  	_ =	shalt  }
0x6f: {  	_ =	shalt  }
0x70: {  	_ =	shalt  }
0x71: {  	_ =	shalt  }
0x72: {  	_ =	shalt  }
0x73: {  	_ =	shalt  }
0x74: {  	_ =	shalt  }
0x75: {  	_ =	shalt  }
0x76: {  	_ =	shalt  }
0x77: {  	_ =	shalt  }
0x78: {  	_ =	shalt  }
0x79: {  	_ =	shalt  }
0x7a: {  	_ =	shalt  }
0x7b: {  	_ =	shalt  }
0x7c: {  	_ =	shalt  }
0x7d: {  	_ =	shalt  }
0x7e: {  	_ =	shalt  }
0x7f: {  	_ =	shalt  }
0x80: {  	_ =	shalt  }
0x81: {  	_ =	shalt  }
0x82: {  	_ =	shalt  }
0x83: {  	_ =	shalt  }
0x84: {  	_ =	shalt  }
0x85: {  	_ =	shalt  }
0x86: {  	_ =	shalt  }
0x87: {  	_ =	shalt  }
.Lfunc_end0:
.L_simem_size_0:
called_computation.1_lowered:
.L_overlay_start_0:
0x88: {  	s2 =	sld [smem:$0x3FD9]  }
0x89: {  	s3 =	sld [smem:$0x3FFE];
	_ =	sdelay $0x1  }
0x8a: {  	s1 =	srdreg.scid  }
0x8b: {  	s0 =	sand.u32 $0x1, s1  }
0x8c: {  	s15 =	sshll.u32 s0, $0xA;
	s2 =	sadd.s32 s3, s2  }
0x8d: {  	s2 =	sadd.s32 s2, s15  }
0x8e: {  	[smem:$0x3FBB] =	sst s2  }
0x8f: {  	_ = 	snop  }
0x90: {  	s2 =	sld [smem:$0x3FD0];
	_ =	sdelay $0x2  }
0x91: {  	s16 =	simm.s32 $0xB;
	s4 =	simm.s32 $0x10  }
0x92: {  	[smem:s4], [sflag:s16] =	dma.local [hbm:s2], $0x1  }
0x93: {  	_ =	swait.eq [sflag:s16], $0x1  }
0x94: {  	[sflag:s16] =	ssyncset.done $0x0  }
0x95: {  	[sflag:s16] =	ssyncadd.s32 $0xFFFFFFFF  }
0x96: {  	s17 =	sld [smem:$0x11];
	(tm) =	ssettm $0x1  }
0x97: {  	s18 =	sld [smem:$0x3FFB];
	_ =	sdelay $0x3  }
0x98: {  	_ =	strace s18  }
0x99: {  	s2 =	sld [smem:$0x3FFC];
	_ =	sdelay $0x3  }
0x9a: {  	_ =	strace s2  }
0x9b: {  	s2 =	sld [smem:$0x3FFD];
	_ =	sdelay $0x3  }
0x9c: {  	_ =	strace s2  }
0x9d: {  	_ =	strace $0x8FFFFFFF  }
0x9e: {  	s19 =	sld [smem:$0x3FDB];
	_ =	sdelay $0x1  }
0x9f: {  	s20 =	simm.s32 $_scs_section_size  }
0xa0: {  	s5 =	simm.s32 $_size__tile_overlayer_lowered;
	s6 =	simm.s32 $_tile_overlayer_lowered  }
0xa1: {  	s7 =	simm.s32 $0x1BFF;
	s21 =	sshll.u32 s6, $0x1;
	s4 =	sadd.s32 s20, s19  }
0xa2: {  	s22 =	simm.s32 $0x0;
	s5 =	sshll.u32 s5, $0x1;
	s6 =	sadd.s32 s21, s4  }
0xa3: {  	[timem:s22], [sflag:s7] =	dma.local [hbm:s6], s5  }
0xa4: {  	_ =	swait.ge [sflag:s7], s5  }
0xa5: {  	s5 =	ssub.s32 $0x0, s5;
	[sflag:s7] =	ssyncset.done $0x0  }
0xa6: {  	[sflag:s7] =	ssyncadd.s32 s5;
	_ =	sdelay $0x1  }
0xa7: {  	s23 =	simm.s32 $0x1B8B  }
0xa8: {  	_ =	swait.ge [sflag:s23], $0x1  }
0xa9: {  	[sflag:s23] =	ssyncset.done $0x0  }
0xaa: {  	[sflag:s23] =	ssyncadd.s32 $0xFFFFFFFF  }
0xab: {  	s5 =	sld [smem:$0x0]  }
0xac: {  	s6 =	sand.u32 $0xFFFFFFFE, s1  }
0xad: {  	p0 =	sne.s32 s1, s6  }
0xae: {  	s6 =	sshll.u32 @p0 s6, $0xE  }
0xaf: {  	s6 =	sadd.s32 @p0 $0x11B8D, s6;
	s7 =	sshll.u32 @p0 s5, $0x11  }
0xb0: {  	s6 =	sor.u32 @p0 s7, s6  }
0xb1: {  	[sflag:s6] =	ssyncadd.remote.s32 @p0 $0x1;
	_ =	sdelay $0x1  }
0xb2: {  	s6 =	simm.s32 @p0 $0x1B8D  }
0xb3: {  	_ =	swait.eq @p0 [sflag:s6], $0x1  }
0xb4: {  	[sflag:s6] =	ssyncadd.s32 @p0 $0xFFFFFFFF  }
0xb5: {  	s7 =	sshll.u32 @!p0 s1, $0xE  }
0xb6: {  	s7 =	sor.u32 @!p0 $0x4000, s7;
	s6 =	simm.s32 @!p0 $0x1B8D  }
0xb7: {  	s5 =	sshll.u32 @!p0 s5, $0x11;
	s7 =	sadd.s32 @!p0 $0x11B8D, s7;
	_ =	swait.eq @!p0 [sflag:s6], $0x1  }
0xb8: {  	s5 =	sor.u32 @!p0 s5, s7;
	[sflag:s6] =	ssyncadd.s32 @!p0 $0xFFFFFFFF  }
0xb9: {  	s25 =	simm.s32 $0x1B8E;
	s24 =	sld [smem:$0x3FFE];
	[sflag:s5] =	ssyncadd.remote.s32 @!p0 $0x1  }
0xba: {  	s26 =	simm.s32 $execute0_lowered;
	[smem:$0x3FD2] =	sst s25  }
0xbb: {  	s6 =	sshll.u32 s26, $0x1;
	_ =	strace $0x80000049;
	[dreg:$0x1] =	wrdreg $0xFFFFFFFF  }
0xbc: {  	s28 =	simm.s32 $_size_execute0_lowered;
	s4 =	sadd.s32 s4, s6;
	[dreg:$0x0] =	wrdreg $0x0  }
0xbd: {  	s6 =	sshll.u32 s28, $0x1;
	[dreg:$0x2] =	wrdreg s4  }
0xbe: {  	[dreg:$0x3] =	wrdreg s6  }
0xbf: {  	[dreg:$0x4] =	wrdreg $0xC0  }
0xc0: {  	_ =	task [dreg:s22], $0x5FFFF  }
0xc1: {  	[dreg:$0x1] =	wrdreg $0xFFFFFFFF  }
0xc2: {  	[dreg:$0x0] =	wrdreg $0x60  }
0xc3: {  	[dreg:$0x2] =	wrdreg s24  }
0xc4: {  	[dreg:$0x3] =	wrdreg s17  }
0xc5: {  	[dreg:$0x4] =	wrdreg $0xA  }
0xc6: {  	_ =	task.clear_ibuf [dreg:s22], $0x5FFFF;
	_ =	strace $0x90000049  }
0xc7: {  	s29 =	simm.s32 $0xA;
	_ =	strace $0x8000004B  }
0xc8: {  	_ =	swait.ge [sflag:s29], $0x1  }
0xc9: {  	[sflag:s29] =	ssyncadd.s32 $0xFFFFFFFF  }
0xca: {  	_ =	strace $0x9000004B  }
0xcb: {  	_ =	sfence  }
0xcc: {  	s30 =	sld [smem:$0x0];
	_ =	sdelay $0x2  }
0xcd: {  	s31 =	sshll.u32 s1, $0xD;
	s1 =	sshrl.u32 s1, $0x2  }
0xce: {  	s4 =	sand.u32 $0x4000, s31;
	s1 =	sadd.s32 s1, s30  }
0xcf: {  	s0 =	sor.u32 s4, s0;
	s1 =	sshll.u32 s1, $0x11  }
0xd0: {  	s0 =	sor.u32 s1, s0  }
0xd1: {  	s0 =	sadd.s32 $0x8F2B, s0  }
0xd2: {  	[sflag:s0] =	ssyncadd.remote.s32 $0x1  }
0xd3: {  	_ =	sfence.sel $0xFFFF  }
0xd4: {  	[dreg:$0x0] =	wrdreg $0xFFFFFFFF;
	(pc) =	sbr.abs _section_cstart, $3  }
0xd5: {  	[dreg:$0x1] =	wrdreg $0xFFFFFFFF  }
0xd6: {  	_ =	task.clear_ibuf [dreg:s22], $0x2FFFF;
	_ =	strace $0x9FFFFFFF  }
0xd7: {  	(tm) =	ssettm $0x7FFFFFFF  }
tec
execute0_lowered:
.L_overlay_start_1:
0x0: {  	(tag) =	ssettag $0x1  }
0x1: {  	s1 =	srdreg.scid  }
0x2: {  	s11 =	rddreg [dreg:$0x0];
	s0 =	stileid.u32;
	s29 =	sand.u32 $0x1, s1  }
0x3: {  	s2 =	rddreg [dreg:$0x1];
	s4 =	sshll.u32 s0, $0xC;
	s5 =	sshll.u32 s29, $0xB  }
0x4: {  	s3 =	simm.s32 $0x0;
	s1 =	rddreg [dreg:$0x2];
	s26 =	sor.u32 s5, s4  }
0x5: {  	[smem:$0x7FF] =	sst s3;
	s25 =	sadd.s32 $0x106600, s11;
	s4 =	sshrl.u32 s26, $0x3  }
0x6: {  	_ =	strace $0x8000004A;
	s5 =	simm.s32 $0x5;
	s4 =	sadd.s32 s25, s4  }
0x7: {  	[tilespmem:s3], [sflag:$0x5] =	stream.linear.gather [hbm4b:s4+s3], $0x100, $0x38;
	[tilespmem:$0x10200] =	vst v63  }
0x8: {  	_ =	swait.ge [sflag:s5], $0x100  }
0x9: {  	s6 =	simm.s32 $0x100;
	s15 =	sor.u32 $0x100, s26;
	[sflag:s5] =	ssyncset.done $0x0  }
0xa: {  	s7 =	simm.s32 $0x200;
	s8 =	sshrl.u32 s15, $0x3;
	[sflag:s5] =	ssyncadd.s32 $0xFFFFFF00  }
0xb: {  	[tilespmem:s7], [sflag:$0x1] =	stream.indirect.gather [hbm4b:s2+s6], $0x80, s3, s6, $0xb8;
	[tilespmem:$0x10200] =	vst v63  }
0xc: {  	s8 =	sadd.s32 s25, s8  }
0xd: {  	[tilespmem:s6], [sflag:$0x5] =	stream.linear.gather [hbm4b:s8+s3], $0x100, $0x38;
	[tilespmem:$0x10200] =	vst v63  }
0xe: {  	_ =	swait.ge [sflag:s5], $0x100  }
0xf: {  	[sflag:s5] =	ssyncset.done $0x0  }
0x10: {  	s9 =	simm.s32 $0x8200;
	s10 =	simm.s32 $0x1;
	[sflag:s5] =	ssyncadd.s32 $0xFFFFFF00  }
0x11: {  	[tilespmem:s9], [sflag:$0x2] =	stream.indirect.gather [hbm4b:s2+s6], $0x80, s6, s6, $0xb8;
	[tilespmem:$0x10200] =	vst v63  }
0x12: {  	s28 =	sadd.s32 $0x108600, s11;
	_ =	swait.ge [sflag:s10], $0x8000  }
0x13: {  	s24 =	sshll.u32 s26, $0x4;
	s18 =	sor.u32 $0x200, s26;
	[sflag:s10] =	ssyncset.done $0x0  }
0x14: {  	s11 =	sadd.s32 s28, s24;
	s12 =	sshrl.u32 s18, $0x3;
	[sflag:s10] =	ssyncadd.s32 $0xFFFF8000  }
0x15: {  	[hbm4b:s11+s3] =	stream.linear.scatter [tilespmem:s7], [sflag:$0x3], $0x8000, $0x38;
	[tilespmem:$0x10200] =	vst v63  }
0x16: {  	s12 =	sadd.s32 s25, s12  }
0x17: {  	[tilespmem:s3], [sflag:$0x5] =	stream.linear.gather [hbm4b:s12+s3], $0x100, $0x38;
	[tilespmem:$0x10200] =	vst v63  }
0x18: {  	_ =	swait.ge [sflag:s5], $0x100  }
0x19: {  	[sflag:s5] =	ssyncset.done $0x0  }
0x1a: {  	s13 =	simm.s32 $0x3;
	[sflag:s5] =	ssyncadd.s32 $0xFFFFFF00  }
0x1b: {  	_ =	swait.ge [sflag:s13], $0x8000  }
0x1c: {  	[sflag:s13] =	ssyncset.done $0x0  }
0x1d: {  	s14 =	simm.s32 $0x2;
	[sflag:s13] =	ssyncadd.s32 $0xFFFF8000  }
0x1e: {  	[tilespmem:s7], [sflag:$0x1] =	stream.indirect.gather [hbm4b:s2+s6], $0x80, s3, s6, $0xb8;
	[tilespmem:$0x10200] =	vst v63  }
0x1f: {  	_ =	swait.ge [sflag:s14], $0x8000  }
0x20: {  	s20 =	sor.u32 $0x300, s26;
	s15 =	sshll.u32 s15, $0x4;
	[sflag:s14] =	ssyncset.done $0x0  }
0x21: {  	s16 =	sshrl.u32 s20, $0x3;
	s15 =	sadd.s32 s28, s15;
	[sflag:s14] =	ssyncadd.s32 $0xFFFF8000  }
0x22: {  	[hbm4b:s15+s3] =	stream.linear.scatter [tilespmem:s9], [sflag:$0x4], $0x8000, $0x38;
	[tilespmem:$0x10200] =	vst v63  }
0x23: {  	s16 =	sadd.s32 s25, s16  }
0x24: {  	[tilespmem:s6], [sflag:$0x5] =	stream.linear.gather [hbm4b:s16+s3], $0x100, $0x38;
	[tilespmem:$0x10200] =	vst v63  }
0x25: {  	_ =	swait.ge [sflag:s5], $0x100  }
0x26: {  	[sflag:s5] =	ssyncset.done $0x0  }
0x27: {  	s17 =	simm.s32 $0x4;
	[sflag:s5] =	ssyncadd.s32 $0xFFFFFF00  }
0x28: {  	_ =	swait.ge [sflag:s17], $0x8000  }
0x29: {  	[sflag:s17] =	ssyncset.done $0x0  }
0x2a: {  	[sflag:s17] =	ssyncadd.s32 $0xFFFF8000  }
0x2b: {  	[tilespmem:s9], [sflag:$0x2] =	stream.indirect.gather [hbm4b:s2+s6], $0x80, s6, s6, $0xb8;
	[tilespmem:$0x10200] =	vst v63  }
0x2c: {  	_ =	swait.ge [sflag:s10], $0x8000  }
0x2d: {  	s22 =	sor.u32 $0x400, s26;
	s18 =	sshll.u32 s18, $0x4;
	[sflag:s10] =	ssyncset.done $0x0  }
0x2e: {  	s19 =	sshrl.u32 s22, $0x3;
	s18 =	sadd.s32 s28, s18;
	[sflag:s10] =	ssyncadd.s32 $0xFFFF8000  }
0x2f: {  	[hbm4b:s18+s3] =	stream.linear.scatter [tilespmem:s7], [sflag:$0x3], $0x8000, $0x38;
	[tilespmem:$0x10200] =	vst v63  }
0x30: {  	s19 =	sadd.s32 s25, s19  }
0x31: {  	[tilespmem:s3], [sflag:$0x5] =	stream.linear.gather [hbm4b:s19+s3], $0x100, $0x38;
	[tilespmem:$0x10200] =	vst v63  }
0x32: {  	_ =	swait.ge [sflag:s5], $0x100  }
0x33: {  	[sflag:s5] =	ssyncset.done $0x0  }
0x34: {  	[sflag:s5] =	ssyncadd.s32 $0xFFFFFF00  }
0x35: {  	_ =	swait.ge [sflag:s13], $0x8000  }
0x36: {  	[sflag:s13] =	ssyncset.done $0x0  }
0x37: {  	[sflag:s13] =	ssyncadd.s32 $0xFFFF8000  }
0x38: {  	[tilespmem:s7], [sflag:$0x1] =	stream.indirect.gather [hbm4b:s2+s6], $0x80, s3, s6, $0xb8;
	[tilespmem:$0x10200] =	vst v63  }
0x39: {  	_ =	swait.ge [sflag:s14], $0x8000  }
0x3a: {  	s20 =	sshll.u32 s20, $0x4;
	s24 =	sor.u32 $0x500, s26;
	[sflag:s14] =	ssyncset.done $0x0  }
0x3b: {  	s20 =	sadd.s32 s28, s20;
	s21 =	sshrl.u32 s24, $0x3;
	[sflag:s14] =	ssyncadd.s32 $0xFFFF8000  }
0x3c: {  	[hbm4b:s20+s3] =	stream.linear.scatter [tilespmem:s9], [sflag:$0x4], $0x8000, $0x38;
	[tilespmem:$0x10200] =	vst v63  }
0x3d: {  	s21 =	sadd.s32 s25, s21  }
0x3e: {  	[tilespmem:s6], [sflag:$0x5] =	stream.linear.gather [hbm4b:s21+s3], $0x100, $0x38;
	[tilespmem:$0x10200] =	vst v63  }
0x3f: {  	_ =	swait.ge [sflag:s5], $0x100  }
0x40: {  	[sflag:s5] =	ssyncset.done $0x0  }
0x41: {  	[sflag:s5] =	ssyncadd.s32 $0xFFFFFF00  }
0x42: {  	_ =	swait.ge [sflag:s17], $0x8000  }
0x43: {  	[sflag:s17] =	ssyncset.done $0x0  }
0x44: {  	[sflag:s17] =	ssyncadd.s32 $0xFFFF8000  }
0x45: {  	[tilespmem:s9], [sflag:$0x2] =	stream.indirect.gather [hbm4b:s2+s6], $0x80, s6, s6, $0xb8;
	[tilespmem:$0x10200] =	vst v63  }
0x46: {  	_ =	swait.ge [sflag:s10], $0x8000  }
0x47: {  	s30 =	sor.u32 $0x600, s26;
	s22 =	sshll.u32 s22, $0x4;
	[sflag:s10] =	ssyncset.done $0x0  }
0x48: {  	s23 =	sshrl.u32 s30, $0x3;
	s22 =	sadd.s32 s28, s22;
	[sflag:s10] =	ssyncadd.s32 $0xFFFF8000  }
0x49: {  	[hbm4b:s22+s3] =	stream.linear.scatter [tilespmem:s7], [sflag:$0x3], $0x8000, $0x38;
	[tilespmem:$0x10200] =	vst v63  }
0x4a: {  	s23 =	sadd.s32 s25, s23  }
0x4b: {  	[tilespmem:s3], [sflag:$0x5] =	stream.linear.gather [hbm4b:s23+s3], $0x100, $0x38;
	[tilespmem:$0x10200] =	vst v63  }
0x4c: {  	_ =	swait.ge [sflag:s5], $0x100  }
0x4d: {  	[sflag:s5] =	ssyncset.done $0x0  }
0x4e: {  	[sflag:s5] =	ssyncadd.s32 $0xFFFFFF00  }
0x4f: {  	_ =	swait.ge [sflag:s13], $0x8000  }
0x50: {  	[sflag:s13] =	ssyncset.done $0x0  }
0x51: {  	[sflag:s13] =	ssyncadd.s32 $0xFFFF8000  }
0x52: {  	[tilespmem:s7], [sflag:$0x1] =	stream.indirect.gather [hbm4b:s2+s6], $0x80, s3, s6, $0xb8;
	[tilespmem:$0x10200] =	vst v63  }
0x53: {  	_ =	swait.ge [sflag:s14], $0x8000  }
0x54: {  	s31 =	sor.u32 $0x700, s26;
	s24 =	sshll.u32 s24, $0x4;
	[sflag:s14] =	ssyncset.done $0x0  }
0x55: {  	s26 =	sshrl.u32 s31, $0x3;
	s24 =	sadd.s32 s28, s24;
	[sflag:s14] =	ssyncadd.s32 $0xFFFF8000  }
0x56: {  	[hbm4b:s24+s3] =	stream.linear.scatter [tilespmem:s9], [sflag:$0x4], $0x8000, $0x38;
	[tilespmem:$0x10200] =	vst v63  }
0x57: {  	s25 =	sadd.s32 s25, s26  }
0x58: {  	[tilespmem:s6], [sflag:$0x5] =	stream.linear.gather [hbm4b:s25+s3], $0x100, $0x38;
	[tilespmem:$0x10200] =	vst v63  }
0x59: {  	_ =	swait.ge [sflag:s5], $0x100  }
0x5a: {  	[sflag:s5] =	ssyncset.done $0x0  }
0x5b: {  	[sflag:s5] =	ssyncadd.s32 $0xFFFFFF00  }
0x5c: {  	_ =	swait.ge [sflag:s17], $0x8000  }
0x5d: {  	[sflag:s17] =	ssyncset.done $0x0  }
0x5e: {  	[sflag:s17] =	ssyncadd.s32 $0xFFFF8000  }
0x5f: {  	[tilespmem:s9], [sflag:$0x2] =	stream.indirect.gather [hbm4b:s2+s6], $0x80, s6, s6, $0xb8;
	[tilespmem:$0x10200] =	vst v63  }
0x60: {  	s29 =	ssub.s32 $0x2, s29;
	s30 =	sshll.u32 s30, $0x4;
	_ =	swait.ge [sflag:s10], $0x8000  }
0x61: {  	s31 =	sshll.u32 s31, $0x4;
	s26 =	sadd.s32 s28, s30;
	[sflag:s10] =	ssyncset.done $0x0  }
0x62: {  	s28 =	sadd.s32 s28, s31;
	s31 =	sshrl.u32 s29, $0x1;
	[sflag:s10] =	ssyncadd.s32 $0xFFFF8000  }
0x63: {  	[hbm4b:s26+s3] =	stream.linear.scatter [tilespmem:s7], [sflag:$0x3], $0x8000, $0x38;
	[tilespmem:$0x10200] =	vst v63  }
0x64: {  	s29 =	ssub.s32 s29, s31;
	_ =	swait.ge [sflag:s14], $0x8000  }
0x65: {  	s29 =	smax.u32 s29, $0x1;
	[sflag:s14] =	ssyncset.done $0x0  }
0x66: {  	p0 =	sne.s32 s29, $0x1;
	[sflag:s14] =	ssyncadd.s32 $0xFFFF8000  }
0x67: {  	[hbm4b:s28+s3] =	stream.linear.scatter [tilespmem:s9], [sflag:$0x4], $0x8000, $0x38;
	[tilespmem:$0x10200] =	vst v63  }
.Ltmp0:
0x68: {  	_ =	swait.ge [sflag:s17], $0x8000;
	(pc) =	sbr.rel @!p0 .LBB2_2-.Ltmp0, $4  }
0x69: {  	[sflag:s17] =	ssyncset.done $0x0  }
0x6a: {  	[sflag:s17] =	ssyncadd.s32 $0xFFFF8000  }
0x6b: {  	_ =	swait.ge [sflag:s13], $0x8000  }
0x6c: {  	s29 =	sadd.s32 $0xFFFFFFFF, s29;
	[sflag:s13] =	ssyncset.done $0x0  }
.LBB2_1:
0x6d: {  	p0 =	sne.s32 s29, $0x1;
	s29 =	sadd.s32 $0xFFFFFFFF, s29;
	[sflag:s13] =	ssyncadd.s32 $0xFFFF8000  }
0x6e: {  	[tilespmem:s3], [sflag:$0x5] =	stream.linear.gather [hbm4b:s4+s3], $0x100, $0x38;
	[tilespmem:$0x10200] =	vst v63  }
0x6f: {  	_ =	swait.ge [sflag:s5], $0x100  }
0x70: {  	[sflag:s5] =	ssyncset.done $0x0  }
0x71: {  	[sflag:s5] =	ssyncadd.s32 $0xFFFFFF00  }
0x72: {  	[tilespmem:s7], [sflag:$0x1] =	stream.indirect.gather [hbm4b:s2+s6], $0x80, s3, s6, $0xb8;
	[tilespmem:$0x10200] =	vst v63  }
0x73: {  	_ = 	snop  }
0x74: {  	[tilespmem:s6], [sflag:$0x5] =	stream.linear.gather [hbm4b:s8+s3], $0x100, $0x38;
	[tilespmem:$0x10200] =	vst v63  }
0x75: {  	_ =	swait.ge [sflag:s5], $0x100  }
0x76: {  	[sflag:s5] =	ssyncset.done $0x0  }
0x77: {  	[sflag:s5] =	ssyncadd.s32 $0xFFFFFF00  }
0x78: {  	[tilespmem:s9], [sflag:$0x2] =	stream.indirect.gather [hbm4b:s2+s6], $0x80, s6, s6, $0xb8;
	[tilespmem:$0x10200] =	vst v63  }
0x79: {  	_ =	swait.ge [sflag:s10], $0x8000  }
0x7a: {  	[sflag:s10] =	ssyncset.done $0x0  }
0x7b: {  	[sflag:s10] =	ssyncadd.s32 $0xFFFF8000  }
0x7c: {  	[hbm4b:s11+s3] =	stream.linear.scatter [tilespmem:s7], [sflag:$0x3], $0x8000, $0x38;
	[tilespmem:$0x10200] =	vst v63  }
0x7d: {  	_ = 	snop  }
0x7e: {  	[tilespmem:s3], [sflag:$0x5] =	stream.linear.gather [hbm4b:s12+s3], $0x100, $0x38;
	[tilespmem:$0x10200] =	vst v63  }
0x7f: {  	_ =	swait.ge [sflag:s5], $0x100  }
0x80: {  	[sflag:s5] =	ssyncset.done $0x0  }
0x81: {  	[sflag:s5] =	ssyncadd.s32 $0xFFFFFF00  }
0x82: {  	_ =	swait.ge [sflag:s13], $0x8000  }
0x83: {  	[sflag:s13] =	ssyncset.done $0x0  }
0x84: {  	[sflag:s13] =	ssyncadd.s32 $0xFFFF8000  }
0x85: {  	[tilespmem:s7], [sflag:$0x1] =	stream.indirect.gather [hbm4b:s2+s6], $0x80, s3, s6, $0xb8;
	[tilespmem:$0x10200] =	vst v63  }
0x86: {  	_ =	swait.ge [sflag:s14], $0x8000  }
0x87: {  	[sflag:s14] =	ssyncset.done $0x0  }
0x88: {  	[sflag:s14] =	ssyncadd.s32 $0xFFFF8000  }
0x89: {  	[hbm4b:s15+s3] =	stream.linear.scatter [tilespmem:s9], [sflag:$0x4], $0x8000, $0x38;
	[tilespmem:$0x10200] =	vst v63  }
0x8a: {  	_ = 	snop  }
0x8b: {  	[tilespmem:s6], [sflag:$0x5] =	stream.linear.gather [hbm4b:s16+s3], $0x100, $0x38;
	[tilespmem:$0x10200] =	vst v63  }
0x8c: {  	_ =	swait.ge [sflag:s5], $0x100  }
0x8d: {  	[sflag:s5] =	ssyncset.done $0x0  }
0x8e: {  	[sflag:s5] =	ssyncadd.s32 $0xFFFFFF00  }
0x8f: {  	_ =	swait.ge [sflag:s17], $0x8000  }
0x90: {  	[sflag:s17] =	ssyncset.done $0x0  }
0x91: {  	[sflag:s17] =	ssyncadd.s32 $0xFFFF8000  }
0x92: {  	[tilespmem:s9], [sflag:$0x2] =	stream.indirect.gather [hbm4b:s2+s6], $0x80, s6, s6, $0xb8;
	[tilespmem:$0x10200] =	vst v63  }
0x93: {  	_ =	swait.ge [sflag:s10], $0x8000  }
0x94: {  	[sflag:s10] =	ssyncset.done $0x0  }
0x95: {  	[sflag:s10] =	ssyncadd.s32 $0xFFFF8000  }
0x96: {  	[hbm4b:s18+s3] =	stream.linear.scatter [tilespmem:s7], [sflag:$0x3], $0x8000, $0x38;
	[tilespmem:$0x10200] =	vst v63  }
0x97: {  	_ = 	snop  }
0x98: {  	[tilespmem:s3], [sflag:$0x5] =	stream.linear.gather [hbm4b:s19+s3], $0x100, $0x38;
	[tilespmem:$0x10200] =	vst v63  }
0x99: {  	_ =	swait.ge [sflag:s5], $0x100  }
0x9a: {  	[sflag:s5] =	ssyncset.done $0x0  }
0x9b: {  	[sflag:s5] =	ssyncadd.s32 $0xFFFFFF00  }
0x9c: {  	_ =	swait.ge [sflag:s13], $0x8000  }
0x9d: {  	[sflag:s13] =	ssyncset.done $0x0  }
0x9e: {  	[sflag:s13] =	ssyncadd.s32 $0xFFFF8000  }
0x9f: {  	[tilespmem:s7], [sflag:$0x1] =	stream.indirect.gather [hbm4b:s2+s6], $0x80, s3, s6, $0xb8;
	[tilespmem:$0x10200] =	vst v63  }
0xa0: {  	_ =	swait.ge [sflag:s14], $0x8000  }
0xa1: {  	[sflag:s14] =	ssyncset.done $0x0  }
0xa2: {  	[sflag:s14] =	ssyncadd.s32 $0xFFFF8000  }
0xa3: {  	[hbm4b:s20+s3] =	stream.linear.scatter [tilespmem:s9], [sflag:$0x4], $0x8000, $0x38;
	[tilespmem:$0x10200] =	vst v63  }
0xa4: {  	_ = 	snop  }
0xa5: {  	[tilespmem:s6], [sflag:$0x5] =	stream.linear.gather [hbm4b:s21+s3], $0x100, $0x38;
	[tilespmem:$0x10200] =	vst v63  }
0xa6: {  	_ =	swait.ge [sflag:s5], $0x100  }
0xa7: {  	[sflag:s5] =	ssyncset.done $0x0  }
0xa8: {  	[sflag:s5] =	ssyncadd.s32 $0xFFFFFF00  }
0xa9: {  	_ =	swait.ge [sflag:s17], $0x8000  }
0xaa: {  	[sflag:s17] =	ssyncset.done $0x0  }
0xab: {  	[sflag:s17] =	ssyncadd.s32 $0xFFFF8000  }
0xac: {  	[tilespmem:s9], [sflag:$0x2] =	stream.indirect.gather [hbm4b:s2+s6], $0x80, s6, s6, $0xb8;
	[tilespmem:$0x10200] =	vst v63  }
0xad: {  	_ =	swait.ge [sflag:s10], $0x8000  }
0xae: {  	[sflag:s10] =	ssyncset.done $0x0  }
0xaf: {  	[sflag:s10] =	ssyncadd.s32 $0xFFFF8000  }
0xb0: {  	[hbm4b:s22+s3] =	stream.linear.scatter [tilespmem:s7], [sflag:$0x3], $0x8000, $0x38;
	[tilespmem:$0x10200] =	vst v63  }
0xb1: {  	_ = 	snop  }
0xb2: {  	[tilespmem:s3], [sflag:$0x5] =	stream.linear.gather [hbm4b:s23+s3], $0x100, $0x38;
	[tilespmem:$0x10200] =	vst v63  }
0xb3: {  	_ =	swait.ge [sflag:s5], $0x100  }
0xb4: {  	[sflag:s5] =	ssyncset.done $0x0  }
0xb5: {  	[sflag:s5] =	ssyncadd.s32 $0xFFFFFF00  }
0xb6: {  	_ =	swait.ge [sflag:s13], $0x8000  }
0xb7: {  	[sflag:s13] =	ssyncset.done $0x0  }
0xb8: {  	[sflag:s13] =	ssyncadd.s32 $0xFFFF8000  }
0xb9: {  	[tilespmem:s7], [sflag:$0x1] =	stream.indirect.gather [hbm4b:s2+s6], $0x80, s3, s6, $0xb8;
	[tilespmem:$0x10200] =	vst v63  }
0xba: {  	_ =	swait.ge [sflag:s14], $0x8000  }
0xbb: {  	[sflag:s14] =	ssyncset.done $0x0  }
0xbc: {  	[sflag:s14] =	ssyncadd.s32 $0xFFFF8000  }
0xbd: {  	[hbm4b:s24+s3] =	stream.linear.scatter [tilespmem:s9], [sflag:$0x4], $0x8000, $0x38;
	[tilespmem:$0x10200] =	vst v63  }
0xbe: {  	_ = 	snop  }
0xbf: {  	[tilespmem:s6], [sflag:$0x5] =	stream.linear.gather [hbm4b:s25+s3], $0x100, $0x38;
	[tilespmem:$0x10200] =	vst v63  }
0xc0: {  	_ =	swait.ge [sflag:s5], $0x100  }
0xc1: {  	[sflag:s5] =	ssyncset.done $0x0  }
0xc2: {  	[sflag:s5] =	ssyncadd.s32 $0xFFFFFF00  }
0xc3: {  	_ =	swait.ge [sflag:s17], $0x8000  }
0xc4: {  	[sflag:s17] =	ssyncset.done $0x0  }
0xc5: {  	[sflag:s17] =	ssyncadd.s32 $0xFFFF8000  }
0xc6: {  	[tilespmem:s9], [sflag:$0x2] =	stream.indirect.gather [hbm4b:s2+s6], $0x80, s6, s6, $0xb8;
	[tilespmem:$0x10200] =	vst v63  }
0xc7: {  	_ =	swait.ge [sflag:s10], $0x8000  }
0xc8: {  	[sflag:s10] =	ssyncset.done $0x0  }
0xc9: {  	[sflag:s10] =	ssyncadd.s32 $0xFFFF8000  }
0xca: {  	[hbm4b:s26+s3] =	stream.linear.scatter [tilespmem:s7], [sflag:$0x3], $0x8000, $0x38;
	[tilespmem:$0x10200] =	vst v63  }
0xcb: {  	_ =	swait.ge [sflag:s14], $0x8000  }
0xcc: {  	[sflag:s14] =	ssyncset.done $0x0  }
0xcd: {  	[sflag:s14] =	ssyncadd.s32 $0xFFFF8000  }
0xce: {  	[hbm4b:s28+s3] =	stream.linear.scatter [tilespmem:s9], [sflag:$0x4], $0x8000, $0x38;
	[tilespmem:$0x10200] =	vst v63  }
.Ltmp1:
0xcf: {  	_ =	swait.ge [sflag:s17], $0x8000;
	(pc) =	sbr.rel @p0 .LBB2_1-.Ltmp1, $4  }
0xd0: {  	[sflag:s17] =	ssyncset.done $0x0  }
0xd1: {  	[sflag:s17] =	ssyncadd.s32 $0xFFFF8000  }
0xd2: {  	_ =	swait.ge [sflag:s13], $0x8000  }
0xd3: {  	[sflag:s13] =	ssyncset.done $0x0  }
.LBB2_2:
0xd4: {  	[sflag:s13] =	ssyncadd.s32 $0xFFFF8000  }
0xd5: {  	_ =	sfence.sel $0x180000  }
0xd6: {  	[bflag:$0x0] =	sbarrier.arrive $0xFFFF  }
0xd7: {  	p0 =	sne.s32 s0, $0x0;
	_ =	strace $0x9000004A  }
0xd8: {  	s0 =	sadd.s32 @!p0 $0x100000, s1;
	[bflag:$0x2] =	sbarrier.arrive $0xFFFF  }
0xd9: {  	[sflag:s0] =	ssyncadd.tile.s32 @!p0 $0x1;
	_ =	shalt  }
.Lfunc_end2:
_tile_overlayer_lowered:
.L_overlay_start_2:
0xda: {  	(tag) =	ssettag $0x2  }
0xdb: {  	s0 =	rddreg [dreg:$0x0];
	s2 =	stileid.u32  }
0xdc: {  	s1 =	rddreg [dreg:$0x1];
	p0 =	sne.s32 s2, $0x0  }
0xdd: {  	s3 =	rddreg [dreg:$0x2];
	[bflag:$0x3] =	sbarrier.arrive $0xFFFF;
	s2 =	simm.s32 @!p0 $0x1C05  }
0xde: {  	[timem:s3], [sflag:s2] =	dma.local @!p0 [hbm:s0], s1  }
0xdf: {  	s0 =	simm.s32 @!p0 $0x5  }
0xe0: {  	_ =	swait.ge @!p0 [sflag:s0], s1  }
0xe1: {  	s1 =	ssub.s32 @!p0 $0x0, s1;
	[sflag:s0] =	ssyncset.done @!p0 $0x0  }
0xe2: {  	[sflag:s0] =	ssyncadd.s32 @!p0 s1  }
0xe3: {  	[bflag:$0x3] =	sbarrier.arrive $0xFFFF  }
0xe4: {  	_ =	shalt  }

</sc_bundles>
